<compile_context>
chip_gen: v7x
topology: tpu7x:2x2x1
jax: 0.10.2.dev20260603
libtpu: 0.0.44.dev20260713+nightly
codegen_flags: <defaults>
</compile_context>

<pallas_src>
import jax
import jax.numpy as jnp
from jax import lax
from jax.experimental import pallas as pl
from jax.experimental.pallas import tpu as pltpu
from jax.experimental.pallas import tpu_sc as plsc

_VOCAB = 1000000
_HID = 64
_BATCH = 4096
_HIST = 200
_NUM_IDX = _BATCH * _HIST
_SPLITS = ((0, 104), (104, 96))
_NC, _NS = 2, 16
_NW = _NC * _NS
_ROWS_W = _BATCH // _NW
_BB = 8
_BROWS = _BB * _HIST
_NBURST = _ROWS_W // _BB
_NBUF = 2


def _gather_body(idx_hbm, tab_hbm, out_hbm, idx_v, rows_v, isem, gsem, wsem):
    wid = lax.axis_index("s") * _NC + lax.axis_index("c")
    base = wid * _ROWS_W

    def idx_copy(b, bb0):
        off = pl.multiple_of(base + bb0, _BB)
        return pltpu.make_async_copy(
            idx_hbm.at[pl.ds(off, _BB)], idx_v.at[b], isem.at[b]
        )

    def wb_copy(b, bb0):
        off = pl.multiple_of((base + bb0) * _HIST, _BROWS)
        return pltpu.make_async_copy(
            rows_v.at[b], out_hbm.at[pl.ds(off, _BROWS)], wsem.at[b]
        )

    def gather_copy(b, r, half):
        lo, n = _SPLITS[half]
        return pltpu.make_async_copy(
            tab_hbm.at[idx_v.at[b, r, pl.ds(lo, n)]],
            rows_v.at[b, pl.ds(r * _HIST + lo, n)],
            gsem,
        )

    for b in range(_NBUF):
        idx_copy(b, b * _BB).start()

    def burst_pair(i, carry):
        for b in range(_NBUF):
            bb0 = (i * _NBUF + b) * _BB
            @pl.when(i > 0)
            def _():
                wb_copy(b, bb0).wait()

            idx_copy(b, bb0).wait()
            for r in range(_BB):
                gather_copy(b, r, 0).start()
                gather_copy(b, r, 1).start()
            for r in range(_BB):
                gather_copy(b, r, 0).wait()
                gather_copy(b, r, 1).wait()
            @pl.when(i + 1 < _NBURST // _NBUF)
            def _():
                idx_copy(b, bb0 + _NBUF * _BB).start()

            wb_copy(b, bb0).start()
        return carry

    lax.fori_loop(0, _NBURST // _NBUF, burst_pair, 0)
    last = (_NBURST - _NBUF) * _BB
    for b in range(_NBUF):
        wb_copy(b, last + b * _BB).wait()


_gather = pl.kernel(
    _gather_body,
    out_type=jax.ShapeDtypeStruct((_NUM_IDX, _HID), jnp.bfloat16),
    mesh=plsc.VectorSubcoreMesh(core_axis_name="c", subcore_axis_name="s"),
    scratch_types=[
        pltpu.VMEM((_NBUF, _BB, _HIST), jnp.int32),
        pltpu.VMEM((_NBUF, _BROWS, _HID), jnp.bfloat16),
        pltpu.SemaphoreType.DMA((_NBUF,)),
        pltpu.SemaphoreType.DMA,
        pltpu.SemaphoreType.DMA((_NBUF,)),
    ],
    compiler_params=pltpu.CompilerParams(use_tc_tiling_on_sc=False),
)


_PK = 4
_NPACK = _NUM_IDX // _PK
_BLKP = 12800


def _proj_body(h_ref, w_ref, b_ref, out_ref):
    acc = lax.dot_general(
        h_ref[...], w_ref[...], (((1,), (0,)), ((), ())),
        preferred_element_type=jnp.float32,
    )
    out_ref[...] = (acc + b_ref[...].astype(jnp.float32)).astype(jnp.bfloat16)


_proj = pl.pallas_call(
    _proj_body,
    grid=(_NPACK // _BLKP,),
    in_specs=[
        pl.BlockSpec((_BLKP, _PK * _HID), lambda i: (i, 0)),
        pl.BlockSpec((_PK * _HID, _PK * _HID), lambda i: (0, 0)),
        pl.BlockSpec((1, _PK * _HID), lambda i: (0, 0)),
    ],
    out_specs=pl.BlockSpec((_BLKP, _PK * _HID), lambda i: (i, 0)),
    out_shape=jax.ShapeDtypeStruct((_NPACK, _PK * _HID), jnp.bfloat16),
)


def kernel(x, table, W, b):
    h = _gather(x.astype(jnp.int32), table)
    hp = h.reshape(_NPACK, _PK * _HID)
    wt = W.T
    z = jnp.zeros_like(wt)
    w4 = jnp.block(
        [[wt if i == j else z for j in range(_PK)] for i in range(_PK)]
    )
    b4 = jnp.tile(b, _PK).reshape(1, _PK * _HID)
    out = _proj(hp, w4, b4)
    return out.reshape(_BATCH, _HIST, _HID)

# --- scband reference (transcript-rebuilt; emitter-appended) ---
"""Pipeline reference for scband-tiny-lm-14791867367426 (READ-ONLY COPY).

The authoritative reference and input builder live on the scoring server;
editing this copy changes nothing except your own understanding.
"""

import jax, jax.numpy as jnp
import numpy as np

VOCAB = 1000000
HIDDEN = 64
BATCH = 4096
HIST = 200


def setup_inputs(seed: int = 0) -> dict:
    key = jax.random.key(seed)
    k1, k2, k3, k4 = jax.random.split(key, 4)
    x = jax.random.randint(k1, (BATCH, HIST), 0, VOCAB, dtype=jnp.int64)
    # nn.Embedding default init: N(0, 1)
    table = jax.random.normal(k2, (VOCAB, HIDDEN), dtype=jnp.float32).astype(jnp.bfloat16)
    # nn.Linear default init: U(-1/sqrt(fan_in), 1/sqrt(fan_in))
    bound = 1.0 / np.sqrt(HIDDEN)
    W = jax.random.uniform(k3, (HIDDEN, HIDDEN), minval=-bound, maxval=bound, dtype=jnp.float32).astype(jnp.bfloat16)
    b = jax.random.uniform(k4, (HIDDEN,), minval=-bound, maxval=bound, dtype=jnp.float32).astype(jnp.bfloat16)
    return {"x": x, "table": table, "W": W, "b": b}


def reference(x, table, W, b):
    # embed: gather rows of the table
    h = jnp.take(table, x, axis=0)  # [B, L, H] bf16
    # proj: Linear(hidden, hidden) -> h @ W.T + b
    out = h @ W.T + b
    return out.astype(jnp.bfloat16)

if __name__ == "__main__":
    import jax
    _d = setup_inputs()
    print(jax.jit(kernel)(*tuple(_d.values())))

</pallas_src>

<mosaic_0001>
#map = affine_map<(d0, d1) -> (0, 0)>
module attributes {stable_mosaic.version = 14 : i64} {
  func.func @_gather_body(%arg0: i32, %arg1: i32, %arg2: memref<4096x200xi32, #tpu.memory_space<hbm>>, %arg3: memref<1000000x64xbf16, #tpu.memory_space<hbm>>, %arg4: memref<819200x64xbf16, #tpu.memory_space<hbm>>, %arg5: memref<2x8x200xi32, #tpu.memory_space<vmem>>, %arg6: memref<2x1600x64xbf16, #tpu.memory_space<vmem>>, %arg7: memref<2x!tpu.dma_semaphore, #tpu.memory_space<semaphore_mem>>, %arg8: memref<!tpu.dma_semaphore, #tpu.memory_space<semaphore_mem>>, %arg9: memref<2x!tpu.dma_semaphore, #tpu.memory_space<semaphore_mem>>) attributes {dimension_semantics = [#tpu.dimension_semantics<core_parallel>, #tpu.dimension_semantics<subcore_parallel>], iteration_bounds = array<i64: 2, 16>, scalar_prefetch = 0 : i64, scratch_operands = 5 : i64, tpu.core_type = #tpu.core_type<sc_vector_subcore>, window_params = [{transform_indices = #map}, {transform_indices = #map}, {transform_indices = #map}]} {
    %mul3A = arith.constant 2 : i32
    %mul3A_0 = arith.muli %arg1, %mul3A : i32
    %add3A = arith.addi %mul3A_0, %arg0 : i32
    %mul3A_1 = arith.constant 128 : i32
    %mul3A_2 = arith.muli %add3A, %mul3A_1 : i32
    %add3A_3 = arith.constant 0 : i32
    %add3A_4 = arith.addi %mul3A_2, %add3A_3 : i32
    %multiple_of3A = tpu.assume_multiple %add3A_4, 8 : i32
    %dma_start3A = arith.constant 0 : i32
    %dma_start3A_5 = arith.constant 0 : i32
    %dma_start3A_6 = arith.constant 0 : i32
    %dma_start3A_7 = arith.constant 0 : i32
    %dma_start3A_8 = tpu.memref_slice %arg5[%dma_start3A, %dma_start3A_6, %dma_start3A_7] : memref<2x8x200xi32, #tpu.memory_space<vmem>> -> memref<1x8x200xi32, #tpu.memory_space<vmem>>
    %dma_start3A_9 = tpu.memref_squeeze %dma_start3A_8 : memref<1x8x200xi32, #tpu.memory_space<vmem>> -> memref<8x200xi32, #tpu.memory_space<vmem>>
    %dma_start3A_10 = arith.constant 0 : i32
    %dma_start3A_11 = tpu.memref_slice %arg2[%multiple_of3A, %dma_start3A_10] : memref<4096x200xi32, #tpu.memory_space<hbm>> -> memref<8x200xi32, #tpu.memory_space<hbm>>
    %dma_start3A_12 = tpu.memref_slice %arg7[%dma_start3A_5] : memref<2x!tpu.dma_semaphore, #tpu.memory_space<semaphore_mem>> -> memref<1x!tpu.dma_semaphore, #tpu.memory_space<semaphore_mem>>
    %dma_start3A_13 = tpu.memref_squeeze %dma_start3A_12 : memref<1x!tpu.dma_semaphore, #tpu.memory_space<semaphore_mem>> -> memref<!tpu.dma_semaphore, #tpu.memory_space<semaphore_mem>>
    %dma_start3A_14 = arith.constant 0 : i32
    %dma_start3A_15 = arith.constant 0 : i32
    %dma_start3A_16 = tpu.memref_slice %arg5[%dma_start3A, %dma_start3A_14, %dma_start3A_15] : memref<2x8x200xi32, #tpu.memory_space<vmem>> -> memref<1x8x200xi32, #tpu.memory_space<vmem>>
    %dma_start3A_17 = tpu.memref_squeeze %dma_start3A_16 : memref<1x8x200xi32, #tpu.memory_space<vmem>> -> memref<8x200xi32, #tpu.memory_space<vmem>>
    %dma_start3A_18 = arith.constant 0 : i32
    %dma_start3A_19 = tpu.memref_slice %arg2[%multiple_of3A, %dma_start3A_18] : memref<4096x200xi32, #tpu.memory_space<hbm>> -> memref<8x200xi32, #tpu.memory_space<hbm>>
    tpu.enqueue_dma source(%dma_start3A_19 : memref<8x200xi32, #tpu.memory_space<hbm>>) target(%dma_start3A_17 : memref<8x200xi32, #tpu.memory_space<vmem>>) target_semaphore(%dma_start3A_13 : memref<!tpu.dma_semaphore, #tpu.memory_space<semaphore_mem>>)
    %add3A_20 = arith.constant 8 : i32
    %add3A_21 = arith.addi %mul3A_2, %add3A_20 : i32
    %multiple_of3A_22 = tpu.assume_multiple %add3A_21, 8 : i32
    %dma_start3A_23 = arith.constant 1 : i32
    %dma_start3A_24 = arith.constant 1 : i32
    %dma_start3A_25 = arith.constant 0 : i32
    %dma_start3A_26 = arith.constant 0 : i32
    %dma_start3A_27 = tpu.memref_slice %arg5[%dma_start3A_23, %dma_start3A_25, %dma_start3A_26] : memref<2x8x200xi32, #tpu.memory_space<vmem>> -> memref<1x8x200xi32, #tpu.memory_space<vmem>>
    %dma_start3A_28 = tpu.memref_squeeze %dma_start3A_27 : memref<1x8x200xi32, #tpu.memory_space<vmem>> -> memref<8x200xi32, #tpu.memory_space<vmem>>
    %dma_start3A_29 = arith.constant 0 : i32
    %dma_start3A_30 = tpu.memref_slice %arg2[%multiple_of3A_22, %dma_start3A_29] : memref<4096x200xi32, #tpu.memory_space<hbm>> -> memref<8x200xi32, #tpu.memory_space<hbm>>
    %dma_start3A_31 = tpu.memref_slice %arg7[%dma_start3A_24] : memref<2x!tpu.dma_semaphore, #tpu.memory_space<semaphore_mem>> -> memref<1x!tpu.dma_semaphore, #tpu.memory_space<semaphore_mem>>
    %dma_start3A_32 = tpu.memref_squeeze %dma_start3A_31 : memref<1x!tpu.dma_semaphore, #tpu.memory_space<semaphore_mem>> -> memref<!tpu.dma_semaphore, #tpu.memory_space<semaphore_mem>>
    %dma_start3A_33 = arith.constant 0 : i32
    %dma_start3A_34 = arith.constant 0 : i32
    %dma_start3A_35 = tpu.memref_slice %arg5[%dma_start3A_23, %dma_start3A_33, %dma_start3A_34] : memref<2x8x200xi32, #tpu.memory_space<vmem>> -> memref<1x8x200xi32, #tpu.memory_space<vmem>>
    %dma_start3A_36 = tpu.memref_squeeze %dma_start3A_35 : memref<1x8x200xi32, #tpu.memory_space<vmem>> -> memref<8x200xi32, #tpu.memory_space<vmem>>
    %dma_start3A_37 = arith.constant 0 : i32
    %dma_start3A_38 = tpu.memref_slice %arg2[%multiple_of3A_22, %dma_start3A_37] : memref<4096x200xi32, #tpu.memory_space<hbm>> -> memref<8x200xi32, #tpu.memory_space<hbm>>
    tpu.enqueue_dma source(%dma_start3A_38 : memref<8x200xi32, #tpu.memory_space<hbm>>) target(%dma_start3A_36 : memref<8x200xi32, #tpu.memory_space<vmem>>) target_semaphore(%dma_start3A_32 : memref<!tpu.dma_semaphore, #tpu.memory_space<semaphore_mem>>)
    %scan3A = arith.constant 0 : i32
    %scan3A_39 = arith.constant 0 : i32
    %scan3A_40 = arith.constant 8 : i32
    %scan3A_41 = arith.addi %scan3A_39, %scan3A_40 : i32
    %scan3A_42 = arith.constant 1 : i32
    scf.for %scan3A_85 = %scan3A_39 to %scan3A_41 step %scan3A_42  : i32 {
      %mul3A_86 = arith.constant 2 : i32
      %mul3A_87 = arith.muli %scan3A_85, %mul3A_86 : i32
      %add3A_88 = arith.constant 0 : i32
      %add3A_89 = arith.addi %mul3A_87, %add3A_88 : i32
      %mul3A_90 = arith.constant 8 : i32
      %mul3A_91 = arith.muli %add3A_89, %mul3A_90 : i32
      %gt3A = arith.constant 0 : i32
      %gt3A_92 = arith.cmpi sgt, %scan3A_85, %gt3A : i32
      %convert_element_type3A = arith.extui %gt3A_92 : i1 to i32
      %cond3A = arith.constant 0 : i32
      %cond3A_93 = arith.cmpi ne, %convert_element_type3A, %cond3A : i32
      scf.if %cond3A_93 {
        %add3A_1026 = arith.addi %mul3A_2, %mul3A_91 : i32
        %mul3A_1027 = arith.constant 200 : i32
        %mul3A_1028 = arith.muli %add3A_1026, %mul3A_1027 : i32
        %multiple_of3A_1029 = tpu.assume_multiple %mul3A_1028, 1600 : i32
        %dma_wait3A_1030 = arith.constant 0 : i32
        %dma_wait3A_1031 = arith.constant 0 : i32
        %dma_wait3A_1032 = arith.constant 0 : i32
        %dma_wait3A_1033 = arith.constant 0 : i32
        %dma_wait3A_1034 = tpu.memref_slice %arg6[%dma_wait3A_1030, %dma_wait3A_1032, %dma_wait3A_1033] : memref<2x1600x64xbf16, #tpu.memory_space<vmem>> -> memref<1x1600x64xbf16, #tpu.memory_space<vmem>>
        %dma_wait3A_1035 = tpu.memref_squeeze %dma_wait3A_1034 : memref<1x1600x64xbf16, #tpu.memory_space<vmem>> -> memref<1600x64xbf16, #tpu.memory_space<vmem>>
        %dma_wait3A_1036 = arith.constant 0 : i32
        %dma_wait3A_1037 = tpu.memref_slice %arg4[%multiple_of3A_1029, %dma_wait3A_1036] : memref<819200x64xbf16, #tpu.memory_space<hbm>> -> memref<1600x64xbf16, #tpu.memory_space<hbm>>
        %dma_wait3A_1038 = tpu.memref_slice %arg9[%dma_wait3A_1031] : memref<2x!tpu.dma_semaphore, #tpu.memory_space<semaphore_mem>> -> memref<1x!tpu.dma_semaphore, #tpu.memory_space<semaphore_mem>>
        %dma_wait3A_1039 = tpu.memref_squeeze %dma_wait3A_1038 : memref<1x!tpu.dma_semaphore, #tpu.memory_space<semaphore_mem>> -> memref<!tpu.dma_semaphore, #tpu.memory_space<semaphore_mem>>
        %dma_wait3A_1040 = arith.constant 0 : i32
        %dma_wait3A_1041 = tpu.memref_slice %arg4[%multiple_of3A_1029, %dma_wait3A_1040] : memref<819200x64xbf16, #tpu.memory_space<hbm>> -> memref<1600x64xbf16, #tpu.memory_space<hbm>>
        %dma_wait3A_1042 = arith.constant 0 : i32
        %dma_wait3A_1043 = arith.constant 0 : i32
        %dma_wait3A_1044 = tpu.memref_slice %arg6[%dma_wait3A_1030, %dma_wait3A_1042, %dma_wait3A_1043] : memref<2x1600x64xbf16, #tpu.memory_space<vmem>> -> memref<1x1600x64xbf16, #tpu.memory_space<vmem>>
        %dma_wait3A_1045 = tpu.memref_squeeze %dma_wait3A_1044 : memref<1x1600x64xbf16, #tpu.memory_space<vmem>> -> memref<1600x64xbf16, #tpu.memory_space<vmem>>
        tpu.wait_dma2 semaphore(%dma_wait3A_1039 : memref<!tpu.dma_semaphore, #tpu.memory_space<semaphore_mem>>) src(%dma_wait3A_1045 : memref<1600x64xbf16, #tpu.memory_space<vmem>>) dst(%dma_wait3A_1041 : memref<1600x64xbf16, #tpu.memory_space<hbm>>)
      } else {
      }
      %add3A_94 = arith.addi %mul3A_2, %mul3A_91 : i32
      %multiple_of3A_95 = tpu.assume_multiple %add3A_94, 8 : i32
      %dma_wait3A_96 = arith.constant 0 : i32
      %dma_wait3A_97 = arith.constant 0 : i32
      %dma_wait3A_98 = arith.constant 0 : i32
      %dma_wait3A_99 = arith.constant 0 : i32
      %dma_wait3A_100 = tpu.memref_slice %arg5[%dma_wait3A_96, %dma_wait3A_98, %dma_wait3A_99] : memref<2x8x200xi32, #tpu.memory_space<vmem>> -> memref<1x8x200xi32, #tpu.memory_space<vmem>>
      %dma_wait3A_101 = tpu.memref_squeeze %dma_wait3A_100 : memref<1x8x200xi32, #tpu.memory_space<vmem>> -> memref<8x200xi32, #tpu.memory_space<vmem>>
      %dma_wait3A_102 = arith.constant 0 : i32
      %dma_wait3A_103 = tpu.memref_slice %arg2[%multiple_of3A_95, %dma_wait3A_102] : memref<4096x200xi32, #tpu.memory_space<hbm>> -> memref<8x200xi32, #tpu.memory_space<hbm>>
      %dma_wait3A_104 = tpu.memref_slice %arg7[%dma_wait3A_97] : memref<2x!tpu.dma_semaphore, #tpu.memory_space<semaphore_mem>> -> memref<1x!tpu.dma_semaphore, #tpu.memory_space<semaphore_mem>>
      %dma_wait3A_105 = tpu.memref_squeeze %dma_wait3A_104 : memref<1x!tpu.dma_semaphore, #tpu.memory_space<semaphore_mem>> -> memref<!tpu.dma_semaphore, #tpu.memory_space<semaphore_mem>>
      %dma_wait3A_106 = arith.constant 0 : i32
      %dma_wait3A_107 = arith.constant 0 : i32
      %dma_wait3A_108 = tpu.memref_slice %arg5[%dma_wait3A_96, %dma_wait3A_106, %dma_wait3A_107] : memref<2x8x200xi32, #tpu.memory_space<vmem>> -> memref<1x8x200xi32, #tpu.memory_space<vmem>>
      %dma_wait3A_109 = tpu.memref_squeeze %dma_wait3A_108 : memref<1x8x200xi32, #tpu.memory_space<vmem>> -> memref<8x200xi32, #tpu.memory_space<vmem>>
      %dma_wait3A_110 = arith.constant 0 : i32
      %dma_wait3A_111 = tpu.memref_slice %arg2[%multiple_of3A_95, %dma_wait3A_110] : memref<4096x200xi32, #tpu.memory_space<hbm>> -> memref<8x200xi32, #tpu.memory_space<hbm>>
      tpu.wait_dma2 semaphore(%dma_wait3A_105 : memref<!tpu.dma_semaphore, #tpu.memory_space<semaphore_mem>>) src(%dma_wait3A_111 : memref<8x200xi32, #tpu.memory_space<hbm>>) dst(%dma_wait3A_109 : memref<8x200xi32, #tpu.memory_space<vmem>>)
      %dma_start3A_112 = arith.constant 0 : i32
      %dma_start3A_113 = arith.constant 0 : i32
      %dma_start3A_114 = arith.constant 0 : i32
      %dma_start3A_115 = arith.constant 0 : i32
      %dma_start3A_116 = arith.constant 0 : i32
      %dma_start3A_117 = tpu.memref_slice %arg6[%dma_start3A_114, %dma_start3A_115, %dma_start3A_116] : memref<2x1600x64xbf16, #tpu.memory_space<vmem>> -> memref<1x104x64xbf16, #tpu.memory_space<vmem>>
      %dma_start3A_118 = tpu.memref_squeeze %dma_start3A_117 : memref<1x104x64xbf16, #tpu.memory_space<vmem>> -> memref<104x64xbf16, #tpu.memory_space<vmem>>
      %dma_start3A_119 = arith.constant 0 : i32
      %dma_start3A_120 = tpu.memref_slice %arg5[%dma_start3A_112, %dma_start3A_113, %dma_start3A_119] : memref<2x8x200xi32, #tpu.memory_space<vmem>> -> memref<1x1x104xi32, #tpu.memory_space<vmem>>
      %dma_start3A_121 = tpu.memref_squeeze %dma_start3A_120 : memref<1x1x104xi32, #tpu.memory_space<vmem>> -> memref<104xi32, #tpu.memory_space<vmem>>
      %dma_start3A_122 = arith.constant 0 : i32
      %dma_start3A_123 = arith.constant 0 : i32
      %dma_start3A_124 = tpu.memref_slice %arg3[%dma_start3A_122, %dma_start3A_123] : memref<1000000x64xbf16, #tpu.memory_space<hbm>> -> memref<1000000x64xbf16, #tpu.memory_space<hbm>>
      tpu.enqueue_indirect_dma source(%dma_start3A_124 : memref<1000000x64xbf16, #tpu.memory_space<hbm>>) target(%dma_start3A_118 : memref<104x64xbf16, #tpu.memory_space<vmem>>) offsets(%dma_start3A_121 : memref<104xi32, #tpu.memory_space<vmem>>) semaphore(%arg8 : memref<!tpu.dma_semaphore, #tpu.memory_space<semaphore_mem>>)
      %dma_start3A_125 = arith.constant 0 : i32
      %dma_start3A_126 = arith.constant 0 : i32
      %dma_start3A_127 = arith.constant 0 : i32
      %dma_start3A_128 = arith.constant 104 : i32
      %dma_start3A_129 = arith.constant 0 : i32
      %dma_start3A_130 = tpu.memref_slice %arg6[%dma_start3A_127, %dma_start3A_128, %dma_start3A_129] : memref<2x1600x64xbf16, #tpu.memory_space<vmem>> -> memref<1x96x64xbf16, #tpu.memory_space<vmem>>
      %dma_start3A_131 = tpu.memref_squeeze %dma_start3A_130 : memref<1x96x64xbf16, #tpu.memory_space<vmem>> -> memref<96x64xbf16, #tpu.memory_space<vmem>>
      %dma_start3A_132 = arith.constant 104 : i32
      %dma_start3A_133 = tpu.memref_slice %arg5[%dma_start3A_125, %dma_start3A_126, %dma_start3A_132] : memref<2x8x200xi32, #tpu.memory_space<vmem>> -> memref<1x1x96xi32, #tpu.memory_space<vmem>>
      %dma_start3A_134 = tpu.memref_squeeze %dma_start3A_133 : memref<1x1x96xi32, #tpu.memory_space<vmem>> -> memref<96xi32, #tpu.memory_space<vmem>>
      %dma_start3A_135 = arith.constant 0 : i32
      %dma_start3A_136 = arith.constant 0 : i32
      %dma_start3A_137 = tpu.memref_slice %arg3[%dma_start3A_135, %dma_start3A_136] : memref<1000000x64xbf16, #tpu.memory_space<hbm>> -> memref<1000000x64xbf16, #tpu.memory_space<hbm>>
      tpu.enqueue_indirect_dma source(%dma_start3A_137 : memref<1000000x64xbf16, #tpu.memory_space<hbm>>) target(%dma_start3A_131 : memref<96x64xbf16, #tpu.memory_space<vmem>>) offsets(%dma_start3A_134 : memref<96xi32, #tpu.memory_space<vmem>>) semaphore(%arg8 : memref<!tpu.dma_semaphore, #tpu.memory_space<semaphore_mem>>)
      %dma_start3A_138 = arith.constant 0 : i32
      %dma_start3A_139 = arith.constant 1 : i32
      %dma_start3A_140 = arith.constant 0 : i32
      %dma_start3A_141 = arith.constant 200 : i32
      %dma_start3A_142 = arith.constant 0 : i32
      %dma_start3A_143 = tpu.memref_slice %arg6[%dma_start3A_140, %dma_start3A_141, %dma_start3A_142] : memref<2x1600x64xbf16, #tpu.memory_space<vmem>> -> memref<1x104x64xbf16, #tpu.memory_space<vmem>>
      %dma_start3A_144 = tpu.memref_squeeze %dma_start3A_143 : memref<1x104x64xbf16, #tpu.memory_space<vmem>> -> memref<104x64xbf16, #tpu.memory_space<vmem>>
      %dma_start3A_145 = arith.constant 0 : i32
      %dma_start3A_146 = tpu.memref_slice %arg5[%dma_start3A_138, %dma_start3A_139, %dma_start3A_145] : memref<2x8x200xi32, #tpu.memory_space<vmem>> -> memref<1x1x104xi32, #tpu.memory_space<vmem>>
      %dma_start3A_147 = tpu.memref_squeeze %dma_start3A_146 : memref<1x1x104xi32, #tpu.memory_space<vmem>> -> memref<104xi32, #tpu.memory_space<vmem>>
      %dma_start3A_148 = arith.constant 0 : i32
      %dma_start3A_149 = arith.constant 0 : i32
      %dma_start3A_150 = tpu.memref_slice %arg3[%dma_start3A_148, %dma_start3A_149] : memref<1000000x64xbf16, #tpu.memory_space<hbm>> -> memref<1000000x64xbf16, #tpu.memory_space<hbm>>
      tpu.enqueue_indirect_dma source(%dma_start3A_150 : memref<1000000x64xbf16, #tpu.memory_space<hbm>>) target(%dma_start3A_144 : memref<104x64xbf16, #tpu.memory_space<vmem>>) offsets(%dma_start3A_147 : memref<104xi32, #tpu.memory_space<vmem>>) semaphore(%arg8 : memref<!tpu.dma_semaphore, #tpu.memory_space<semaphore_mem>>)
      %dma_start3A_151 = arith.constant 0 : i32
      %dma_start3A_152 = arith.constant 1 : i32
      %dma_start3A_153 = arith.constant 0 : i32
      %dma_start3A_154 = arith.constant 304 : i32
      %dma_start3A_155 = arith.constant 0 : i32
      %dma_start3A_156 = tpu.memref_slice %arg6[%dma_start3A_153, %dma_start3A_154, %dma_start3A_155] : memref<2x1600x64xbf16, #tpu.memory_space<vmem>> -> memref<1x96x64xbf16, #tpu.memory_space<vmem>>
      %dma_start3A_157 = tpu.memref_squeeze %dma_start3A_156 : memref<1x96x64xbf16, #tpu.memory_space<vmem>> -> memref<96x64xbf16, #tpu.memory_space<vmem>>
      %dma_start3A_158 = arith.constant 104 : i32
      %dma_start3A_159 = tpu.memref_slice %arg5[%dma_start3A_151, %dma_start3A_152, %dma_start3A_158] : memref<2x8x200xi32, #tpu.memory_space<vmem>> -> memref<1x1x96xi32, #tpu.memory_space<vmem>>
      %dma_start3A_160 = tpu.memref_squeeze %dma_start3A_159 : memref<1x1x96xi32, #tpu.memory_space<vmem>> -> memref<96xi32, #tpu.memory_space<vmem>>
      %dma_start3A_161 = arith.constant 0 : i32
      %dma_start3A_162 = arith.constant 0 : i32
      %dma_start3A_163 = tpu.memref_slice %arg3[%dma_start3A_161, %dma_start3A_162] : memref<1000000x64xbf16, #tpu.memory_space<hbm>> -> memref<1000000x64xbf16, #tpu.memory_space<hbm>>
      tpu.enqueue_indirect_dma source(%dma_start3A_163 : memref<1000000x64xbf16, #tpu.memory_space<hbm>>) target(%dma_start3A_157 : memref<96x64xbf16, #tpu.memory_space<vmem>>) offsets(%dma_start3A_160 : memref<96xi32, #tpu.memory_space<vmem>>) semaphore(%arg8 : memref<!tpu.dma_semaphore, #tpu.memory_space<semaphore_mem>>)
      %dma_start3A_164 = arith.constant 0 : i32
      %dma_start3A_165 = arith.constant 2 : i32
      %dma_start3A_166 = arith.constant 0 : i32
      %dma_start3A_167 = arith.constant 400 : i32
      %dma_start3A_168 = arith.constant 0 : i32
      %dma_start3A_169 = tpu.memref_slice %arg6[%dma_start3A_166, %dma_start3A_167, %dma_start3A_168] : memref<2x1600x64xbf16, #tpu.memory_space<vmem>> -> memref<1x104x64xbf16, #tpu.memory_space<vmem>>
      %dma_start3A_170 = tpu.memref_squeeze %dma_start3A_169 : memref<1x104x64xbf16, #tpu.memory_space<vmem>> -> memref<104x64xbf16, #tpu.memory_space<vmem>>
      %dma_start3A_171 = arith.constant 0 : i32
      %dma_start3A_172 = tpu.memref_slice %arg5[%dma_start3A_164, %dma_start3A_165, %dma_start3A_171] : memref<2x8x200xi32, #tpu.memory_space<vmem>> -> memref<1x1x104xi32, #tpu.memory_space<vmem>>
      %dma_start3A_173 = tpu.memref_squeeze %dma_start3A_172 : memref<1x1x104xi32, #tpu.memory_space<vmem>> -> memref<104xi32, #tpu.memory_space<vmem>>
      %dma_start3A_174 = arith.constant 0 : i32
      %dma_start3A_175 = arith.constant 0 : i32
      %dma_start3A_176 = tpu.memref_slice %arg3[%dma_start3A_174, %dma_start3A_175] : memref<1000000x64xbf16, #tpu.memory_space<hbm>> -> memref<1000000x64xbf16, #tpu.memory_space<hbm>>
      tpu.enqueue_indirect_dma source(%dma_start3A_176 : memref<1000000x64xbf16, #tpu.memory_space<hbm>>) target(%dma_start3A_170 : memref<104x64xbf16, #tpu.memory_space<vmem>>) offsets(%dma_start3A_173 : memref<104xi32, #tpu.memory_space<vmem>>) semaphore(%arg8 : memref<!tpu.dma_semaphore, #tpu.memory_space<semaphore_mem>>)
      %dma_start3A_177 = arith.constant 0 : i32
      %dma_start3A_178 = arith.constant 2 : i32
      %dma_start3A_179 = arith.constant 0 : i32
      %dma_start3A_180 = arith.constant 504 : i32
      %dma_start3A_181 = arith.constant 0 : i32
      %dma_start3A_182 = tpu.memref_slice %arg6[%dma_start3A_179, %dma_start3A_180, %dma_start3A_181] : memref<2x1600x64xbf16, #tpu.memory_space<vmem>> -> memref<1x96x64xbf16, #tpu.memory_space<vmem>>
      %dma_start3A_183 = tpu.memref_squeeze %dma_start3A_182 : memref<1x96x64xbf16, #tpu.memory_space<vmem>> -> memref<96x64xbf16, #tpu.memory_space<vmem>>
      %dma_start3A_184 = arith.constant 104 : i32
      %dma_start3A_185 = tpu.memref_slice %arg5[%dma_start3A_177, %dma_start3A_178, %dma_start3A_184] : memref<2x8x200xi32, #tpu.memory_space<vmem>> -> memref<1x1x96xi32, #tpu.memory_space<vmem>>
      %dma_start3A_186 = tpu.memref_squeeze %dma_start3A_185 : memref<1x1x96xi32, #tpu.memory_space<vmem>> -> memref<96xi32, #tpu.memory_space<vmem>>
      %dma_start3A_187 = arith.constant 0 : i32
      %dma_start3A_188 = arith.constant 0 : i32
      %dma_start3A_189 = tpu.memref_slice %arg3[%dma_start3A_187, %dma_start3A_188] : memref<1000000x64xbf16, #tpu.memory_space<hbm>> -> memref<1000000x64xbf16, #tpu.memory_space<hbm>>
      tpu.enqueue_indirect_dma source(%dma_start3A_189 : memref<1000000x64xbf16, #tpu.memory_space<hbm>>) target(%dma_start3A_183 : memref<96x64xbf16, #tpu.memory_space<vmem>>) offsets(%dma_start3A_186 : memref<96xi32, #tpu.memory_space<vmem>>) semaphore(%arg8 : memref<!tpu.dma_semaphore, #tpu.memory_space<semaphore_mem>>)
      %dma_start3A_190 = arith.constant 0 : i32
      %dma_start3A_191 = arith.constant 3 : i32
      %dma_start3A_192 = arith.constant 0 : i32
      %dma_start3A_193 = arith.constant 600 : i32
      %dma_start3A_194 = arith.constant 0 : i32
      %dma_start3A_195 = tpu.memref_slice %arg6[%dma_start3A_192, %dma_start3A_193, %dma_start3A_194] : memref<2x1600x64xbf16, #tpu.memory_space<vmem>> -> memref<1x104x64xbf16, #tpu.memory_space<vmem>>
      %dma_start3A_196 = tpu.memref_squeeze %dma_start3A_195 : memref<1x104x64xbf16, #tpu.memory_space<vmem>> -> memref<104x64xbf16, #tpu.memory_space<vmem>>
      %dma_start3A_197 = arith.constant 0 : i32
      %dma_start3A_198 = tpu.memref_slice %arg5[%dma_start3A_190, %dma_start3A_191, %dma_start3A_197] : memref<2x8x200xi32, #tpu.memory_space<vmem>> -> memref<1x1x104xi32, #tpu.memory_space<vmem>>
      %dma_start3A_199 = tpu.memref_squeeze %dma_start3A_198 : memref<1x1x104xi32, #tpu.memory_space<vmem>> -> memref<104xi32, #tpu.memory_space<vmem>>
      %dma_start3A_200 = arith.constant 0 : i32
      %dma_start3A_201 = arith.constant 0 : i32
      %dma_start3A_202 = tpu.memref_slice %arg3[%dma_start3A_200, %dma_start3A_201] : memref<1000000x64xbf16, #tpu.memory_space<hbm>> -> memref<1000000x64xbf16, #tpu.memory_space<hbm>>
      tpu.enqueue_indirect_dma source(%dma_start3A_202 : memref<1000000x64xbf16, #tpu.memory_space<hbm>>) target(%dma_start3A_196 : memref<104x64xbf16, #tpu.memory_space<vmem>>) offsets(%dma_start3A_199 : memref<104xi32, #tpu.memory_space<vmem>>) semaphore(%arg8 : memref<!tpu.dma_semaphore, #tpu.memory_space<semaphore_mem>>)
      %dma_start3A_203 = arith.constant 0 : i32
      %dma_start3A_204 = arith.constant 3 : i32
      %dma_start3A_205 = arith.constant 0 : i32
      %dma_start3A_206 = arith.constant 704 : i32
      %dma_start3A_207 = arith.constant 0 : i32
      %dma_start3A_208 = tpu.memref_slice %arg6[%dma_start3A_205, %dma_start3A_206, %dma_start3A_207] : memref<2x1600x64xbf16, #tpu.memory_space<vmem>> -> memref<1x96x64xbf16, #tpu.memory_space<vmem>>
      %dma_start3A_209 = tpu.memref_squeeze %dma_start3A_208 : memref<1x96x64xbf16, #tpu.memory_space<vmem>> -> memref<96x64xbf16, #tpu.memory_space<vmem>>
      %dma_start3A_210 = arith.constant 104 : i32
      %dma_start3A_211 = tpu.memref_slice %arg5[%dma_start3A_203, %dma_start3A_204, %dma_start3A_210] : memref<2x8x200xi32, #tpu.memory_space<vmem>> -> memref<1x1x96xi32, #tpu.memory_space<vmem>>
      %dma_start3A_212 = tpu.memref_squeeze %dma_start3A_211 : memref<1x1x96xi32, #tpu.memory_space<vmem>> -> memref<96xi32, #tpu.memory_space<vmem>>
      %dma_start3A_213 = arith.constant 0 : i32
      %dma_start3A_214 = arith.constant 0 : i32
      %dma_start3A_215 = tpu.memref_slice %arg3[%dma_start3A_213, %dma_start3A_214] : memref<1000000x64xbf16, #tpu.memory_space<hbm>> -> memref<1000000x64xbf16, #tpu.memory_space<hbm>>
      tpu.enqueue_indirect_dma source(%dma_start3A_215 : memref<1000000x64xbf16, #tpu.memory_space<hbm>>) target(%dma_start3A_209 : memref<96x64xbf16, #tpu.memory_space<vmem>>) offsets(%dma_start3A_212 : memref<96xi32, #tpu.memory_space<vmem>>) semaphore(%arg8 : memref<!tpu.dma_semaphore, #tpu.memory_space<semaphore_mem>>)
      %dma_start3A_216 = arith.constant 0 : i32
      %dma_start3A_217 = arith.constant 4 : i32
      %dma_start3A_218 = arith.constant 0 : i32
      %dma_start3A_219 = arith.constant 800 : i32
      %dma_start3A_220 = arith.constant 0 : i32
      %dma_start3A_221 = tpu.memref_slice %arg6[%dma_start3A_218, %dma_start3A_219, %dma_start3A_220] : memref<2x1600x64xbf16, #tpu.memory_space<vmem>> -> memref<1x104x64xbf16, #tpu.memory_space<vmem>>
      %dma_start3A_222 = tpu.memref_squeeze %dma_start3A_221 : memref<1x104x64xbf16, #tpu.memory_space<vmem>> -> memref<104x64xbf16, #tpu.memory_space<vmem>>
      %dma_start3A_223 = arith.constant 0 : i32
      %dma_start3A_224 = tpu.memref_slice %arg5[%dma_start3A_216, %dma_start3A_217, %dma_start3A_223] : memref<2x8x200xi32, #tpu.memory_space<vmem>> -> memref<1x1x104xi32, #tpu.memory_space<vmem>>
      %dma_start3A_225 = tpu.memref_squeeze %dma_start3A_224 : memref<1x1x104xi32, #tpu.memory_space<vmem>> -> memref<104xi32, #tpu.memory_space<vmem>>
      %dma_start3A_226 = arith.constant 0 : i32
      %dma_start3A_227 = arith.constant 0 : i32
      %dma_start3A_228 = tpu.memref_slice %arg3[%dma_start3A_226, %dma_start3A_227] : memref<1000000x64xbf16, #tpu.memory_space<hbm>> -> memref<1000000x64xbf16, #tpu.memory_space<hbm>>
      tpu.enqueue_indirect_dma source(%dma_start3A_228 : memref<1000000x64xbf16, #tpu.memory_space<hbm>>) target(%dma_start3A_222 : memref<104x64xbf16, #tpu.memory_space<vmem>>) offsets(%dma_start3A_225 : memref<104xi32, #tpu.memory_space<vmem>>) semaphore(%arg8 : memref<!tpu.dma_semaphore, #tpu.memory_space<semaphore_mem>>)
      %dma_start3A_229 = arith.constant 0 : i32
      %dma_start3A_230 = arith.constant 4 : i32
      %dma_start3A_231 = arith.constant 0 : i32
      %dma_start3A_232 = arith.constant 904 : i32
      %dma_start3A_233 = arith.constant 0 : i32
      %dma_start3A_234 = tpu.memref_slice %arg6[%dma_start3A_231, %dma_start3A_232, %dma_start3A_233] : memref<2x1600x64xbf16, #tpu.memory_space<vmem>> -> memref<1x96x64xbf16, #tpu.memory_space<vmem>>
      %dma_start3A_235 = tpu.memref_squeeze %dma_start3A_234 : memref<1x96x64xbf16, #tpu.memory_space<vmem>> -> memref<96x64xbf16, #tpu.memory_space<vmem>>
      %dma_start3A_236 = arith.constant 104 : i32
      %dma_start3A_237 = tpu.memref_slice %arg5[%dma_start3A_229, %dma_start3A_230, %dma_start3A_236] : memref<2x8x200xi32, #tpu.memory_space<vmem>> -> memref<1x1x96xi32, #tpu.memory_space<vmem>>
      %dma_start3A_238 = tpu.memref_squeeze %dma_start3A_237 : memref<1x1x96xi32, #tpu.memory_space<vmem>> -> memref<96xi32, #tpu.memory_space<vmem>>
      %dma_start3A_239 = arith.constant 0 : i32
      %dma_start3A_240 = arith.constant 0 : i32
      %dma_start3A_241 = tpu.memref_slice %arg3[%dma_start3A_239, %dma_start3A_240] : memref<1000000x64xbf16, #tpu.memory_space<hbm>> -> memref<1000000x64xbf16, #tpu.memory_space<hbm>>
      tpu.enqueue_indirect_dma source(%dma_start3A_241 : memref<1000000x64xbf16, #tpu.memory_space<hbm>>) target(%dma_start3A_235 : memref<96x64xbf16, #tpu.memory_space<vmem>>) offsets(%dma_start3A_238 : memref<96xi32, #tpu.memory_space<vmem>>) semaphore(%arg8 : memref<!tpu.dma_semaphore, #tpu.memory_space<semaphore_mem>>)
      %dma_start3A_242 = arith.constant 0 : i32
      %dma_start3A_243 = arith.constant 5 : i32
      %dma_start3A_244 = arith.constant 0 : i32
      %dma_start3A_245 = arith.constant 1000 : i32
      %dma_start3A_246 = arith.constant 0 : i32
      %dma_start3A_247 = tpu.memref_slice %arg6[%dma_start3A_244, %dma_start3A_245, %dma_start3A_246] : memref<2x1600x64xbf16, #tpu.memory_space<vmem>> -> memref<1x104x64xbf16, #tpu.memory_space<vmem>>
      %dma_start3A_248 = tpu.memref_squeeze %dma_start3A_247 : memref<1x104x64xbf16, #tpu.memory_space<vmem>> -> memref<104x64xbf16, #tpu.memory_space<vmem>>
      %dma_start3A_249 = arith.constant 0 : i32
      %dma_start3A_250 = tpu.memref_slice %arg5[%dma_start3A_242, %dma_start3A_243, %dma_start3A_249] : memref<2x8x200xi32, #tpu.memory_space<vmem>> -> memref<1x1x104xi32, #tpu.memory_space<vmem>>
      %dma_start3A_251 = tpu.memref_squeeze %dma_start3A_250 : memref<1x1x104xi32, #tpu.memory_space<vmem>> -> memref<104xi32, #tpu.memory_space<vmem>>
      %dma_start3A_252 = arith.constant 0 : i32
      %dma_start3A_253 = arith.constant 0 : i32
      %dma_start3A_254 = tpu.memref_slice %arg3[%dma_start3A_252, %dma_start3A_253] : memref<1000000x64xbf16, #tpu.memory_space<hbm>> -> memref<1000000x64xbf16, #tpu.memory_space<hbm>>
      tpu.enqueue_indirect_dma source(%dma_start3A_254 : memref<1000000x64xbf16, #tpu.memory_space<hbm>>) target(%dma_start3A_248 : memref<104x64xbf16, #tpu.memory_space<vmem>>) offsets(%dma_start3A_251 : memref<104xi32, #tpu.memory_space<vmem>>) semaphore(%arg8 : memref<!tpu.dma_semaphore, #tpu.memory_space<semaphore_mem>>)
      %dma_start3A_255 = arith.constant 0 : i32
      %dma_start3A_256 = arith.constant 5 : i32
      %dma_start3A_257 = arith.constant 0 : i32
      %dma_start3A_258 = arith.constant 1104 : i32
      %dma_start3A_259 = arith.constant 0 : i32
      %dma_start3A_260 = tpu.memref_slice %arg6[%dma_start3A_257, %dma_start3A_258, %dma_start3A_259] : memref<2x1600x64xbf16, #tpu.memory_space<vmem>> -> memref<1x96x64xbf16, #tpu.memory_space<vmem>>
      %dma_start3A_261 = tpu.memref_squeeze %dma_start3A_260 : memref<1x96x64xbf16, #tpu.memory_space<vmem>> -> memref<96x64xbf16, #tpu.memory_space<vmem>>
      %dma_start3A_262 = arith.constant 104 : i32
      %dma_start3A_263 = tpu.memref_slice %arg5[%dma_start3A_255, %dma_start3A_256, %dma_start3A_262] : memref<2x8x200xi32, #tpu.memory_space<vmem>> -> memref<1x1x96xi32, #tpu.memory_space<vmem>>
      %dma_start3A_264 = tpu.memref_squeeze %dma_start3A_263 : memref<1x1x96xi32, #tpu.memory_space<vmem>> -> memref<96xi32, #tpu.memory_space<vmem>>
      %dma_start3A_265 = arith.constant 0 : i32
      %dma_start3A_266 = arith.constant 0 : i32
      %dma_start3A_267 = tpu.memref_slice %arg3[%dma_start3A_265, %dma_start3A_266] : memref<1000000x64xbf16, #tpu.memory_space<hbm>> -> memref<1000000x64xbf16, #tpu.memory_space<hbm>>
      tpu.enqueue_indirect_dma source(%dma_start3A_267 : memref<1000000x64xbf16, #tpu.memory_space<hbm>>) target(%dma_start3A_261 : memref<96x64xbf16, #tpu.memory_space<vmem>>) offsets(%dma_start3A_264 : memref<96xi32, #tpu.memory_space<vmem>>) semaphore(%arg8 : memref<!tpu.dma_semaphore, #tpu.memory_space<semaphore_mem>>)
      %dma_start3A_268 = arith.constant 0 : i32
      %dma_start3A_269 = arith.constant 6 : i32
      %dma_start3A_270 = arith.constant 0 : i32
      %dma_start3A_271 = arith.constant 1200 : i32
      %dma_start3A_272 = arith.constant 0 : i32
      %dma_start3A_273 = tpu.memref_slice %arg6[%dma_start3A_270, %dma_start3A_271, %dma_start3A_272] : memref<2x1600x64xbf16, #tpu.memory_space<vmem>> -> memref<1x104x64xbf16, #tpu.memory_space<vmem>>
      %dma_start3A_274 = tpu.memref_squeeze %dma_start3A_273 : memref<1x104x64xbf16, #tpu.memory_space<vmem>> -> memref<104x64xbf16, #tpu.memory_space<vmem>>
      %dma_start3A_275 = arith.constant 0 : i32
      %dma_start3A_276 = tpu.memref_slice %arg5[%dma_start3A_268, %dma_start3A_269, %dma_start3A_275] : memref<2x8x200xi32, #tpu.memory_space<vmem>> -> memref<1x1x104xi32, #tpu.memory_space<vmem>>
      %dma_start3A_277 = tpu.memref_squeeze %dma_start3A_276 : memref<1x1x104xi32, #tpu.memory_space<vmem>> -> memref<104xi32, #tpu.memory_space<vmem>>
      %dma_start3A_278 = arith.constant 0 : i32
      %dma_start3A_279 = arith.constant 0 : i32
      %dma_start3A_280 = tpu.memref_slice %arg3[%dma_start3A_278, %dma_start3A_279] : memref<1000000x64xbf16, #tpu.memory_space<hbm>> -> memref<1000000x64xbf16, #tpu.memory_space<hbm>>
      tpu.enqueue_indirect_dma source(%dma_start3A_280 : memref<1000000x64xbf16, #tpu.memory_space<hbm>>) target(%dma_start3A_274 : memref<104x64xbf16, #tpu.memory_space<vmem>>) offsets(%dma_start3A_277 : memref<104xi32, #tpu.memory_space<vmem>>) semaphore(%arg8 : memref<!tpu.dma_semaphore, #tpu.memory_space<semaphore_mem>>)
      %dma_start3A_281 = arith.constant 0 : i32
      %dma_start3A_282 = arith.constant 6 : i32
      %dma_start3A_283 = arith.constant 0 : i32
      %dma_start3A_284 = arith.constant 1304 : i32
      %dma_start3A_285 = arith.constant 0 : i32
      %dma_start3A_286 = tpu.memref_slice %arg6[%dma_start3A_283, %dma_start3A_284, %dma_start3A_285] : memref<2x1600x64xbf16, #tpu.memory_space<vmem>> -> memref<1x96x64xbf16, #tpu.memory_space<vmem>>
      %dma_start3A_287 = tpu.memref_squeeze %dma_start3A_286 : memref<1x96x64xbf16, #tpu.memory_space<vmem>> -> memref<96x64xbf16, #tpu.memory_space<vmem>>
      %dma_start3A_288 = arith.constant 104 : i32
      %dma_start3A_289 = tpu.memref_slice %arg5[%dma_start3A_281, %dma_start3A_282, %dma_start3A_288] : memref<2x8x200xi32, #tpu.memory_space<vmem>> -> memref<1x1x96xi32, #tpu.memory_space<vmem>>
      %dma_start3A_290 = tpu.memref_squeeze %dma_start3A_289 : memref<1x1x96xi32, #tpu.memory_space<vmem>> -> memref<96xi32, #tpu.memory_space<vmem>>
      %dma_start3A_291 = arith.constant 0 : i32
      %dma_start3A_292 = arith.constant 0 : i32
      %dma_start3A_293 = tpu.memref_slice %arg3[%dma_start3A_291, %dma_start3A_292] : memref<1000000x64xbf16, #tpu.memory_space<hbm>> -> memref<1000000x64xbf16, #tpu.memory_space<hbm>>
      tpu.enqueue_indirect_dma source(%dma_start3A_293 : memref<1000000x64xbf16, #tpu.memory_space<hbm>>) target(%dma_start3A_287 : memref<96x64xbf16, #tpu.memory_space<vmem>>) offsets(%dma_start3A_290 : memref<96xi32, #tpu.memory_space<vmem>>) semaphore(%arg8 : memref<!tpu.dma_semaphore, #tpu.memory_space<semaphore_mem>>)
      %dma_start3A_294 = arith.constant 0 : i32
      %dma_start3A_295 = arith.constant 7 : i32
      %dma_start3A_296 = arith.constant 0 : i32
      %dma_start3A_297 = arith.constant 1400 : i32
      %dma_start3A_298 = arith.constant 0 : i32
      %dma_start3A_299 = tpu.memref_slice %arg6[%dma_start3A_296, %dma_start3A_297, %dma_start3A_298] : memref<2x1600x64xbf16, #tpu.memory_space<vmem>> -> memref<1x104x64xbf16, #tpu.memory_space<vmem>>
      %dma_start3A_300 = tpu.memref_squeeze %dma_start3A_299 : memref<1x104x64xbf16, #tpu.memory_space<vmem>> -> memref<104x64xbf16, #tpu.memory_space<vmem>>
      %dma_start3A_301 = arith.constant 0 : i32
      %dma_start3A_302 = tpu.memref_slice %arg5[%dma_start3A_294, %dma_start3A_295, %dma_start3A_301] : memref<2x8x200xi32, #tpu.memory_space<vmem>> -> memref<1x1x104xi32, #tpu.memory_space<vmem>>
      %dma_start3A_303 = tpu.memref_squeeze %dma_start3A_302 : memref<1x1x104xi32, #tpu.memory_space<vmem>> -> memref<104xi32, #tpu.memory_space<vmem>>
      %dma_start3A_304 = arith.constant 0 : i32
      %dma_start3A_305 = arith.constant 0 : i32
      %dma_start3A_306 = tpu.memref_slice %arg3[%dma_start3A_304, %dma_start3A_305] : memref<1000000x64xbf16, #tpu.memory_space<hbm>> -> memref<1000000x64xbf16, #tpu.memory_space<hbm>>
      tpu.enqueue_indirect_dma source(%dma_start3A_306 : memref<1000000x64xbf16, #tpu.memory_space<hbm>>) target(%dma_start3A_300 : memref<104x64xbf16, #tpu.memory_space<vmem>>) offsets(%dma_start3A_303 : memref<104xi32, #tpu.memory_space<vmem>>) semaphore(%arg8 : memref<!tpu.dma_semaphore, #tpu.memory_space<semaphore_mem>>)
      %dma_start3A_307 = arith.constant 0 : i32
      %dma_start3A_308 = arith.constant 7 : i32
      %dma_start3A_309 = arith.constant 0 : i32
      %dma_start3A_310 = arith.constant 1504 : i32
      %dma_start3A_311 = arith.constant 0 : i32
      %dma_start3A_312 = tpu.memref_slice %arg6[%dma_start3A_309, %dma_start3A_310, %dma_start3A_311] : memref<2x1600x64xbf16, #tpu.memory_space<vmem>> -> memref<1x96x64xbf16, #tpu.memory_space<vmem>>
      %dma_start3A_313 = tpu.memref_squeeze %dma_start3A_312 : memref<1x96x64xbf16, #tpu.memory_space<vmem>> -> memref<96x64xbf16, #tpu.memory_space<vmem>>
      %dma_start3A_314 = arith.constant 104 : i32
      %dma_start3A_315 = tpu.memref_slice %arg5[%dma_start3A_307, %dma_start3A_308, %dma_start3A_314] : memref<2x8x200xi32, #tpu.memory_space<vmem>> -> memref<1x1x96xi32, #tpu.memory_space<vmem>>
      %dma_start3A_316 = tpu.memref_squeeze %dma_start3A_315 : memref<1x1x96xi32, #tpu.memory_space<vmem>> -> memref<96xi32, #tpu.memory_space<vmem>>
      %dma_start3A_317 = arith.constant 0 : i32
      %dma_start3A_318 = arith.constant 0 : i32
      %dma_start3A_319 = tpu.memref_slice %arg3[%dma_start3A_317, %dma_start3A_318] : memref<1000000x64xbf16, #tpu.memory_space<hbm>> -> memref<1000000x64xbf16, #tpu.memory_space<hbm>>
      tpu.enqueue_indirect_dma source(%dma_start3A_319 : memref<1000000x64xbf16, #tpu.memory_space<hbm>>) target(%dma_start3A_313 : memref<96x64xbf16, #tpu.memory_space<vmem>>) offsets(%dma_start3A_316 : memref<96xi32, #tpu.memory_space<vmem>>) semaphore(%arg8 : memref<!tpu.dma_semaphore, #tpu.memory_space<semaphore_mem>>)
      %dma_wait3A_320 = arith.constant 0 : i32
      %dma_wait3A_321 = arith.constant 0 : i32
      %dma_wait3A_322 = arith.constant 0 : i32
      %dma_wait3A_323 = arith.constant 0 : i32
      %dma_wait3A_324 = arith.constant 0 : i32
      %dma_wait3A_325 = tpu.memref_slice %arg6[%dma_wait3A_322, %dma_wait3A_323, %dma_wait3A_324] : memref<2x1600x64xbf16, #tpu.memory_space<vmem>> -> memref<1x104x64xbf16, #tpu.memory_space<vmem>>
      %dma_wait3A_326 = tpu.memref_squeeze %dma_wait3A_325 : memref<1x104x64xbf16, #tpu.memory_space<vmem>> -> memref<104x64xbf16, #tpu.memory_space<vmem>>
      %dma_wait3A_327 = arith.constant 0 : i32
      %dma_wait3A_328 = tpu.memref_slice %arg5[%dma_wait3A_320, %dma_wait3A_321, %dma_wait3A_327] : memref<2x8x200xi32, #tpu.memory_space<vmem>> -> memref<1x1x104xi32, #tpu.memory_space<vmem>>
      %dma_wait3A_329 = tpu.memref_squeeze %dma_wait3A_328 : memref<1x1x104xi32, #tpu.memory_space<vmem>> -> memref<104xi32, #tpu.memory_space<vmem>>
      %dma_wait3A_330 = arith.constant 0 : i32
      %dma_wait3A_331 = arith.constant 0 : i32
      %dma_wait3A_332 = tpu.memref_slice %arg3[%dma_wait3A_330, %dma_wait3A_331] : memref<1000000x64xbf16, #tpu.memory_space<hbm>> -> memref<1000000x64xbf16, #tpu.memory_space<hbm>>
      tpu.wait_indirect_dma semaphore(%arg8 : memref<!tpu.dma_semaphore, #tpu.memory_space<semaphore_mem>>) src(%dma_wait3A_332 : memref<1000000x64xbf16, #tpu.memory_space<hbm>>) dst(%dma_wait3A_326 : memref<104x64xbf16, #tpu.memory_space<vmem>>)
      %dma_wait3A_333 = arith.constant 0 : i32
      %dma_wait3A_334 = arith.constant 0 : i32
      %dma_wait3A_335 = arith.constant 0 : i32
      %dma_wait3A_336 = arith.constant 104 : i32
      %dma_wait3A_337 = arith.constant 0 : i32
      %dma_wait3A_338 = tpu.memref_slice %arg6[%dma_wait3A_335, %dma_wait3A_336, %dma_wait3A_337] : memref<2x1600x64xbf16, #tpu.memory_space<vmem>> -> memref<1x96x64xbf16, #tpu.memory_space<vmem>>
      %dma_wait3A_339 = tpu.memref_squeeze %dma_wait3A_338 : memref<1x96x64xbf16, #tpu.memory_space<vmem>> -> memref<96x64xbf16, #tpu.memory_space<vmem>>
      %dma_wait3A_340 = arith.constant 104 : i32
      %dma_wait3A_341 = tpu.memref_slice %arg5[%dma_wait3A_333, %dma_wait3A_334, %dma_wait3A_340] : memref<2x8x200xi32, #tpu.memory_space<vmem>> -> memref<1x1x96xi32, #tpu.memory_space<vmem>>
      %dma_wait3A_342 = tpu.memref_squeeze %dma_wait3A_341 : memref<1x1x96xi32, #tpu.memory_space<vmem>> -> memref<96xi32, #tpu.memory_space<vmem>>
      %dma_wait3A_343 = arith.constant 0 : i32
      %dma_wait3A_344 = arith.constant 0 : i32
      %dma_wait3A_345 = tpu.memref_slice %arg3[%dma_wait3A_343, %dma_wait3A_344] : memref<1000000x64xbf16, #tpu.memory_space<hbm>> -> memref<1000000x64xbf16, #tpu.memory_space<hbm>>
      tpu.wait_indirect_dma semaphore(%arg8 : memref<!tpu.dma_semaphore, #tpu.memory_space<semaphore_mem>>) src(%dma_wait3A_345 : memref<1000000x64xbf16, #tpu.memory_space<hbm>>) dst(%dma_wait3A_339 : memref<96x64xbf16, #tpu.memory_space<vmem>>)
      %dma_wait3A_346 = arith.constant 0 : i32
      %dma_wait3A_347 = arith.constant 1 : i32
      %dma_wait3A_348 = arith.constant 0 : i32
      %dma_wait3A_349 = arith.constant 200 : i32
      %dma_wait3A_350 = arith.constant 0 : i32
      %dma_wait3A_351 = tpu.memref_slice %arg6[%dma_wait3A_348, %dma_wait3A_349, %dma_wait3A_350] : memref<2x1600x64xbf16, #tpu.memory_space<vmem>> -> memref<1x104x64xbf16, #tpu.memory_space<vmem>>
      %dma_wait3A_352 = tpu.memref_squeeze %dma_wait3A_351 : memref<1x104x64xbf16, #tpu.memory_space<vmem>> -> memref<104x64xbf16, #tpu.memory_space<vmem>>
      %dma_wait3A_353 = arith.constant 0 : i32
      %dma_wait3A_354 = tpu.memref_slice %arg5[%dma_wait3A_346, %dma_wait3A_347, %dma_wait3A_353] : memref<2x8x200xi32, #tpu.memory_space<vmem>> -> memref<1x1x104xi32, #tpu.memory_space<vmem>>
      %dma_wait3A_355 = tpu.memref_squeeze %dma_wait3A_354 : memref<1x1x104xi32, #tpu.memory_space<vmem>> -> memref<104xi32, #tpu.memory_space<vmem>>
      %dma_wait3A_356 = arith.constant 0 : i32
      %dma_wait3A_357 = arith.constant 0 : i32
      %dma_wait3A_358 = tpu.memref_slice %arg3[%dma_wait3A_356, %dma_wait3A_357] : memref<1000000x64xbf16, #tpu.memory_space<hbm>> -> memref<1000000x64xbf16, #tpu.memory_space<hbm>>
      tpu.wait_indirect_dma semaphore(%arg8 : memref<!tpu.dma_semaphore, #tpu.memory_space<semaphore_mem>>) src(%dma_wait3A_358 : memref<1000000x64xbf16, #tpu.memory_space<hbm>>) dst(%dma_wait3A_352 : memref<104x64xbf16, #tpu.memory_space<vmem>>)
      %dma_wait3A_359 = arith.constant 0 : i32
      %dma_wait3A_360 = arith.constant 1 : i32
      %dma_wait3A_361 = arith.constant 0 : i32
      %dma_wait3A_362 = arith.constant 304 : i32
      %dma_wait3A_363 = arith.constant 0 : i32
      %dma_wait3A_364 = tpu.memref_slice %arg6[%dma_wait3A_361, %dma_wait3A_362, %dma_wait3A_363] : memref<2x1600x64xbf16, #tpu.memory_space<vmem>> -> memref<1x96x64xbf16, #tpu.memory_space<vmem>>
      %dma_wait3A_365 = tpu.memref_squeeze %dma_wait3A_364 : memref<1x96x64xbf16, #tpu.memory_space<vmem>> -> memref<96x64xbf16, #tpu.memory_space<vmem>>
      %dma_wait3A_366 = arith.constant 104 : i32
      %dma_wait3A_367 = tpu.memref_slice %arg5[%dma_wait3A_359, %dma_wait3A_360, %dma_wait3A_366] : memref<2x8x200xi32, #tpu.memory_space<vmem>> -> memref<1x1x96xi32, #tpu.memory_space<vmem>>
      %dma_wait3A_368 = tpu.memref_squeeze %dma_wait3A_367 : memref<1x1x96xi32, #tpu.memory_space<vmem>> -> memref<96xi32, #tpu.memory_space<vmem>>
      %dma_wait3A_369 = arith.constant 0 : i32
      %dma_wait3A_370 = arith.constant 0 : i32
      %dma_wait3A_371 = tpu.memref_slice %arg3[%dma_wait3A_369, %dma_wait3A_370] : memref<1000000x64xbf16, #tpu.memory_space<hbm>> -> memref<1000000x64xbf16, #tpu.memory_space<hbm>>
      tpu.wait_indirect_dma semaphore(%arg8 : memref<!tpu.dma_semaphore, #tpu.memory_space<semaphore_mem>>) src(%dma_wait3A_371 : memref<1000000x64xbf16, #tpu.memory_space<hbm>>) dst(%dma_wait3A_365 : memref<96x64xbf16, #tpu.memory_space<vmem>>)
      %dma_wait3A_372 = arith.constant 0 : i32
      %dma_wait3A_373 = arith.constant 2 : i32
      %dma_wait3A_374 = arith.constant 0 : i32
      %dma_wait3A_375 = arith.constant 400 : i32
      %dma_wait3A_376 = arith.constant 0 : i32
      %dma_wait3A_377 = tpu.memref_slice %arg6[%dma_wait3A_374, %dma_wait3A_375, %dma_wait3A_376] : memref<2x1600x64xbf16, #tpu.memory_space<vmem>> -> memref<1x104x64xbf16, #tpu.memory_space<vmem>>
      %dma_wait3A_378 = tpu.memref_squeeze %dma_wait3A_377 : memref<1x104x64xbf16, #tpu.memory_space<vmem>> -> memref<104x64xbf16, #tpu.memory_space<vmem>>
      %dma_wait3A_379 = arith.constant 0 : i32
      %dma_wait3A_380 = tpu.memref_slice %arg5[%dma_wait3A_372, %dma_wait3A_373, %dma_wait3A_379] : memref<2x8x200xi32, #tpu.memory_space<vmem>> -> memref<1x1x104xi32, #tpu.memory_space<vmem>>
      %dma_wait3A_381 = tpu.memref_squeeze %dma_wait3A_380 : memref<1x1x104xi32, #tpu.memory_space<vmem>> -> memref<104xi32, #tpu.memory_space<vmem>>
      %dma_wait3A_382 = arith.constant 0 : i32
      %dma_wait3A_383 = arith.constant 0 : i32
      %dma_wait3A_384 = tpu.memref_slice %arg3[%dma_wait3A_382, %dma_wait3A_383] : memref<1000000x64xbf16, #tpu.memory_space<hbm>> -> memref<1000000x64xbf16, #tpu.memory_space<hbm>>
      tpu.wait_indirect_dma semaphore(%arg8 : memref<!tpu.dma_semaphore, #tpu.memory_space<semaphore_mem>>) src(%dma_wait3A_384 : memref<1000000x64xbf16, #tpu.memory_space<hbm>>) dst(%dma_wait3A_378 : memref<104x64xbf16, #tpu.memory_space<vmem>>)
      %dma_wait3A_385 = arith.constant 0 : i32
      %dma_wait3A_386 = arith.constant 2 : i32
      %dma_wait3A_387 = arith.constant 0 : i32
      %dma_wait3A_388 = arith.constant 504 : i32
      %dma_wait3A_389 = arith.constant 0 : i32
      %dma_wait3A_390 = tpu.memref_slice %arg6[%dma_wait3A_387, %dma_wait3A_388, %dma_wait3A_389] : memref<2x1600x64xbf16, #tpu.memory_space<vmem>> -> memref<1x96x64xbf16, #tpu.memory_space<vmem>>
      %dma_wait3A_391 = tpu.memref_squeeze %dma_wait3A_390 : memref<1x96x64xbf16, #tpu.memory_space<vmem>> -> memref<96x64xbf16, #tpu.memory_space<vmem>>
      %dma_wait3A_392 = arith.constant 104 : i32
      %dma_wait3A_393 = tpu.memref_slice %arg5[%dma_wait3A_385, %dma_wait3A_386, %dma_wait3A_392] : memref<2x8x200xi32, #tpu.memory_space<vmem>> -> memref<1x1x96xi32, #tpu.memory_space<vmem>>
      %dma_wait3A_394 = tpu.memref_squeeze %dma_wait3A_393 : memref<1x1x96xi32, #tpu.memory_space<vmem>> -> memref<96xi32, #tpu.memory_space<vmem>>
      %dma_wait3A_395 = arith.constant 0 : i32
      %dma_wait3A_396 = arith.constant 0 : i32
      %dma_wait3A_397 = tpu.memref_slice %arg3[%dma_wait3A_395, %dma_wait3A_396] : memref<1000000x64xbf16, #tpu.memory_space<hbm>> -> memref<1000000x64xbf16, #tpu.memory_space<hbm>>
      tpu.wait_indirect_dma semaphore(%arg8 : memref<!tpu.dma_semaphore, #tpu.memory_space<semaphore_mem>>) src(%dma_wait3A_397 : memref<1000000x64xbf16, #tpu.memory_space<hbm>>) dst(%dma_wait3A_391 : memref<96x64xbf16, #tpu.memory_space<vmem>>)
      %dma_wait3A_398 = arith.constant 0 : i32
      %dma_wait3A_399 = arith.constant 3 : i32
      %dma_wait3A_400 = arith.constant 0 : i32
      %dma_wait3A_401 = arith.constant 600 : i32
      %dma_wait3A_402 = arith.constant 0 : i32
      %dma_wait3A_403 = tpu.memref_slice %arg6[%dma_wait3A_400, %dma_wait3A_401, %dma_wait3A_402] : memref<2x1600x64xbf16, #tpu.memory_space<vmem>> -> memref<1x104x64xbf16, #tpu.memory_space<vmem>>
      %dma_wait3A_404 = tpu.memref_squeeze %dma_wait3A_403 : memref<1x104x64xbf16, #tpu.memory_space<vmem>> -> memref<104x64xbf16, #tpu.memory_space<vmem>>
      %dma_wait3A_405 = arith.constant 0 : i32
      %dma_wait3A_406 = tpu.memref_slice %arg5[%dma_wait3A_398, %dma_wait3A_399, %dma_wait3A_405] : memref<2x8x200xi32, #tpu.memory_space<vmem>> -> memref<1x1x104xi32, #tpu.memory_space<vmem>>
      %dma_wait3A_407 = tpu.memref_squeeze %dma_wait3A_406 : memref<1x1x104xi32, #tpu.memory_space<vmem>> -> memref<104xi32, #tpu.memory_space<vmem>>
      %dma_wait3A_408 = arith.constant 0 : i32
      %dma_wait3A_409 = arith.constant 0 : i32
      %dma_wait3A_410 = tpu.memref_slice %arg3[%dma_wait3A_408, %dma_wait3A_409] : memref<1000000x64xbf16, #tpu.memory_space<hbm>> -> memref<1000000x64xbf16, #tpu.memory_space<hbm>>
      tpu.wait_indirect_dma semaphore(%arg8 : memref<!tpu.dma_semaphore, #tpu.memory_space<semaphore_mem>>) src(%dma_wait3A_410 : memref<1000000x64xbf16, #tpu.memory_space<hbm>>) dst(%dma_wait3A_404 : memref<104x64xbf16, #tpu.memory_space<vmem>>)
      %dma_wait3A_411 = arith.constant 0 : i32
      %dma_wait3A_412 = arith.constant 3 : i32
      %dma_wait3A_413 = arith.constant 0 : i32
      %dma_wait3A_414 = arith.constant 704 : i32
      %dma_wait3A_415 = arith.constant 0 : i32
      %dma_wait3A_416 = tpu.memref_slice %arg6[%dma_wait3A_413, %dma_wait3A_414, %dma_wait3A_415] : memref<2x1600x64xbf16, #tpu.memory_space<vmem>> -> memref<1x96x64xbf16, #tpu.memory_space<vmem>>
      %dma_wait3A_417 = tpu.memref_squeeze %dma_wait3A_416 : memref<1x96x64xbf16, #tpu.memory_space<vmem>> -> memref<96x64xbf16, #tpu.memory_space<vmem>>
      %dma_wait3A_418 = arith.constant 104 : i32
      %dma_wait3A_419 = tpu.memref_slice %arg5[%dma_wait3A_411, %dma_wait3A_412, %dma_wait3A_418] : memref<2x8x200xi32, #tpu.memory_space<vmem>> -> memref<1x1x96xi32, #tpu.memory_space<vmem>>
      %dma_wait3A_420 = tpu.memref_squeeze %dma_wait3A_419 : memref<1x1x96xi32, #tpu.memory_space<vmem>> -> memref<96xi32, #tpu.memory_space<vmem>>
      %dma_wait3A_421 = arith.constant 0 : i32
      %dma_wait3A_422 = arith.constant 0 : i32
      %dma_wait3A_423 = tpu.memref_slice %arg3[%dma_wait3A_421, %dma_wait3A_422] : memref<1000000x64xbf16, #tpu.memory_space<hbm>> -> memref<1000000x64xbf16, #tpu.memory_space<hbm>>
      tpu.wait_indirect_dma semaphore(%arg8 : memref<!tpu.dma_semaphore, #tpu.memory_space<semaphore_mem>>) src(%dma_wait3A_423 : memref<1000000x64xbf16, #tpu.memory_space<hbm>>) dst(%dma_wait3A_417 : memref<96x64xbf16, #tpu.memory_space<vmem>>)
      %dma_wait3A_424 = arith.constant 0 : i32
      %dma_wait3A_425 = arith.constant 4 : i32
      %dma_wait3A_426 = arith.constant 0 : i32
      %dma_wait3A_427 = arith.constant 800 : i32
      %dma_wait3A_428 = arith.constant 0 : i32
      %dma_wait3A_429 = tpu.memref_slice %arg6[%dma_wait3A_426, %dma_wait3A_427, %dma_wait3A_428] : memref<2x1600x64xbf16, #tpu.memory_space<vmem>> -> memref<1x104x64xbf16, #tpu.memory_space<vmem>>
      %dma_wait3A_430 = tpu.memref_squeeze %dma_wait3A_429 : memref<1x104x64xbf16, #tpu.memory_space<vmem>> -> memref<104x64xbf16, #tpu.memory_space<vmem>>
      %dma_wait3A_431 = arith.constant 0 : i32
      %dma_wait3A_432 = tpu.memref_slice %arg5[%dma_wait3A_424, %dma_wait3A_425, %dma_wait3A_431] : memref<2x8x200xi32, #tpu.memory_space<vmem>> -> memref<1x1x104xi32, #tpu.memory_space<vmem>>
      %dma_wait3A_433 = tpu.memref_squeeze %dma_wait3A_432 : memref<1x1x104xi32, #tpu.memory_space<vmem>> -> memref<104xi32, #tpu.memory_space<vmem>>
      %dma_wait3A_434 = arith.constant 0 : i32
      %dma_wait3A_435 = arith.constant 0 : i32
      %dma_wait3A_436 = tpu.memref_slice %arg3[%dma_wait3A_434, %dma_wait3A_435] : memref<1000000x64xbf16, #tpu.memory_space<hbm>> -> memref<1000000x64xbf16, #tpu.memory_space<hbm>>
      tpu.wait_indirect_dma semaphore(%arg8 : memref<!tpu.dma_semaphore, #tpu.memory_space<semaphore_mem>>) src(%dma_wait3A_436 : memref<1000000x64xbf16, #tpu.memory_space<hbm>>) dst(%dma_wait3A_430 : memref<104x64xbf16, #tpu.memory_space<vmem>>)
      %dma_wait3A_437 = arith.constant 0 : i32
      %dma_wait3A_438 = arith.constant 4 : i32
      %dma_wait3A_439 = arith.constant 0 : i32
      %dma_wait3A_440 = arith.constant 904 : i32
      %dma_wait3A_441 = arith.constant 0 : i32
      %dma_wait3A_442 = tpu.memref_slice %arg6[%dma_wait3A_439, %dma_wait3A_440, %dma_wait3A_441] : memref<2x1600x64xbf16, #tpu.memory_space<vmem>> -> memref<1x96x64xbf16, #tpu.memory_space<vmem>>
      %dma_wait3A_443 = tpu.memref_squeeze %dma_wait3A_442 : memref<1x96x64xbf16, #tpu.memory_space<vmem>> -> memref<96x64xbf16, #tpu.memory_space<vmem>>
      %dma_wait3A_444 = arith.constant 104 : i32
      %dma_wait3A_445 = tpu.memref_slice %arg5[%dma_wait3A_437, %dma_wait3A_438, %dma_wait3A_444] : memref<2x8x200xi32, #tpu.memory_space<vmem>> -> memref<1x1x96xi32, #tpu.memory_space<vmem>>
      %dma_wait3A_446 = tpu.memref_squeeze %dma_wait3A_445 : memref<1x1x96xi32, #tpu.memory_space<vmem>> -> memref<96xi32, #tpu.memory_space<vmem>>
      %dma_wait3A_447 = arith.constant 0 : i32
      %dma_wait3A_448 = arith.constant 0 : i32
      %dma_wait3A_449 = tpu.memref_slice %arg3[%dma_wait3A_447, %dma_wait3A_448] : memref<1000000x64xbf16, #tpu.memory_space<hbm>> -> memref<1000000x64xbf16, #tpu.memory_space<hbm>>
      tpu.wait_indirect_dma semaphore(%arg8 : memref<!tpu.dma_semaphore, #tpu.memory_space<semaphore_mem>>) src(%dma_wait3A_449 : memref<1000000x64xbf16, #tpu.memory_space<hbm>>) dst(%dma_wait3A_443 : memref<96x64xbf16, #tpu.memory_space<vmem>>)
      %dma_wait3A_450 = arith.constant 0 : i32
      %dma_wait3A_451 = arith.constant 5 : i32
      %dma_wait3A_452 = arith.constant 0 : i32
      %dma_wait3A_453 = arith.constant 1000 : i32
      %dma_wait3A_454 = arith.constant 0 : i32
      %dma_wait3A_455 = tpu.memref_slice %arg6[%dma_wait3A_452, %dma_wait3A_453, %dma_wait3A_454] : memref<2x1600x64xbf16, #tpu.memory_space<vmem>> -> memref<1x104x64xbf16, #tpu.memory_space<vmem>>
      %dma_wait3A_456 = tpu.memref_squeeze %dma_wait3A_455 : memref<1x104x64xbf16, #tpu.memory_space<vmem>> -> memref<104x64xbf16, #tpu.memory_space<vmem>>
      %dma_wait3A_457 = arith.constant 0 : i32
      %dma_wait3A_458 = tpu.memref_slice %arg5[%dma_wait3A_450, %dma_wait3A_451, %dma_wait3A_457] : memref<2x8x200xi32, #tpu.memory_space<vmem>> -> memref<1x1x104xi32, #tpu.memory_space<vmem>>
      %dma_wait3A_459 = tpu.memref_squeeze %dma_wait3A_458 : memref<1x1x104xi32, #tpu.memory_space<vmem>> -> memref<104xi32, #tpu.memory_space<vmem>>
      %dma_wait3A_460 = arith.constant 0 : i32
      %dma_wait3A_461 = arith.constant 0 : i32
      %dma_wait3A_462 = tpu.memref_slice %arg3[%dma_wait3A_460, %dma_wait3A_461] : memref<1000000x64xbf16, #tpu.memory_space<hbm>> -> memref<1000000x64xbf16, #tpu.memory_space<hbm>>
      tpu.wait_indirect_dma semaphore(%arg8 : memref<!tpu.dma_semaphore, #tpu.memory_space<semaphore_mem>>) src(%dma_wait3A_462 : memref<1000000x64xbf16, #tpu.memory_space<hbm>>) dst(%dma_wait3A_456 : memref<104x64xbf16, #tpu.memory_space<vmem>>)
      %dma_wait3A_463 = arith.constant 0 : i32
      %dma_wait3A_464 = arith.constant 5 : i32
      %dma_wait3A_465 = arith.constant 0 : i32
      %dma_wait3A_466 = arith.constant 1104 : i32
      %dma_wait3A_467 = arith.constant 0 : i32
      %dma_wait3A_468 = tpu.memref_slice %arg6[%dma_wait3A_465, %dma_wait3A_466, %dma_wait3A_467] : memref<2x1600x64xbf16, #tpu.memory_space<vmem>> -> memref<1x96x64xbf16, #tpu.memory_space<vmem>>
      %dma_wait3A_469 = tpu.memref_squeeze %dma_wait3A_468 : memref<1x96x64xbf16, #tpu.memory_space<vmem>> -> memref<96x64xbf16, #tpu.memory_space<vmem>>
      %dma_wait3A_470 = arith.constant 104 : i32
      %dma_wait3A_471 = tpu.memref_slice %arg5[%dma_wait3A_463, %dma_wait3A_464, %dma_wait3A_470] : memref<2x8x200xi32, #tpu.memory_space<vmem>> -> memref<1x1x96xi32, #tpu.memory_space<vmem>>
      %dma_wait3A_472 = tpu.memref_squeeze %dma_wait3A_471 : memref<1x1x96xi32, #tpu.memory_space<vmem>> -> memref<96xi32, #tpu.memory_space<vmem>>
      %dma_wait3A_473 = arith.constant 0 : i32
      %dma_wait3A_474 = arith.constant 0 : i32
      %dma_wait3A_475 = tpu.memref_slice %arg3[%dma_wait3A_473, %dma_wait3A_474] : memref<1000000x64xbf16, #tpu.memory_space<hbm>> -> memref<1000000x64xbf16, #tpu.memory_space<hbm>>
      tpu.wait_indirect_dma semaphore(%arg8 : memref<!tpu.dma_semaphore, #tpu.memory_space<semaphore_mem>>) src(%dma_wait3A_475 : memref<1000000x64xbf16, #tpu.memory_space<hbm>>) dst(%dma_wait3A_469 : memref<96x64xbf16, #tpu.memory_space<vmem>>)
      %dma_wait3A_476 = arith.constant 0 : i32
      %dma_wait3A_477 = arith.constant 6 : i32
      %dma_wait3A_478 = arith.constant 0 : i32
      %dma_wait3A_479 = arith.constant 1200 : i32
      %dma_wait3A_480 = arith.constant 0 : i32
      %dma_wait3A_481 = tpu.memref_slice %arg6[%dma_wait3A_478, %dma_wait3A_479, %dma_wait3A_480] : memref<2x1600x64xbf16, #tpu.memory_space<vmem>> -> memref<1x104x64xbf16, #tpu.memory_space<vmem>>
      %dma_wait3A_482 = tpu.memref_squeeze %dma_wait3A_481 : memref<1x104x64xbf16, #tpu.memory_space<vmem>> -> memref<104x64xbf16, #tpu.memory_space<vmem>>
      %dma_wait3A_483 = arith.constant 0 : i32
      %dma_wait3A_484 = tpu.memref_slice %arg5[%dma_wait3A_476, %dma_wait3A_477, %dma_wait3A_483] : memref<2x8x200xi32, #tpu.memory_space<vmem>> -> memref<1x1x104xi32, #tpu.memory_space<vmem>>
      %dma_wait3A_485 = tpu.memref_squeeze %dma_wait3A_484 : memref<1x1x104xi32, #tpu.memory_space<vmem>> -> memref<104xi32, #tpu.memory_space<vmem>>
      %dma_wait3A_486 = arith.constant 0 : i32
      %dma_wait3A_487 = arith.constant 0 : i32
      %dma_wait3A_488 = tpu.memref_slice %arg3[%dma_wait3A_486, %dma_wait3A_487] : memref<1000000x64xbf16, #tpu.memory_space<hbm>> -> memref<1000000x64xbf16, #tpu.memory_space<hbm>>
      tpu.wait_indirect_dma semaphore(%arg8 : memref<!tpu.dma_semaphore, #tpu.memory_space<semaphore_mem>>) src(%dma_wait3A_488 : memref<1000000x64xbf16, #tpu.memory_space<hbm>>) dst(%dma_wait3A_482 : memref<104x64xbf16, #tpu.memory_space<vmem>>)
      %dma_wait3A_489 = arith.constant 0 : i32
      %dma_wait3A_490 = arith.constant 6 : i32
      %dma_wait3A_491 = arith.constant 0 : i32
      %dma_wait3A_492 = arith.constant 1304 : i32
      %dma_wait3A_493 = arith.constant 0 : i32
      %dma_wait3A_494 = tpu.memref_slice %arg6[%dma_wait3A_491, %dma_wait3A_492, %dma_wait3A_493] : memref<2x1600x64xbf16, #tpu.memory_space<vmem>> -> memref<1x96x64xbf16, #tpu.memory_space<vmem>>
      %dma_wait3A_495 = tpu.memref_squeeze %dma_wait3A_494 : memref<1x96x64xbf16, #tpu.memory_space<vmem>> -> memref<96x64xbf16, #tpu.memory_space<vmem>>
      %dma_wait3A_496 = arith.constant 104 : i32
      %dma_wait3A_497 = tpu.memref_slice %arg5[%dma_wait3A_489, %dma_wait3A_490, %dma_wait3A_496] : memref<2x8x200xi32, #tpu.memory_space<vmem>> -> memref<1x1x96xi32, #tpu.memory_space<vmem>>
      %dma_wait3A_498 = tpu.memref_squeeze %dma_wait3A_497 : memref<1x1x96xi32, #tpu.memory_space<vmem>> -> memref<96xi32, #tpu.memory_space<vmem>>
      %dma_wait3A_499 = arith.constant 0 : i32
      %dma_wait3A_500 = arith.constant 0 : i32
      %dma_wait3A_501 = tpu.memref_slice %arg3[%dma_wait3A_499, %dma_wait3A_500] : memref<1000000x64xbf16, #tpu.memory_space<hbm>> -> memref<1000000x64xbf16, #tpu.memory_space<hbm>>
      tpu.wait_indirect_dma semaphore(%arg8 : memref<!tpu.dma_semaphore, #tpu.memory_space<semaphore_mem>>) src(%dma_wait3A_501 : memref<1000000x64xbf16, #tpu.memory_space<hbm>>) dst(%dma_wait3A_495 : memref<96x64xbf16, #tpu.memory_space<vmem>>)
      %dma_wait3A_502 = arith.constant 0 : i32
      %dma_wait3A_503 = arith.constant 7 : i32
      %dma_wait3A_504 = arith.constant 0 : i32
      %dma_wait3A_505 = arith.constant 1400 : i32
      %dma_wait3A_506 = arith.constant 0 : i32
      %dma_wait3A_507 = tpu.memref_slice %arg6[%dma_wait3A_504, %dma_wait3A_505, %dma_wait3A_506] : memref<2x1600x64xbf16, #tpu.memory_space<vmem>> -> memref<1x104x64xbf16, #tpu.memory_space<vmem>>
      %dma_wait3A_508 = tpu.memref_squeeze %dma_wait3A_507 : memref<1x104x64xbf16, #tpu.memory_space<vmem>> -> memref<104x64xbf16, #tpu.memory_space<vmem>>
      %dma_wait3A_509 = arith.constant 0 : i32
      %dma_wait3A_510 = tpu.memref_slice %arg5[%dma_wait3A_502, %dma_wait3A_503, %dma_wait3A_509] : memref<2x8x200xi32, #tpu.memory_space<vmem>> -> memref<1x1x104xi32, #tpu.memory_space<vmem>>
      %dma_wait3A_511 = tpu.memref_squeeze %dma_wait3A_510 : memref<1x1x104xi32, #tpu.memory_space<vmem>> -> memref<104xi32, #tpu.memory_space<vmem>>
      %dma_wait3A_512 = arith.constant 0 : i32
      %dma_wait3A_513 = arith.constant 0 : i32
      %dma_wait3A_514 = tpu.memref_slice %arg3[%dma_wait3A_512, %dma_wait3A_513] : memref<1000000x64xbf16, #tpu.memory_space<hbm>> -> memref<1000000x64xbf16, #tpu.memory_space<hbm>>
      tpu.wait_indirect_dma semaphore(%arg8 : memref<!tpu.dma_semaphore, #tpu.memory_space<semaphore_mem>>) src(%dma_wait3A_514 : memref<1000000x64xbf16, #tpu.memory_space<hbm>>) dst(%dma_wait3A_508 : memref<104x64xbf16, #tpu.memory_space<vmem>>)
      %dma_wait3A_515 = arith.constant 0 : i32
      %dma_wait3A_516 = arith.constant 7 : i32
      %dma_wait3A_517 = arith.constant 0 : i32
      %dma_wait3A_518 = arith.constant 1504 : i32
      %dma_wait3A_519 = arith.constant 0 : i32
      %dma_wait3A_520 = tpu.memref_slice %arg6[%dma_wait3A_517, %dma_wait3A_518, %dma_wait3A_519] : memref<2x1600x64xbf16, #tpu.memory_space<vmem>> -> memref<1x96x64xbf16, #tpu.memory_space<vmem>>
      %dma_wait3A_521 = tpu.memref_squeeze %dma_wait3A_520 : memref<1x96x64xbf16, #tpu.memory_space<vmem>> -> memref<96x64xbf16, #tpu.memory_space<vmem>>
      %dma_wait3A_522 = arith.constant 104 : i32
      %dma_wait3A_523 = tpu.memref_slice %arg5[%dma_wait3A_515, %dma_wait3A_516, %dma_wait3A_522] : memref<2x8x200xi32, #tpu.memory_space<vmem>> -> memref<1x1x96xi32, #tpu.memory_space<vmem>>
      %dma_wait3A_524 = tpu.memref_squeeze %dma_wait3A_523 : memref<1x1x96xi32, #tpu.memory_space<vmem>> -> memref<96xi32, #tpu.memory_space<vmem>>
      %dma_wait3A_525 = arith.constant 0 : i32
      %dma_wait3A_526 = arith.constant 0 : i32
      %dma_wait3A_527 = tpu.memref_slice %arg3[%dma_wait3A_525, %dma_wait3A_526] : memref<1000000x64xbf16, #tpu.memory_space<hbm>> -> memref<1000000x64xbf16, #tpu.memory_space<hbm>>
      tpu.wait_indirect_dma semaphore(%arg8 : memref<!tpu.dma_semaphore, #tpu.memory_space<semaphore_mem>>) src(%dma_wait3A_527 : memref<1000000x64xbf16, #tpu.memory_space<hbm>>) dst(%dma_wait3A_521 : memref<96x64xbf16, #tpu.memory_space<vmem>>)
      %add3A_528 = arith.constant 1 : i32
      %add3A_529 = arith.addi %scan3A_85, %add3A_528 : i32
      %lt3A = arith.constant 8 : i32
      %lt3A_530 = arith.cmpi slt, %add3A_529, %lt3A : i32
      %convert_element_type3A_531 = arith.extui %lt3A_530 : i1 to i32
      %cond3A_532 = arith.constant 0 : i32
      %cond3A_533 = arith.cmpi ne, %convert_element_type3A_531, %cond3A_532 : i32
      scf.if %cond3A_533 {
        %add3A_1026 = arith.constant 16 : i32
        %add3A_1027 = arith.addi %mul3A_91, %add3A_1026 : i32
        %add3A_1028 = arith.addi %mul3A_2, %add3A_1027 : i32
        %multiple_of3A_1029 = tpu.assume_multiple %add3A_1028, 8 : i32
        %dma_start3A_1030 = arith.constant 0 : i32
        %dma_start3A_1031 = arith.constant 0 : i32
        %dma_start3A_1032 = arith.constant 0 : i32
        %dma_start3A_1033 = arith.constant 0 : i32
        %dma_start3A_1034 = tpu.memref_slice %arg5[%dma_start3A_1030, %dma_start3A_1032, %dma_start3A_1033] : memref<2x8x200xi32, #tpu.memory_space<vmem>> -> memref<1x8x200xi32, #tpu.memory_space<vmem>>
        %dma_start3A_1035 = tpu.memref_squeeze %dma_start3A_1034 : memref<1x8x200xi32, #tpu.memory_space<vmem>> -> memref<8x200xi32, #tpu.memory_space<vmem>>
        %dma_start3A_1036 = arith.constant 0 : i32
        %dma_start3A_1037 = tpu.memref_slice %arg2[%multiple_of3A_1029, %dma_start3A_1036] : memref<4096x200xi32, #tpu.memory_space<hbm>> -> memref<8x200xi32, #tpu.memory_space<hbm>>
        %dma_start3A_1038 = tpu.memref_slice %arg7[%dma_start3A_1031] : memref<2x!tpu.dma_semaphore, #tpu.memory_space<semaphore_mem>> -> memref<1x!tpu.dma_semaphore, #tpu.memory_space<semaphore_mem>>
        %dma_start3A_1039 = tpu.memref_squeeze %dma_start3A_1038 : memref<1x!tpu.dma_semaphore, #tpu.memory_space<semaphore_mem>> -> memref<!tpu.dma_semaphore, #tpu.memory_space<semaphore_mem>>
        %dma_start3A_1040 = arith.constant 0 : i32
        %dma_start3A_1041 = arith.constant 0 : i32
        %dma_start3A_1042 = tpu.memref_slice %arg5[%dma_start3A_1030, %dma_start3A_1040, %dma_start3A_1041] : memref<2x8x200xi32, #tpu.memory_space<vmem>> -> memref<1x8x200xi32, #tpu.memory_space<vmem>>
        %dma_start3A_1043 = tpu.memref_squeeze %dma_start3A_1042 : memref<1x8x200xi32, #tpu.memory_space<vmem>> -> memref<8x200xi32, #tpu.memory_space<vmem>>
        %dma_start3A_1044 = arith.constant 0 : i32
        %dma_start3A_1045 = tpu.memref_slice %arg2[%multiple_of3A_1029, %dma_start3A_1044] : memref<4096x200xi32, #tpu.memory_space<hbm>> -> memref<8x200xi32, #tpu.memory_space<hbm>>
        tpu.enqueue_dma source(%dma_start3A_1045 : memref<8x200xi32, #tpu.memory_space<hbm>>) target(%dma_start3A_1043 : memref<8x200xi32, #tpu.memory_space<vmem>>) target_semaphore(%dma_start3A_1039 : memref<!tpu.dma_semaphore, #tpu.memory_space<semaphore_mem>>)
      } else {
      }
      %add3A_534 = arith.addi %mul3A_2, %mul3A_91 : i32
      %mul3A_535 = arith.constant 200 : i32
      %mul3A_536 = arith.muli %add3A_534, %mul3A_535 : i32
      %multiple_of3A_537 = tpu.assume_multiple %mul3A_536, 1600 : i32
      %dma_start3A_538 = arith.constant 0 : i32
      %dma_start3A_539 = arith.constant 0 : i32
      %dma_start3A_540 = arith.constant 0 : i32
      %dma_start3A_541 = arith.constant 0 : i32
      %dma_start3A_542 = tpu.memref_slice %arg6[%dma_start3A_538, %dma_start3A_540, %dma_start3A_541] : memref<2x1600x64xbf16, #tpu.memory_space<vmem>> -> memref<1x1600x64xbf16, #tpu.memory_space<vmem>>
      %dma_start3A_543 = tpu.memref_squeeze %dma_start3A_542 : memref<1x1600x64xbf16, #tpu.memory_space<vmem>> -> memref<1600x64xbf16, #tpu.memory_space<vmem>>
      %dma_start3A_544 = arith.constant 0 : i32
      %dma_start3A_545 = tpu.memref_slice %arg4[%multiple_of3A_537, %dma_start3A_544] : memref<819200x64xbf16, #tpu.memory_space<hbm>> -> memref<1600x64xbf16, #tpu.memory_space<hbm>>
      %dma_start3A_546 = tpu.memref_slice %arg9[%dma_start3A_539] : memref<2x!tpu.dma_semaphore, #tpu.memory_space<semaphore_mem>> -> memref<1x!tpu.dma_semaphore, #tpu.memory_space<semaphore_mem>>
      %dma_start3A_547 = tpu.memref_squeeze %dma_start3A_546 : memref<1x!tpu.dma_semaphore, #tpu.memory_space<semaphore_mem>> -> memref<!tpu.dma_semaphore, #tpu.memory_space<semaphore_mem>>
      %dma_start3A_548 = arith.constant 0 : i32
      %dma_start3A_549 = tpu.memref_slice %arg4[%multiple_of3A_537, %dma_start3A_548] : memref<819200x64xbf16, #tpu.memory_space<hbm>> -> memref<1600x64xbf16, #tpu.memory_space<hbm>>
      %dma_start3A_550 = arith.constant 0 : i32
      %dma_start3A_551 = arith.constant 0 : i32
      %dma_start3A_552 = tpu.memref_slice %arg6[%dma_start3A_538, %dma_start3A_550, %dma_start3A_551] : memref<2x1600x64xbf16, #tpu.memory_space<vmem>> -> memref<1x1600x64xbf16, #tpu.memory_space<vmem>>
      %dma_start3A_553 = tpu.memref_squeeze %dma_start3A_552 : memref<1x1600x64xbf16, #tpu.memory_space<vmem>> -> memref<1600x64xbf16, #tpu.memory_space<vmem>>
      tpu.enqueue_dma source(%dma_start3A_553 : memref<1600x64xbf16, #tpu.memory_space<vmem>>) target(%dma_start3A_549 : memref<1600x64xbf16, #tpu.memory_space<hbm>>) target_semaphore(%dma_start3A_547 : memref<!tpu.dma_semaphore, #tpu.memory_space<semaphore_mem>>)
      %mul3A_554 = arith.constant 2 : i32
      %mul3A_555 = arith.muli %scan3A_85, %mul3A_554 : i32
      %add3A_556 = arith.constant 1 : i32
      %add3A_557 = arith.addi %mul3A_555, %add3A_556 : i32
      %mul3A_558 = arith.constant 8 : i32
      %mul3A_559 = arith.muli %add3A_557, %mul3A_558 : i32
      %gt3A_560 = arith.constant 0 : i32
      %gt3A_561 = arith.cmpi sgt, %scan3A_85, %gt3A_560 : i32
      %convert_element_type3A_562 = arith.extui %gt3A_561 : i1 to i32
      %cond3A_563 = arith.constant 0 : i32
      %cond3A_564 = arith.cmpi ne, %convert_element_type3A_562, %cond3A_563 : i32
      scf.if %cond3A_564 {
        %add3A_1026 = arith.addi %mul3A_2, %mul3A_559 : i32
        %mul3A_1027 = arith.constant 200 : i32
        %mul3A_1028 = arith.muli %add3A_1026, %mul3A_1027 : i32
        %multiple_of3A_1029 = tpu.assume_multiple %mul3A_1028, 1600 : i32
        %dma_wait3A_1030 = arith.constant 1 : i32
        %dma_wait3A_1031 = arith.constant 1 : i32
        %dma_wait3A_1032 = arith.constant 0 : i32
        %dma_wait3A_1033 = arith.constant 0 : i32
        %dma_wait3A_1034 = tpu.memref_slice %arg6[%dma_wait3A_1030, %dma_wait3A_1032, %dma_wait3A_1033] : memref<2x1600x64xbf16, #tpu.memory_space<vmem>> -> memref<1x1600x64xbf16, #tpu.memory_space<vmem>>
        %dma_wait3A_1035 = tpu.memref_squeeze %dma_wait3A_1034 : memref<1x1600x64xbf16, #tpu.memory_space<vmem>> -> memref<1600x64xbf16, #tpu.memory_space<vmem>>
        %dma_wait3A_1036 = arith.constant 0 : i32
        %dma_wait3A_1037 = tpu.memref_slice %arg4[%multiple_of3A_1029, %dma_wait3A_1036] : memref<819200x64xbf16, #tpu.memory_space<hbm>> -> memref<1600x64xbf16, #tpu.memory_space<hbm>>
        %dma_wait3A_1038 = tpu.memref_slice %arg9[%dma_wait3A_1031] : memref<2x!tpu.dma_semaphore, #tpu.memory_space<semaphore_mem>> -> memref<1x!tpu.dma_semaphore, #tpu.memory_space<semaphore_mem>>
        %dma_wait3A_1039 = tpu.memref_squeeze %dma_wait3A_1038 : memref<1x!tpu.dma_semaphore, #tpu.memory_space<semaphore_mem>> -> memref<!tpu.dma_semaphore, #tpu.memory_space<semaphore_mem>>
        %dma_wait3A_1040 = arith.constant 0 : i32
        %dma_wait3A_1041 = tpu.memref_slice %arg4[%multiple_of3A_1029, %dma_wait3A_1040] : memref<819200x64xbf16, #tpu.memory_space<hbm>> -> memref<1600x64xbf16, #tpu.memory_space<hbm>>
        %dma_wait3A_1042 = arith.constant 0 : i32
        %dma_wait3A_1043 = arith.constant 0 : i32
        %dma_wait3A_1044 = tpu.memref_slice %arg6[%dma_wait3A_1030, %dma_wait3A_1042, %dma_wait3A_1043] : memref<2x1600x64xbf16, #tpu.memory_space<vmem>> -> memref<1x1600x64xbf16, #tpu.memory_space<vmem>>
        %dma_wait3A_1045 = tpu.memref_squeeze %dma_wait3A_1044 : memref<1x1600x64xbf16, #tpu.memory_space<vmem>> -> memref<1600x64xbf16, #tpu.memory_space<vmem>>
        tpu.wait_dma2 semaphore(%dma_wait3A_1039 : memref<!tpu.dma_semaphore, #tpu.memory_space<semaphore_mem>>) src(%dma_wait3A_1045 : memref<1600x64xbf16, #tpu.memory_space<vmem>>) dst(%dma_wait3A_1041 : memref<1600x64xbf16, #tpu.memory_space<hbm>>)
      } else {
      }
      %add3A_565 = arith.addi %mul3A_2, %mul3A_559 : i32
      %multiple_of3A_566 = tpu.assume_multiple %add3A_565, 8 : i32
      %dma_wait3A_567 = arith.constant 1 : i32
      %dma_wait3A_568 = arith.constant 1 : i32
      %dma_wait3A_569 = arith.constant 0 : i32
      %dma_wait3A_570 = arith.constant 0 : i32
      %dma_wait3A_571 = tpu.memref_slice %arg5[%dma_wait3A_567, %dma_wait3A_569, %dma_wait3A_570] : memref<2x8x200xi32, #tpu.memory_space<vmem>> -> memref<1x8x200xi32, #tpu.memory_space<vmem>>
      %dma_wait3A_572 = tpu.memref_squeeze %dma_wait3A_571 : memref<1x8x200xi32, #tpu.memory_space<vmem>> -> memref<8x200xi32, #tpu.memory_space<vmem>>
      %dma_wait3A_573 = arith.constant 0 : i32
      %dma_wait3A_574 = tpu.memref_slice %arg2[%multiple_of3A_566, %dma_wait3A_573] : memref<4096x200xi32, #tpu.memory_space<hbm>> -> memref<8x200xi32, #tpu.memory_space<hbm>>
      %dma_wait3A_575 = tpu.memref_slice %arg7[%dma_wait3A_568] : memref<2x!tpu.dma_semaphore, #tpu.memory_space<semaphore_mem>> -> memref<1x!tpu.dma_semaphore, #tpu.memory_space<semaphore_mem>>
      %dma_wait3A_576 = tpu.memref_squeeze %dma_wait3A_575 : memref<1x!tpu.dma_semaphore, #tpu.memory_space<semaphore_mem>> -> memref<!tpu.dma_semaphore, #tpu.memory_space<semaphore_mem>>
      %dma_wait3A_577 = arith.constant 0 : i32
      %dma_wait3A_578 = arith.constant 0 : i32
      %dma_wait3A_579 = tpu.memref_slice %arg5[%dma_wait3A_567, %dma_wait3A_577, %dma_wait3A_578] : memref<2x8x200xi32, #tpu.memory_space<vmem>> -> memref<1x8x200xi32, #tpu.memory_space<vmem>>
      %dma_wait3A_580 = tpu.memref_squeeze %dma_wait3A_579 : memref<1x8x200xi32, #tpu.memory_space<vmem>> -> memref<8x200xi32, #tpu.memory_space<vmem>>
      %dma_wait3A_581 = arith.constant 0 : i32
      %dma_wait3A_582 = tpu.memref_slice %arg2[%multiple_of3A_566, %dma_wait3A_581] : memref<4096x200xi32, #tpu.memory_space<hbm>> -> memref<8x200xi32, #tpu.memory_space<hbm>>
      tpu.wait_dma2 semaphore(%dma_wait3A_576 : memref<!tpu.dma_semaphore, #tpu.memory_space<semaphore_mem>>) src(%dma_wait3A_582 : memref<8x200xi32, #tpu.memory_space<hbm>>) dst(%dma_wait3A_580 : memref<8x200xi32, #tpu.memory_space<vmem>>)
      %dma_start3A_583 = arith.constant 1 : i32
      %dma_start3A_584 = arith.constant 0 : i32
      %dma_start3A_585 = arith.constant 1 : i32
      %dma_start3A_586 = arith.constant 0 : i32
      %dma_start3A_587 = arith.constant 0 : i32
      %dma_start3A_588 = tpu.memref_slice %arg6[%dma_start3A_585, %dma_start3A_586, %dma_start3A_587] : memref<2x1600x64xbf16, #tpu.memory_space<vmem>> -> memref<1x104x64xbf16, #tpu.memory_space<vmem>>
      %dma_start3A_589 = tpu.memref_squeeze %dma_start3A_588 : memref<1x104x64xbf16, #tpu.memory_space<vmem>> -> memref<104x64xbf16, #tpu.memory_space<vmem>>
      %dma_start3A_590 = arith.constant 0 : i32
      %dma_start3A_591 = tpu.memref_slice %arg5[%dma_start3A_583, %dma_start3A_584, %dma_start3A_590] : memref<2x8x200xi32, #tpu.memory_space<vmem>> -> memref<1x1x104xi32, #tpu.memory_space<vmem>>
      %dma_start3A_592 = tpu.memref_squeeze %dma_start3A_591 : memref<1x1x104xi32, #tpu.memory_space<vmem>> -> memref<104xi32, #tpu.memory_space<vmem>>
      %dma_start3A_593 = arith.constant 0 : i32
      %dma_start3A_594 = arith.constant 0 : i32
      %dma_start3A_595 = tpu.memref_slice %arg3[%dma_start3A_593, %dma_start3A_594] : memref<1000000x64xbf16, #tpu.memory_space<hbm>> -> memref<1000000x64xbf16, #tpu.memory_space<hbm>>
      tpu.enqueue_indirect_dma source(%dma_start3A_595 : memref<1000000x64xbf16, #tpu.memory_space<hbm>>) target(%dma_start3A_589 : memref<104x64xbf16, #tpu.memory_space<vmem>>) offsets(%dma_start3A_592 : memref<104xi32, #tpu.memory_space<vmem>>) semaphore(%arg8 : memref<!tpu.dma_semaphore, #tpu.memory_space<semaphore_mem>>)
      %dma_start3A_596 = arith.constant 1 : i32
      %dma_start3A_597 = arith.constant 0 : i32
      %dma_start3A_598 = arith.constant 1 : i32
      %dma_start3A_599 = arith.constant 104 : i32
      %dma_start3A_600 = arith.constant 0 : i32
      %dma_start3A_601 = tpu.memref_slice %arg6[%dma_start3A_598, %dma_start3A_599, %dma_start3A_600] : memref<2x1600x64xbf16, #tpu.memory_space<vmem>> -> memref<1x96x64xbf16, #tpu.memory_space<vmem>>
      %dma_start3A_602 = tpu.memref_squeeze %dma_start3A_601 : memref<1x96x64xbf16, #tpu.memory_space<vmem>> -> memref<96x64xbf16, #tpu.memory_space<vmem>>
      %dma_start3A_603 = arith.constant 104 : i32
      %dma_start3A_604 = tpu.memref_slice %arg5[%dma_start3A_596, %dma_start3A_597, %dma_start3A_603] : memref<2x8x200xi32, #tpu.memory_space<vmem>> -> memref<1x1x96xi32, #tpu.memory_space<vmem>>
      %dma_start3A_605 = tpu.memref_squeeze %dma_start3A_604 : memref<1x1x96xi32, #tpu.memory_space<vmem>> -> memref<96xi32, #tpu.memory_space<vmem>>
      %dma_start3A_606 = arith.constant 0 : i32
      %dma_start3A_607 = arith.constant 0 : i32
      %dma_start3A_608 = tpu.memref_slice %arg3[%dma_start3A_606, %dma_start3A_607] : memref<1000000x64xbf16, #tpu.memory_space<hbm>> -> memref<1000000x64xbf16, #tpu.memory_space<hbm>>
      tpu.enqueue_indirect_dma source(%dma_start3A_608 : memref<1000000x64xbf16, #tpu.memory_space<hbm>>) target(%dma_start3A_602 : memref<96x64xbf16, #tpu.memory_space<vmem>>) offsets(%dma_start3A_605 : memref<96xi32, #tpu.memory_space<vmem>>) semaphore(%arg8 : memref<!tpu.dma_semaphore, #tpu.memory_space<semaphore_mem>>)
      %dma_start3A_609 = arith.constant 1 : i32
      %dma_start3A_610 = arith.constant 1 : i32
      %dma_start3A_611 = arith.constant 1 : i32
      %dma_start3A_612 = arith.constant 200 : i32
      %dma_start3A_613 = arith.constant 0 : i32
      %dma_start3A_614 = tpu.memref_slice %arg6[%dma_start3A_611, %dma_start3A_612, %dma_start3A_613] : memref<2x1600x64xbf16, #tpu.memory_space<vmem>> -> memref<1x104x64xbf16, #tpu.memory_space<vmem>>
      %dma_start3A_615 = tpu.memref_squeeze %dma_start3A_614 : memref<1x104x64xbf16, #tpu.memory_space<vmem>> -> memref<104x64xbf16, #tpu.memory_space<vmem>>
      %dma_start3A_616 = arith.constant 0 : i32
      %dma_start3A_617 = tpu.memref_slice %arg5[%dma_start3A_609, %dma_start3A_610, %dma_start3A_616] : memref<2x8x200xi32, #tpu.memory_space<vmem>> -> memref<1x1x104xi32, #tpu.memory_space<vmem>>
      %dma_start3A_618 = tpu.memref_squeeze %dma_start3A_617 : memref<1x1x104xi32, #tpu.memory_space<vmem>> -> memref<104xi32, #tpu.memory_space<vmem>>
      %dma_start3A_619 = arith.constant 0 : i32
      %dma_start3A_620 = arith.constant 0 : i32
      %dma_start3A_621 = tpu.memref_slice %arg3[%dma_start3A_619, %dma_start3A_620] : memref<1000000x64xbf16, #tpu.memory_space<hbm>> -> memref<1000000x64xbf16, #tpu.memory_space<hbm>>
      tpu.enqueue_indirect_dma source(%dma_start3A_621 : memref<1000000x64xbf16, #tpu.memory_space<hbm>>) target(%dma_start3A_615 : memref<104x64xbf16, #tpu.memory_space<vmem>>) offsets(%dma_start3A_618 : memref<104xi32, #tpu.memory_space<vmem>>) semaphore(%arg8 : memref<!tpu.dma_semaphore, #tpu.memory_space<semaphore_mem>>)
      %dma_start3A_622 = arith.constant 1 : i32
      %dma_start3A_623 = arith.constant 1 : i32
      %dma_start3A_624 = arith.constant 1 : i32
      %dma_start3A_625 = arith.constant 304 : i32
      %dma_start3A_626 = arith.constant 0 : i32
      %dma_start3A_627 = tpu.memref_slice %arg6[%dma_start3A_624, %dma_start3A_625, %dma_start3A_626] : memref<2x1600x64xbf16, #tpu.memory_space<vmem>> -> memref<1x96x64xbf16, #tpu.memory_space<vmem>>
      %dma_start3A_628 = tpu.memref_squeeze %dma_start3A_627 : memref<1x96x64xbf16, #tpu.memory_space<vmem>> -> memref<96x64xbf16, #tpu.memory_space<vmem>>
      %dma_start3A_629 = arith.constant 104 : i32
      %dma_start3A_630 = tpu.memref_slice %arg5[%dma_start3A_622, %dma_start3A_623, %dma_start3A_629] : memref<2x8x200xi32, #tpu.memory_space<vmem>> -> memref<1x1x96xi32, #tpu.memory_space<vmem>>
      %dma_start3A_631 = tpu.memref_squeeze %dma_start3A_630 : memref<1x1x96xi32, #tpu.memory_space<vmem>> -> memref<96xi32, #tpu.memory_space<vmem>>
      %dma_start3A_632 = arith.constant 0 : i32
      %dma_start3A_633 = arith.constant 0 : i32
      %dma_start3A_634 = tpu.memref_slice %arg3[%dma_start3A_632, %dma_start3A_633] : memref<1000000x64xbf16, #tpu.memory_space<hbm>> -> memref<1000000x64xbf16, #tpu.memory_space<hbm>>
      tpu.enqueue_indirect_dma source(%dma_start3A_634 : memref<1000000x64xbf16, #tpu.memory_space<hbm>>) target(%dma_start3A_628 : memref<96x64xbf16, #tpu.memory_space<vmem>>) offsets(%dma_start3A_631 : memref<96xi32, #tpu.memory_space<vmem>>) semaphore(%arg8 : memref<!tpu.dma_semaphore, #tpu.memory_space<semaphore_mem>>)
      %dma_start3A_635 = arith.constant 1 : i32
      %dma_start3A_636 = arith.constant 2 : i32
      %dma_start3A_637 = arith.constant 1 : i32
      %dma_start3A_638 = arith.constant 400 : i32
      %dma_start3A_639 = arith.constant 0 : i32
      %dma_start3A_640 = tpu.memref_slice %arg6[%dma_start3A_637, %dma_start3A_638, %dma_start3A_639] : memref<2x1600x64xbf16, #tpu.memory_space<vmem>> -> memref<1x104x64xbf16, #tpu.memory_space<vmem>>
      %dma_start3A_641 = tpu.memref_squeeze %dma_start3A_640 : memref<1x104x64xbf16, #tpu.memory_space<vmem>> -> memref<104x64xbf16, #tpu.memory_space<vmem>>
      %dma_start3A_642 = arith.constant 0 : i32
      %dma_start3A_643 = tpu.memref_slice %arg5[%dma_start3A_635, %dma_start3A_636, %dma_start3A_642] : memref<2x8x200xi32, #tpu.memory_space<vmem>> -> memref<1x1x104xi32, #tpu.memory_space<vmem>>
      %dma_start3A_644 = tpu.memref_squeeze %dma_start3A_643 : memref<1x1x104xi32, #tpu.memory_space<vmem>> -> memref<104xi32, #tpu.memory_space<vmem>>
      %dma_start3A_645 = arith.constant 0 : i32
      %dma_start3A_646 = arith.constant 0 : i32
      %dma_start3A_647 = tpu.memref_slice %arg3[%dma_start3A_645, %dma_start3A_646] : memref<1000000x64xbf16, #tpu.memory_space<hbm>> -> memref<1000000x64xbf16, #tpu.memory_space<hbm>>
      tpu.enqueue_indirect_dma source(%dma_start3A_647 : memref<1000000x64xbf16, #tpu.memory_space<hbm>>) target(%dma_start3A_641 : memref<104x64xbf16, #tpu.memory_space<vmem>>) offsets(%dma_start3A_644 : memref<104xi32, #tpu.memory_space<vmem>>) semaphore(%arg8 : memref<!tpu.dma_semaphore, #tpu.memory_space<semaphore_mem>>)
      %dma_start3A_648 = arith.constant 1 : i32
      %dma_start3A_649 = arith.constant 2 : i32
      %dma_start3A_650 = arith.constant 1 : i32
      %dma_start3A_651 = arith.constant 504 : i32
      %dma_start3A_652 = arith.constant 0 : i32
      %dma_start3A_653 = tpu.memref_slice %arg6[%dma_start3A_650, %dma_start3A_651, %dma_start3A_652] : memref<2x1600x64xbf16, #tpu.memory_space<vmem>> -> memref<1x96x64xbf16, #tpu.memory_space<vmem>>
      %dma_start3A_654 = tpu.memref_squeeze %dma_start3A_653 : memref<1x96x64xbf16, #tpu.memory_space<vmem>> -> memref<96x64xbf16, #tpu.memory_space<vmem>>
      %dma_start3A_655 = arith.constant 104 : i32
      %dma_start3A_656 = tpu.memref_slice %arg5[%dma_start3A_648, %dma_start3A_649, %dma_start3A_655] : memref<2x8x200xi32, #tpu.memory_space<vmem>> -> memref<1x1x96xi32, #tpu.memory_space<vmem>>
      %dma_start3A_657 = tpu.memref_squeeze %dma_start3A_656 : memref<1x1x96xi32, #tpu.memory_space<vmem>> -> memref<96xi32, #tpu.memory_space<vmem>>
      %dma_start3A_658 = arith.constant 0 : i32
      %dma_start3A_659 = arith.constant 0 : i32
      %dma_start3A_660 = tpu.memref_slice %arg3[%dma_start3A_658, %dma_start3A_659] : memref<1000000x64xbf16, #tpu.memory_space<hbm>> -> memref<1000000x64xbf16, #tpu.memory_space<hbm>>
      tpu.enqueue_indirect_dma source(%dma_start3A_660 : memref<1000000x64xbf16, #tpu.memory_space<hbm>>) target(%dma_start3A_654 : memref<96x64xbf16, #tpu.memory_space<vmem>>) offsets(%dma_start3A_657 : memref<96xi32, #tpu.memory_space<vmem>>) semaphore(%arg8 : memref<!tpu.dma_semaphore, #tpu.memory_space<semaphore_mem>>)
      %dma_start3A_661 = arith.constant 1 : i32
      %dma_start3A_662 = arith.constant 3 : i32
      %dma_start3A_663 = arith.constant 1 : i32
      %dma_start3A_664 = arith.constant 600 : i32
      %dma_start3A_665 = arith.constant 0 : i32
      %dma_start3A_666 = tpu.memref_slice %arg6[%dma_start3A_663, %dma_start3A_664, %dma_start3A_665] : memref<2x1600x64xbf16, #tpu.memory_space<vmem>> -> memref<1x104x64xbf16, #tpu.memory_space<vmem>>
      %dma_start3A_667 = tpu.memref_squeeze %dma_start3A_666 : memref<1x104x64xbf16, #tpu.memory_space<vmem>> -> memref<104x64xbf16, #tpu.memory_space<vmem>>
      %dma_start3A_668 = arith.constant 0 : i32
      %dma_start3A_669 = tpu.memref_slice %arg5[%dma_start3A_661, %dma_start3A_662, %dma_start3A_668] : memref<2x8x200xi32, #tpu.memory_space<vmem>> -> memref<1x1x104xi32, #tpu.memory_space<vmem>>
      %dma_start3A_670 = tpu.memref_squeeze %dma_start3A_669 : memref<1x1x104xi32, #tpu.memory_space<vmem>> -> memref<104xi32, #tpu.memory_space<vmem>>
      %dma_start3A_671 = arith.constant 0 : i32
      %dma_start3A_672 = arith.constant 0 : i32
      %dma_start3A_673 = tpu.memref_slice %arg3[%dma_start3A_671, %dma_start3A_672] : memref<1000000x64xbf16, #tpu.memory_space<hbm>> -> memref<1000000x64xbf16, #tpu.memory_space<hbm>>
      tpu.enqueue_indirect_dma source(%dma_start3A_673 : memref<1000000x64xbf16, #tpu.memory_space<hbm>>) target(%dma_start3A_667 : memref<104x64xbf16, #tpu.memory_space<vmem>>) offsets(%dma_start3A_670 : memref<104xi32, #tpu.memory_space<vmem>>) semaphore(%arg8 : memref<!tpu.dma_semaphore, #tpu.memory_space<semaphore_mem>>)
      %dma_start3A_674 = arith.constant 1 : i32
      %dma_start3A_675 = arith.constant 3 : i32
      %dma_start3A_676 = arith.constant 1 : i32
      %dma_start3A_677 = arith.constant 704 : i32
      %dma_start3A_678 = arith.constant 0 : i32
      %dma_start3A_679 = tpu.memref_slice %arg6[%dma_start3A_676, %dma_start3A_677, %dma_start3A_678] : memref<2x1600x64xbf16, #tpu.memory_space<vmem>> -> memref<1x96x64xbf16, #tpu.memory_space<vmem>>
      %dma_start3A_680 = tpu.memref_squeeze %dma_start3A_679 : memref<1x96x64xbf16, #tpu.memory_space<vmem>> -> memref<96x64xbf16, #tpu.memory_space<vmem>>
      %dma_start3A_681 = arith.constant 104 : i32
      %dma_start3A_682 = tpu.memref_slice %arg5[%dma_start3A_674, %dma_start3A_675, %dma_start3A_681] : memref<2x8x200xi32, #tpu.memory_space<vmem>> -> memref<1x1x96xi32, #tpu.memory_space<vmem>>
      %dma_start3A_683 = tpu.memref_squeeze %dma_start3A_682 : memref<1x1x96xi32, #tpu.memory_space<vmem>> -> memref<96xi32, #tpu.memory_space<vmem>>
      %dma_start3A_684 = arith.constant 0 : i32
      %dma_start3A_685 = arith.constant 0 : i32
      %dma_start3A_686 = tpu.memref_slice %arg3[%dma_start3A_684, %dma_start3A_685] : memref<1000000x64xbf16, #tpu.memory_space<hbm>> -> memref<1000000x64xbf16, #tpu.memory_space<hbm>>
      tpu.enqueue_indirect_dma source(%dma_start3A_686 : memref<1000000x64xbf16, #tpu.memory_space<hbm>>) target(%dma_start3A_680 : memref<96x64xbf16, #tpu.memory_space<vmem>>) offsets(%dma_start3A_683 : memref<96xi32, #tpu.memory_space<vmem>>) semaphore(%arg8 : memref<!tpu.dma_semaphore, #tpu.memory_space<semaphore_mem>>)
      %dma_start3A_687 = arith.constant 1 : i32
      %dma_start3A_688 = arith.constant 4 : i32
      %dma_start3A_689 = arith.constant 1 : i32
      %dma_start3A_690 = arith.constant 800 : i32
      %dma_start3A_691 = arith.constant 0 : i32
      %dma_start3A_692 = tpu.memref_slice %arg6[%dma_start3A_689, %dma_start3A_690, %dma_start3A_691] : memref<2x1600x64xbf16, #tpu.memory_space<vmem>> -> memref<1x104x64xbf16, #tpu.memory_space<vmem>>
      %dma_start3A_693 = tpu.memref_squeeze %dma_start3A_692 : memref<1x104x64xbf16, #tpu.memory_space<vmem>> -> memref<104x64xbf16, #tpu.memory_space<vmem>>
      %dma_start3A_694 = arith.constant 0 : i32
      %dma_start3A_695 = tpu.memref_slice %arg5[%dma_start3A_687, %dma_start3A_688, %dma_start3A_694] : memref<2x8x200xi32, #tpu.memory_space<vmem>> -> memref<1x1x104xi32, #tpu.memory_space<vmem>>
      %dma_start3A_696 = tpu.memref_squeeze %dma_start3A_695 : memref<1x1x104xi32, #tpu.memory_space<vmem>> -> memref<104xi32, #tpu.memory_space<vmem>>
      %dma_start3A_697 = arith.constant 0 : i32
      %dma_start3A_698 = arith.constant 0 : i32
      %dma_start3A_699 = tpu.memref_slice %arg3[%dma_start3A_697, %dma_start3A_698] : memref<1000000x64xbf16, #tpu.memory_space<hbm>> -> memref<1000000x64xbf16, #tpu.memory_space<hbm>>
      tpu.enqueue_indirect_dma source(%dma_start3A_699 : memref<1000000x64xbf16, #tpu.memory_space<hbm>>) target(%dma_start3A_693 : memref<104x64xbf16, #tpu.memory_space<vmem>>) offsets(%dma_start3A_696 : memref<104xi32, #tpu.memory_space<vmem>>) semaphore(%arg8 : memref<!tpu.dma_semaphore, #tpu.memory_space<semaphore_mem>>)
      %dma_start3A_700 = arith.constant 1 : i32
      %dma_start3A_701 = arith.constant 4 : i32
      %dma_start3A_702 = arith.constant 1 : i32
      %dma_start3A_703 = arith.constant 904 : i32
      %dma_start3A_704 = arith.constant 0 : i32
      %dma_start3A_705 = tpu.memref_slice %arg6[%dma_start3A_702, %dma_start3A_703, %dma_start3A_704] : memref<2x1600x64xbf16, #tpu.memory_space<vmem>> -> memref<1x96x64xbf16, #tpu.memory_space<vmem>>
      %dma_start3A_706 = tpu.memref_squeeze %dma_start3A_705 : memref<1x96x64xbf16, #tpu.memory_space<vmem>> -> memref<96x64xbf16, #tpu.memory_space<vmem>>
      %dma_start3A_707 = arith.constant 104 : i32
      %dma_start3A_708 = tpu.memref_slice %arg5[%dma_start3A_700, %dma_start3A_701, %dma_start3A_707] : memref<2x8x200xi32, #tpu.memory_space<vmem>> -> memref<1x1x96xi32, #tpu.memory_space<vmem>>
      %dma_start3A_709 = tpu.memref_squeeze %dma_start3A_708 : memref<1x1x96xi32, #tpu.memory_space<vmem>> -> memref<96xi32, #tpu.memory_space<vmem>>
      %dma_start3A_710 = arith.constant 0 : i32
      %dma_start3A_711 = arith.constant 0 : i32
      %dma_start3A_712 = tpu.memref_slice %arg3[%dma_start3A_710, %dma_start3A_711] : memref<1000000x64xbf16, #tpu.memory_space<hbm>> -> memref<1000000x64xbf16, #tpu.memory_space<hbm>>
      tpu.enqueue_indirect_dma source(%dma_start3A_712 : memref<1000000x64xbf16, #tpu.memory_space<hbm>>) target(%dma_start3A_706 : memref<96x64xbf16, #tpu.memory_space<vmem>>) offsets(%dma_start3A_709 : memref<96xi32, #tpu.memory_space<vmem>>) semaphore(%arg8 : memref<!tpu.dma_semaphore, #tpu.memory_space<semaphore_mem>>)
      %dma_start3A_713 = arith.constant 1 : i32
      %dma_start3A_714 = arith.constant 5 : i32
      %dma_start3A_715 = arith.constant 1 : i32
      %dma_start3A_716 = arith.constant 1000 : i32
      %dma_start3A_717 = arith.constant 0 : i32
      %dma_start3A_718 = tpu.memref_slice %arg6[%dma_start3A_715, %dma_start3A_716, %dma_start3A_717] : memref<2x1600x64xbf16, #tpu.memory_space<vmem>> -> memref<1x104x64xbf16, #tpu.memory_space<vmem>>
      %dma_start3A_719 = tpu.memref_squeeze %dma_start3A_718 : memref<1x104x64xbf16, #tpu.memory_space<vmem>> -> memref<104x64xbf16, #tpu.memory_space<vmem>>
      %dma_start3A_720 = arith.constant 0 : i32
      %dma_start3A_721 = tpu.memref_slice %arg5[%dma_start3A_713, %dma_start3A_714, %dma_start3A_720] : memref<2x8x200xi32, #tpu.memory_space<vmem>> -> memref<1x1x104xi32, #tpu.memory_space<vmem>>
      %dma_start3A_722 = tpu.memref_squeeze %dma_start3A_721 : memref<1x1x104xi32, #tpu.memory_space<vmem>> -> memref<104xi32, #tpu.memory_space<vmem>>
      %dma_start3A_723 = arith.constant 0 : i32
      %dma_start3A_724 = arith.constant 0 : i32
      %dma_start3A_725 = tpu.memref_slice %arg3[%dma_start3A_723, %dma_start3A_724] : memref<1000000x64xbf16, #tpu.memory_space<hbm>> -> memref<1000000x64xbf16, #tpu.memory_space<hbm>>
      tpu.enqueue_indirect_dma source(%dma_start3A_725 : memref<1000000x64xbf16, #tpu.memory_space<hbm>>) target(%dma_start3A_719 : memref<104x64xbf16, #tpu.memory_space<vmem>>) offsets(%dma_start3A_722 : memref<104xi32, #tpu.memory_space<vmem>>) semaphore(%arg8 : memref<!tpu.dma_semaphore, #tpu.memory_space<semaphore_mem>>)
      %dma_start3A_726 = arith.constant 1 : i32
      %dma_start3A_727 = arith.constant 5 : i32
      %dma_start3A_728 = arith.constant 1 : i32
      %dma_start3A_729 = arith.constant 1104 : i32
      %dma_start3A_730 = arith.constant 0 : i32
      %dma_start3A_731 = tpu.memref_slice %arg6[%dma_start3A_728, %dma_start3A_729, %dma_start3A_730] : memref<2x1600x64xbf16, #tpu.memory_space<vmem>> -> memref<1x96x64xbf16, #tpu.memory_space<vmem>>
      %dma_start3A_732 = tpu.memref_squeeze %dma_start3A_731 : memref<1x96x64xbf16, #tpu.memory_space<vmem>> -> memref<96x64xbf16, #tpu.memory_space<vmem>>
      %dma_start3A_733 = arith.constant 104 : i32
      %dma_start3A_734 = tpu.memref_slice %arg5[%dma_start3A_726, %dma_start3A_727, %dma_start3A_733] : memref<2x8x200xi32, #tpu.memory_space<vmem>> -> memref<1x1x96xi32, #tpu.memory_space<vmem>>
      %dma_start3A_735 = tpu.memref_squeeze %dma_start3A_734 : memref<1x1x96xi32, #tpu.memory_space<vmem>> -> memref<96xi32, #tpu.memory_space<vmem>>
      %dma_start3A_736 = arith.constant 0 : i32
      %dma_start3A_737 = arith.constant 0 : i32
      %dma_start3A_738 = tpu.memref_slice %arg3[%dma_start3A_736, %dma_start3A_737] : memref<1000000x64xbf16, #tpu.memory_space<hbm>> -> memref<1000000x64xbf16, #tpu.memory_space<hbm>>
      tpu.enqueue_indirect_dma source(%dma_start3A_738 : memref<1000000x64xbf16, #tpu.memory_space<hbm>>) target(%dma_start3A_732 : memref<96x64xbf16, #tpu.memory_space<vmem>>) offsets(%dma_start3A_735 : memref<96xi32, #tpu.memory_space<vmem>>) semaphore(%arg8 : memref<!tpu.dma_semaphore, #tpu.memory_space<semaphore_mem>>)
      %dma_start3A_739 = arith.constant 1 : i32
      %dma_start3A_740 = arith.constant 6 : i32
      %dma_start3A_741 = arith.constant 1 : i32
      %dma_start3A_742 = arith.constant 1200 : i32
      %dma_start3A_743 = arith.constant 0 : i32
      %dma_start3A_744 = tpu.memref_slice %arg6[%dma_start3A_741, %dma_start3A_742, %dma_start3A_743] : memref<2x1600x64xbf16, #tpu.memory_space<vmem>> -> memref<1x104x64xbf16, #tpu.memory_space<vmem>>
      %dma_start3A_745 = tpu.memref_squeeze %dma_start3A_744 : memref<1x104x64xbf16, #tpu.memory_space<vmem>> -> memref<104x64xbf16, #tpu.memory_space<vmem>>
      %dma_start3A_746 = arith.constant 0 : i32
      %dma_start3A_747 = tpu.memref_slice %arg5[%dma_start3A_739, %dma_start3A_740, %dma_start3A_746] : memref<2x8x200xi32, #tpu.memory_space<vmem>> -> memref<1x1x104xi32, #tpu.memory_space<vmem>>
      %dma_start3A_748 = tpu.memref_squeeze %dma_start3A_747 : memref<1x1x104xi32, #tpu.memory_space<vmem>> -> memref<104xi32, #tpu.memory_space<vmem>>
      %dma_start3A_749 = arith.constant 0 : i32
      %dma_start3A_750 = arith.constant 0 : i32
      %dma_start3A_751 = tpu.memref_slice %arg3[%dma_start3A_749, %dma_start3A_750] : memref<1000000x64xbf16, #tpu.memory_space<hbm>> -> memref<1000000x64xbf16, #tpu.memory_space<hbm>>
      tpu.enqueue_indirect_dma source(%dma_start3A_751 : memref<1000000x64xbf16, #tpu.memory_space<hbm>>) target(%dma_start3A_745 : memref<104x64xbf16, #tpu.memory_space<vmem>>) offsets(%dma_start3A_748 : memref<104xi32, #tpu.memory_space<vmem>>) semaphore(%arg8 : memref<!tpu.dma_semaphore, #tpu.memory_space<semaphore_mem>>)
      %dma_start3A_752 = arith.constant 1 : i32
      %dma_start3A_753 = arith.constant 6 : i32
      %dma_start3A_754 = arith.constant 1 : i32
      %dma_start3A_755 = arith.constant 1304 : i32
      %dma_start3A_756 = arith.constant 0 : i32
      %dma_start3A_757 = tpu.memref_slice %arg6[%dma_start3A_754, %dma_start3A_755, %dma_start3A_756] : memref<2x1600x64xbf16, #tpu.memory_space<vmem>> -> memref<1x96x64xbf16, #tpu.memory_space<vmem>>
      %dma_start3A_758 = tpu.memref_squeeze %dma_start3A_757 : memref<1x96x64xbf16, #tpu.memory_space<vmem>> -> memref<96x64xbf16, #tpu.memory_space<vmem>>
      %dma_start3A_759 = arith.constant 104 : i32
      %dma_start3A_760 = tpu.memref_slice %arg5[%dma_start3A_752, %dma_start3A_753, %dma_start3A_759] : memref<2x8x200xi32, #tpu.memory_space<vmem>> -> memref<1x1x96xi32, #tpu.memory_space<vmem>>
      %dma_start3A_761 = tpu.memref_squeeze %dma_start3A_760 : memref<1x1x96xi32, #tpu.memory_space<vmem>> -> memref<96xi32, #tpu.memory_space<vmem>>
      %dma_start3A_762 = arith.constant 0 : i32
      %dma_start3A_763 = arith.constant 0 : i32
      %dma_start3A_764 = tpu.memref_slice %arg3[%dma_start3A_762, %dma_start3A_763] : memref<1000000x64xbf16, #tpu.memory_space<hbm>> -> memref<1000000x64xbf16, #tpu.memory_space<hbm>>
      tpu.enqueue_indirect_dma source(%dma_start3A_764 : memref<1000000x64xbf16, #tpu.memory_space<hbm>>) target(%dma_start3A_758 : memref<96x64xbf16, #tpu.memory_space<vmem>>) offsets(%dma_start3A_761 : memref<96xi32, #tpu.memory_space<vmem>>) semaphore(%arg8 : memref<!tpu.dma_semaphore, #tpu.memory_space<semaphore_mem>>)
      %dma_start3A_765 = arith.constant 1 : i32
      %dma_start3A_766 = arith.constant 7 : i32
      %dma_start3A_767 = arith.constant 1 : i32
      %dma_start3A_768 = arith.constant 1400 : i32
      %dma_start3A_769 = arith.constant 0 : i32
      %dma_start3A_770 = tpu.memref_slice %arg6[%dma_start3A_767, %dma_start3A_768, %dma_start3A_769] : memref<2x1600x64xbf16, #tpu.memory_space<vmem>> -> memref<1x104x64xbf16, #tpu.memory_space<vmem>>
      %dma_start3A_771 = tpu.memref_squeeze %dma_start3A_770 : memref<1x104x64xbf16, #tpu.memory_space<vmem>> -> memref<104x64xbf16, #tpu.memory_space<vmem>>
      %dma_start3A_772 = arith.constant 0 : i32
      %dma_start3A_773 = tpu.memref_slice %arg5[%dma_start3A_765, %dma_start3A_766, %dma_start3A_772] : memref<2x8x200xi32, #tpu.memory_space<vmem>> -> memref<1x1x104xi32, #tpu.memory_space<vmem>>
      %dma_start3A_774 = tpu.memref_squeeze %dma_start3A_773 : memref<1x1x104xi32, #tpu.memory_space<vmem>> -> memref<104xi32, #tpu.memory_space<vmem>>
      %dma_start3A_775 = arith.constant 0 : i32
      %dma_start3A_776 = arith.constant 0 : i32
      %dma_start3A_777 = tpu.memref_slice %arg3[%dma_start3A_775, %dma_start3A_776] : memref<1000000x64xbf16, #tpu.memory_space<hbm>> -> memref<1000000x64xbf16, #tpu.memory_space<hbm>>
      tpu.enqueue_indirect_dma source(%dma_start3A_777 : memref<1000000x64xbf16, #tpu.memory_space<hbm>>) target(%dma_start3A_771 : memref<104x64xbf16, #tpu.memory_space<vmem>>) offsets(%dma_start3A_774 : memref<104xi32, #tpu.memory_space<vmem>>) semaphore(%arg8 : memref<!tpu.dma_semaphore, #tpu.memory_space<semaphore_mem>>)
      %dma_start3A_778 = arith.constant 1 : i32
      %dma_start3A_779 = arith.constant 7 : i32
      %dma_start3A_780 = arith.constant 1 : i32
      %dma_start3A_781 = arith.constant 1504 : i32
      %dma_start3A_782 = arith.constant 0 : i32
      %dma_start3A_783 = tpu.memref_slice %arg6[%dma_start3A_780, %dma_start3A_781, %dma_start3A_782] : memref<2x1600x64xbf16, #tpu.memory_space<vmem>> -> memref<1x96x64xbf16, #tpu.memory_space<vmem>>
      %dma_start3A_784 = tpu.memref_squeeze %dma_start3A_783 : memref<1x96x64xbf16, #tpu.memory_space<vmem>> -> memref<96x64xbf16, #tpu.memory_space<vmem>>
      %dma_start3A_785 = arith.constant 104 : i32
      %dma_start3A_786 = tpu.memref_slice %arg5[%dma_start3A_778, %dma_start3A_779, %dma_start3A_785] : memref<2x8x200xi32, #tpu.memory_space<vmem>> -> memref<1x1x96xi32, #tpu.memory_space<vmem>>
      %dma_start3A_787 = tpu.memref_squeeze %dma_start3A_786 : memref<1x1x96xi32, #tpu.memory_space<vmem>> -> memref<96xi32, #tpu.memory_space<vmem>>
      %dma_start3A_788 = arith.constant 0 : i32
      %dma_start3A_789 = arith.constant 0 : i32
      %dma_start3A_790 = tpu.memref_slice %arg3[%dma_start3A_788, %dma_start3A_789] : memref<1000000x64xbf16, #tpu.memory_space<hbm>> -> memref<1000000x64xbf16, #tpu.memory_space<hbm>>
      tpu.enqueue_indirect_dma source(%dma_start3A_790 : memref<1000000x64xbf16, #tpu.memory_space<hbm>>) target(%dma_start3A_784 : memref<96x64xbf16, #tpu.memory_space<vmem>>) offsets(%dma_start3A_787 : memref<96xi32, #tpu.memory_space<vmem>>) semaphore(%arg8 : memref<!tpu.dma_semaphore, #tpu.memory_space<semaphore_mem>>)
      %dma_wait3A_791 = arith.constant 1 : i32
      %dma_wait3A_792 = arith.constant 0 : i32
      %dma_wait3A_793 = arith.constant 1 : i32
      %dma_wait3A_794 = arith.constant 0 : i32
      %dma_wait3A_795 = arith.constant 0 : i32
      %dma_wait3A_796 = tpu.memref_slice %arg6[%dma_wait3A_793, %dma_wait3A_794, %dma_wait3A_795] : memref<2x1600x64xbf16, #tpu.memory_space<vmem>> -> memref<1x104x64xbf16, #tpu.memory_space<vmem>>
      %dma_wait3A_797 = tpu.memref_squeeze %dma_wait3A_796 : memref<1x104x64xbf16, #tpu.memory_space<vmem>> -> memref<104x64xbf16, #tpu.memory_space<vmem>>
      %dma_wait3A_798 = arith.constant 0 : i32
      %dma_wait3A_799 = tpu.memref_slice %arg5[%dma_wait3A_791, %dma_wait3A_792, %dma_wait3A_798] : memref<2x8x200xi32, #tpu.memory_space<vmem>> -> memref<1x1x104xi32, #tpu.memory_space<vmem>>
      %dma_wait3A_800 = tpu.memref_squeeze %dma_wait3A_799 : memref<1x1x104xi32, #tpu.memory_space<vmem>> -> memref<104xi32, #tpu.memory_space<vmem>>
      %dma_wait3A_801 = arith.constant 0 : i32
      %dma_wait3A_802 = arith.constant 0 : i32
      %dma_wait3A_803 = tpu.memref_slice %arg3[%dma_wait3A_801, %dma_wait3A_802] : memref<1000000x64xbf16, #tpu.memory_space<hbm>> -> memref<1000000x64xbf16, #tpu.memory_space<hbm>>
      tpu.wait_indirect_dma semaphore(%arg8 : memref<!tpu.dma_semaphore, #tpu.memory_space<semaphore_mem>>) src(%dma_wait3A_803 : memref<1000000x64xbf16, #tpu.memory_space<hbm>>) dst(%dma_wait3A_797 : memref<104x64xbf16, #tpu.memory_space<vmem>>)
      %dma_wait3A_804 = arith.constant 1 : i32
      %dma_wait3A_805 = arith.constant 0 : i32
      %dma_wait3A_806 = arith.constant 1 : i32
      %dma_wait3A_807 = arith.constant 104 : i32
      %dma_wait3A_808 = arith.constant 0 : i32
      %dma_wait3A_809 = tpu.memref_slice %arg6[%dma_wait3A_806, %dma_wait3A_807, %dma_wait3A_808] : memref<2x1600x64xbf16, #tpu.memory_space<vmem>> -> memref<1x96x64xbf16, #tpu.memory_space<vmem>>
      %dma_wait3A_810 = tpu.memref_squeeze %dma_wait3A_809 : memref<1x96x64xbf16, #tpu.memory_space<vmem>> -> memref<96x64xbf16, #tpu.memory_space<vmem>>
      %dma_wait3A_811 = arith.constant 104 : i32
      %dma_wait3A_812 = tpu.memref_slice %arg5[%dma_wait3A_804, %dma_wait3A_805, %dma_wait3A_811] : memref<2x8x200xi32, #tpu.memory_space<vmem>> -> memref<1x1x96xi32, #tpu.memory_space<vmem>>
      %dma_wait3A_813 = tpu.memref_squeeze %dma_wait3A_812 : memref<1x1x96xi32, #tpu.memory_space<vmem>> -> memref<96xi32, #tpu.memory_space<vmem>>
      %dma_wait3A_814 = arith.constant 0 : i32
      %dma_wait3A_815 = arith.constant 0 : i32
      %dma_wait3A_816 = tpu.memref_slice %arg3[%dma_wait3A_814, %dma_wait3A_815] : memref<1000000x64xbf16, #tpu.memory_space<hbm>> -> memref<1000000x64xbf16, #tpu.memory_space<hbm>>
      tpu.wait_indirect_dma semaphore(%arg8 : memref<!tpu.dma_semaphore, #tpu.memory_space<semaphore_mem>>) src(%dma_wait3A_816 : memref<1000000x64xbf16, #tpu.memory_space<hbm>>) dst(%dma_wait3A_810 : memref<96x64xbf16, #tpu.memory_space<vmem>>)
      %dma_wait3A_817 = arith.constant 1 : i32
      %dma_wait3A_818 = arith.constant 1 : i32
      %dma_wait3A_819 = arith.constant 1 : i32
      %dma_wait3A_820 = arith.constant 200 : i32
      %dma_wait3A_821 = arith.constant 0 : i32
      %dma_wait3A_822 = tpu.memref_slice %arg6[%dma_wait3A_819, %dma_wait3A_820, %dma_wait3A_821] : memref<2x1600x64xbf16, #tpu.memory_space<vmem>> -> memref<1x104x64xbf16, #tpu.memory_space<vmem>>
      %dma_wait3A_823 = tpu.memref_squeeze %dma_wait3A_822 : memref<1x104x64xbf16, #tpu.memory_space<vmem>> -> memref<104x64xbf16, #tpu.memory_space<vmem>>
      %dma_wait3A_824 = arith.constant 0 : i32
      %dma_wait3A_825 = tpu.memref_slice %arg5[%dma_wait3A_817, %dma_wait3A_818, %dma_wait3A_824] : memref<2x8x200xi32, #tpu.memory_space<vmem>> -> memref<1x1x104xi32, #tpu.memory_space<vmem>>
      %dma_wait3A_826 = tpu.memref_squeeze %dma_wait3A_825 : memref<1x1x104xi32, #tpu.memory_space<vmem>> -> memref<104xi32, #tpu.memory_space<vmem>>
      %dma_wait3A_827 = arith.constant 0 : i32
      %dma_wait3A_828 = arith.constant 0 : i32
      %dma_wait3A_829 = tpu.memref_slice %arg3[%dma_wait3A_827, %dma_wait3A_828] : memref<1000000x64xbf16, #tpu.memory_space<hbm>> -> memref<1000000x64xbf16, #tpu.memory_space<hbm>>
      tpu.wait_indirect_dma semaphore(%arg8 : memref<!tpu.dma_semaphore, #tpu.memory_space<semaphore_mem>>) src(%dma_wait3A_829 : memref<1000000x64xbf16, #tpu.memory_space<hbm>>) dst(%dma_wait3A_823 : memref<104x64xbf16, #tpu.memory_space<vmem>>)
      %dma_wait3A_830 = arith.constant 1 : i32
      %dma_wait3A_831 = arith.constant 1 : i32
      %dma_wait3A_832 = arith.constant 1 : i32
      %dma_wait3A_833 = arith.constant 304 : i32
      %dma_wait3A_834 = arith.constant 0 : i32
      %dma_wait3A_835 = tpu.memref_slice %arg6[%dma_wait3A_832, %dma_wait3A_833, %dma_wait3A_834] : memref<2x1600x64xbf16, #tpu.memory_space<vmem>> -> memref<1x96x64xbf16, #tpu.memory_space<vmem>>
      %dma_wait3A_836 = tpu.memref_squeeze %dma_wait3A_835 : memref<1x96x64xbf16, #tpu.memory_space<vmem>> -> memref<96x64xbf16, #tpu.memory_space<vmem>>
      %dma_wait3A_837 = arith.constant 104 : i32
      %dma_wait3A_838 = tpu.memref_slice %arg5[%dma_wait3A_830, %dma_wait3A_831, %dma_wait3A_837] : memref<2x8x200xi32, #tpu.memory_space<vmem>> -> memref<1x1x96xi32, #tpu.memory_space<vmem>>
      %dma_wait3A_839 = tpu.memref_squeeze %dma_wait3A_838 : memref<1x1x96xi32, #tpu.memory_space<vmem>> -> memref<96xi32, #tpu.memory_space<vmem>>
      %dma_wait3A_840 = arith.constant 0 : i32
      %dma_wait3A_841 = arith.constant 0 : i32
      %dma_wait3A_842 = tpu.memref_slice %arg3[%dma_wait3A_840, %dma_wait3A_841] : memref<1000000x64xbf16, #tpu.memory_space<hbm>> -> memref<1000000x64xbf16, #tpu.memory_space<hbm>>
      tpu.wait_indirect_dma semaphore(%arg8 : memref<!tpu.dma_semaphore, #tpu.memory_space<semaphore_mem>>) src(%dma_wait3A_842 : memref<1000000x64xbf16, #tpu.memory_space<hbm>>) dst(%dma_wait3A_836 : memref<96x64xbf16, #tpu.memory_space<vmem>>)
      %dma_wait3A_843 = arith.constant 1 : i32
      %dma_wait3A_844 = arith.constant 2 : i32
      %dma_wait3A_845 = arith.constant 1 : i32
      %dma_wait3A_846 = arith.constant 400 : i32
      %dma_wait3A_847 = arith.constant 0 : i32
      %dma_wait3A_848 = tpu.memref_slice %arg6[%dma_wait3A_845, %dma_wait3A_846, %dma_wait3A_847] : memref<2x1600x64xbf16, #tpu.memory_space<vmem>> -> memref<1x104x64xbf16, #tpu.memory_space<vmem>>
      %dma_wait3A_849 = tpu.memref_squeeze %dma_wait3A_848 : memref<1x104x64xbf16, #tpu.memory_space<vmem>> -> memref<104x64xbf16, #tpu.memory_space<vmem>>
      %dma_wait3A_850 = arith.constant 0 : i32
      %dma_wait3A_851 = tpu.memref_slice %arg5[%dma_wait3A_843, %dma_wait3A_844, %dma_wait3A_850] : memref<2x8x200xi32, #tpu.memory_space<vmem>> -> memref<1x1x104xi32, #tpu.memory_space<vmem>>
      %dma_wait3A_852 = tpu.memref_squeeze %dma_wait3A_851 : memref<1x1x104xi32, #tpu.memory_space<vmem>> -> memref<104xi32, #tpu.memory_space<vmem>>
      %dma_wait3A_853 = arith.constant 0 : i32
      %dma_wait3A_854 = arith.constant 0 : i32
      %dma_wait3A_855 = tpu.memref_slice %arg3[%dma_wait3A_853, %dma_wait3A_854] : memref<1000000x64xbf16, #tpu.memory_space<hbm>> -> memref<1000000x64xbf16, #tpu.memory_space<hbm>>
      tpu.wait_indirect_dma semaphore(%arg8 : memref<!tpu.dma_semaphore, #tpu.memory_space<semaphore_mem>>) src(%dma_wait3A_855 : memref<1000000x64xbf16, #tpu.memory_space<hbm>>) dst(%dma_wait3A_849 : memref<104x64xbf16, #tpu.memory_space<vmem>>)
      %dma_wait3A_856 = arith.constant 1 : i32
      %dma_wait3A_857 = arith.constant 2 : i32
      %dma_wait3A_858 = arith.constant 1 : i32
      %dma_wait3A_859 = arith.constant 504 : i32
      %dma_wait3A_860 = arith.constant 0 : i32
      %dma_wait3A_861 = tpu.memref_slice %arg6[%dma_wait3A_858, %dma_wait3A_859, %dma_wait3A_860] : memref<2x1600x64xbf16, #tpu.memory_space<vmem>> -> memref<1x96x64xbf16, #tpu.memory_space<vmem>>
      %dma_wait3A_862 = tpu.memref_squeeze %dma_wait3A_861 : memref<1x96x64xbf16, #tpu.memory_space<vmem>> -> memref<96x64xbf16, #tpu.memory_space<vmem>>
      %dma_wait3A_863 = arith.constant 104 : i32
      %dma_wait3A_864 = tpu.memref_slice %arg5[%dma_wait3A_856, %dma_wait3A_857, %dma_wait3A_863] : memref<2x8x200xi32, #tpu.memory_space<vmem>> -> memref<1x1x96xi32, #tpu.memory_space<vmem>>
      %dma_wait3A_865 = tpu.memref_squeeze %dma_wait3A_864 : memref<1x1x96xi32, #tpu.memory_space<vmem>> -> memref<96xi32, #tpu.memory_space<vmem>>
      %dma_wait3A_866 = arith.constant 0 : i32
      %dma_wait3A_867 = arith.constant 0 : i32
      %dma_wait3A_868 = tpu.memref_slice %arg3[%dma_wait3A_866, %dma_wait3A_867] : memref<1000000x64xbf16, #tpu.memory_space<hbm>> -> memref<1000000x64xbf16, #tpu.memory_space<hbm>>
      tpu.wait_indirect_dma semaphore(%arg8 : memref<!tpu.dma_semaphore, #tpu.memory_space<semaphore_mem>>) src(%dma_wait3A_868 : memref<1000000x64xbf16, #tpu.memory_space<hbm>>) dst(%dma_wait3A_862 : memref<96x64xbf16, #tpu.memory_space<vmem>>)
      %dma_wait3A_869 = arith.constant 1 : i32
      %dma_wait3A_870 = arith.constant 3 : i32
      %dma_wait3A_871 = arith.constant 1 : i32
      %dma_wait3A_872 = arith.constant 600 : i32
      %dma_wait3A_873 = arith.constant 0 : i32
      %dma_wait3A_874 = tpu.memref_slice %arg6[%dma_wait3A_871, %dma_wait3A_872, %dma_wait3A_873] : memref<2x1600x64xbf16, #tpu.memory_space<vmem>> -> memref<1x104x64xbf16, #tpu.memory_space<vmem>>
      %dma_wait3A_875 = tpu.memref_squeeze %dma_wait3A_874 : memref<1x104x64xbf16, #tpu.memory_space<vmem>> -> memref<104x64xbf16, #tpu.memory_space<vmem>>
      %dma_wait3A_876 = arith.constant 0 : i32
      %dma_wait3A_877 = tpu.memref_slice %arg5[%dma_wait3A_869, %dma_wait3A_870, %dma_wait3A_876] : memref<2x8x200xi32, #tpu.memory_space<vmem>> -> memref<1x1x104xi32, #tpu.memory_space<vmem>>
      %dma_wait3A_878 = tpu.memref_squeeze %dma_wait3A_877 : memref<1x1x104xi32, #tpu.memory_space<vmem>> -> memref<104xi32, #tpu.memory_space<vmem>>
      %dma_wait3A_879 = arith.constant 0 : i32
      %dma_wait3A_880 = arith.constant 0 : i32
      %dma_wait3A_881 = tpu.memref_slice %arg3[%dma_wait3A_879, %dma_wait3A_880] : memref<1000000x64xbf16, #tpu.memory_space<hbm>> -> memref<1000000x64xbf16, #tpu.memory_space<hbm>>
      tpu.wait_indirect_dma semaphore(%arg8 : memref<!tpu.dma_semaphore, #tpu.memory_space<semaphore_mem>>) src(%dma_wait3A_881 : memref<1000000x64xbf16, #tpu.memory_space<hbm>>) dst(%dma_wait3A_875 : memref<104x64xbf16, #tpu.memory_space<vmem>>)
      %dma_wait3A_882 = arith.constant 1 : i32
      %dma_wait3A_883 = arith.constant 3 : i32
      %dma_wait3A_884 = arith.constant 1 : i32
      %dma_wait3A_885 = arith.constant 704 : i32
      %dma_wait3A_886 = arith.constant 0 : i32
      %dma_wait3A_887 = tpu.memref_slice %arg6[%dma_wait3A_884, %dma_wait3A_885, %dma_wait3A_886] : memref<2x1600x64xbf16, #tpu.memory_space<vmem>> -> memref<1x96x64xbf16, #tpu.memory_space<vmem>>
      %dma_wait3A_888 = tpu.memref_squeeze %dma_wait3A_887 : memref<1x96x64xbf16, #tpu.memory_space<vmem>> -> memref<96x64xbf16, #tpu.memory_space<vmem>>
      %dma_wait3A_889 = arith.constant 104 : i32
      %dma_wait3A_890 = tpu.memref_slice %arg5[%dma_wait3A_882, %dma_wait3A_883, %dma_wait3A_889] : memref<2x8x200xi32, #tpu.memory_space<vmem>> -> memref<1x1x96xi32, #tpu.memory_space<vmem>>
      %dma_wait3A_891 = tpu.memref_squeeze %dma_wait3A_890 : memref<1x1x96xi32, #tpu.memory_space<vmem>> -> memref<96xi32, #tpu.memory_space<vmem>>
      %dma_wait3A_892 = arith.constant 0 : i32
      %dma_wait3A_893 = arith.constant 0 : i32
      %dma_wait3A_894 = tpu.memref_slice %arg3[%dma_wait3A_892, %dma_wait3A_893] : memref<1000000x64xbf16, #tpu.memory_space<hbm>> -> memref<1000000x64xbf16, #tpu.memory_space<hbm>>
      tpu.wait_indirect_dma semaphore(%arg8 : memref<!tpu.dma_semaphore, #tpu.memory_space<semaphore_mem>>) src(%dma_wait3A_894 : memref<1000000x64xbf16, #tpu.memory_space<hbm>>) dst(%dma_wait3A_888 : memref<96x64xbf16, #tpu.memory_space<vmem>>)
      %dma_wait3A_895 = arith.constant 1 : i32
      %dma_wait3A_896 = arith.constant 4 : i32
      %dma_wait3A_897 = arith.constant 1 : i32
      %dma_wait3A_898 = arith.constant 800 : i32
      %dma_wait3A_899 = arith.constant 0 : i32
      %dma_wait3A_900 = tpu.memref_slice %arg6[%dma_wait3A_897, %dma_wait3A_898, %dma_wait3A_899] : memref<2x1600x64xbf16, #tpu.memory_space<vmem>> -> memref<1x104x64xbf16, #tpu.memory_space<vmem>>
      %dma_wait3A_901 = tpu.memref_squeeze %dma_wait3A_900 : memref<1x104x64xbf16, #tpu.memory_space<vmem>> -> memref<104x64xbf16, #tpu.memory_space<vmem>>
      %dma_wait3A_902 = arith.constant 0 : i32
      %dma_wait3A_903 = tpu.memref_slice %arg5[%dma_wait3A_895, %dma_wait3A_896, %dma_wait3A_902] : memref<2x8x200xi32, #tpu.memory_space<vmem>> -> memref<1x1x104xi32, #tpu.memory_space<vmem>>
      %dma_wait3A_904 = tpu.memref_squeeze %dma_wait3A_903 : memref<1x1x104xi32, #tpu.memory_space<vmem>> -> memref<104xi32, #tpu.memory_space<vmem>>
      %dma_wait3A_905 = arith.constant 0 : i32
      %dma_wait3A_906 = arith.constant 0 : i32
      %dma_wait3A_907 = tpu.memref_slice %arg3[%dma_wait3A_905, %dma_wait3A_906] : memref<1000000x64xbf16, #tpu.memory_space<hbm>> -> memref<1000000x64xbf16, #tpu.memory_space<hbm>>
      tpu.wait_indirect_dma semaphore(%arg8 : memref<!tpu.dma_semaphore, #tpu.memory_space<semaphore_mem>>) src(%dma_wait3A_907 : memref<1000000x64xbf16, #tpu.memory_space<hbm>>) dst(%dma_wait3A_901 : memref<104x64xbf16, #tpu.memory_space<vmem>>)
      %dma_wait3A_908 = arith.constant 1 : i32
      %dma_wait3A_909 = arith.constant 4 : i32
      %dma_wait3A_910 = arith.constant 1 : i32
      %dma_wait3A_911 = arith.constant 904 : i32
      %dma_wait3A_912 = arith.constant 0 : i32
      %dma_wait3A_913 = tpu.memref_slice %arg6[%dma_wait3A_910, %dma_wait3A_911, %dma_wait3A_912] : memref<2x1600x64xbf16, #tpu.memory_space<vmem>> -> memref<1x96x64xbf16, #tpu.memory_space<vmem>>
      %dma_wait3A_914 = tpu.memref_squeeze %dma_wait3A_913 : memref<1x96x64xbf16, #tpu.memory_space<vmem>> -> memref<96x64xbf16, #tpu.memory_space<vmem>>
      %dma_wait3A_915 = arith.constant 104 : i32
      %dma_wait3A_916 = tpu.memref_slice %arg5[%dma_wait3A_908, %dma_wait3A_909, %dma_wait3A_915] : memref<2x8x200xi32, #tpu.memory_space<vmem>> -> memref<1x1x96xi32, #tpu.memory_space<vmem>>
      %dma_wait3A_917 = tpu.memref_squeeze %dma_wait3A_916 : memref<1x1x96xi32, #tpu.memory_space<vmem>> -> memref<96xi32, #tpu.memory_space<vmem>>
      %dma_wait3A_918 = arith.constant 0 : i32
      %dma_wait3A_919 = arith.constant 0 : i32
      %dma_wait3A_920 = tpu.memref_slice %arg3[%dma_wait3A_918, %dma_wait3A_919] : memref<1000000x64xbf16, #tpu.memory_space<hbm>> -> memref<1000000x64xbf16, #tpu.memory_space<hbm>>
      tpu.wait_indirect_dma semaphore(%arg8 : memref<!tpu.dma_semaphore, #tpu.memory_space<semaphore_mem>>) src(%dma_wait3A_920 : memref<1000000x64xbf16, #tpu.memory_space<hbm>>) dst(%dma_wait3A_914 : memref<96x64xbf16, #tpu.memory_space<vmem>>)
      %dma_wait3A_921 = arith.constant 1 : i32
      %dma_wait3A_922 = arith.constant 5 : i32
      %dma_wait3A_923 = arith.constant 1 : i32
      %dma_wait3A_924 = arith.constant 1000 : i32
      %dma_wait3A_925 = arith.constant 0 : i32
      %dma_wait3A_926 = tpu.memref_slice %arg6[%dma_wait3A_923, %dma_wait3A_924, %dma_wait3A_925] : memref<2x1600x64xbf16, #tpu.memory_space<vmem>> -> memref<1x104x64xbf16, #tpu.memory_space<vmem>>
      %dma_wait3A_927 = tpu.memref_squeeze %dma_wait3A_926 : memref<1x104x64xbf16, #tpu.memory_space<vmem>> -> memref<104x64xbf16, #tpu.memory_space<vmem>>
      %dma_wait3A_928 = arith.constant 0 : i32
      %dma_wait3A_929 = tpu.memref_slice %arg5[%dma_wait3A_921, %dma_wait3A_922, %dma_wait3A_928] : memref<2x8x200xi32, #tpu.memory_space<vmem>> -> memref<1x1x104xi32, #tpu.memory_space<vmem>>
      %dma_wait3A_930 = tpu.memref_squeeze %dma_wait3A_929 : memref<1x1x104xi32, #tpu.memory_space<vmem>> -> memref<104xi32, #tpu.memory_space<vmem>>
      %dma_wait3A_931 = arith.constant 0 : i32
      %dma_wait3A_932 = arith.constant 0 : i32
      %dma_wait3A_933 = tpu.memref_slice %arg3[%dma_wait3A_931, %dma_wait3A_932] : memref<1000000x64xbf16, #tpu.memory_space<hbm>> -> memref<1000000x64xbf16, #tpu.memory_space<hbm>>
      tpu.wait_indirect_dma semaphore(%arg8 : memref<!tpu.dma_semaphore, #tpu.memory_space<semaphore_mem>>) src(%dma_wait3A_933 : memref<1000000x64xbf16, #tpu.memory_space<hbm>>) dst(%dma_wait3A_927 : memref<104x64xbf16, #tpu.memory_space<vmem>>)
      %dma_wait3A_934 = arith.constant 1 : i32
      %dma_wait3A_935 = arith.constant 5 : i32
      %dma_wait3A_936 = arith.constant 1 : i32
      %dma_wait3A_937 = arith.constant 1104 : i32
      %dma_wait3A_938 = arith.constant 0 : i32
      %dma_wait3A_939 = tpu.memref_slice %arg6[%dma_wait3A_936, %dma_wait3A_937, %dma_wait3A_938] : memref<2x1600x64xbf16, #tpu.memory_space<vmem>> -> memref<1x96x64xbf16, #tpu.memory_space<vmem>>
      %dma_wait3A_940 = tpu.memref_squeeze %dma_wait3A_939 : memref<1x96x64xbf16, #tpu.memory_space<vmem>> -> memref<96x64xbf16, #tpu.memory_space<vmem>>
      %dma_wait3A_941 = arith.constant 104 : i32
      %dma_wait3A_942 = tpu.memref_slice %arg5[%dma_wait3A_934, %dma_wait3A_935, %dma_wait3A_941] : memref<2x8x200xi32, #tpu.memory_space<vmem>> -> memref<1x1x96xi32, #tpu.memory_space<vmem>>
      %dma_wait3A_943 = tpu.memref_squeeze %dma_wait3A_942 : memref<1x1x96xi32, #tpu.memory_space<vmem>> -> memref<96xi32, #tpu.memory_space<vmem>>
      %dma_wait3A_944 = arith.constant 0 : i32
      %dma_wait3A_945 = arith.constant 0 : i32
      %dma_wait3A_946 = tpu.memref_slice %arg3[%dma_wait3A_944, %dma_wait3A_945] : memref<1000000x64xbf16, #tpu.memory_space<hbm>> -> memref<1000000x64xbf16, #tpu.memory_space<hbm>>
      tpu.wait_indirect_dma semaphore(%arg8 : memref<!tpu.dma_semaphore, #tpu.memory_space<semaphore_mem>>) src(%dma_wait3A_946 : memref<1000000x64xbf16, #tpu.memory_space<hbm>>) dst(%dma_wait3A_940 : memref<96x64xbf16, #tpu.memory_space<vmem>>)
      %dma_wait3A_947 = arith.constant 1 : i32
      %dma_wait3A_948 = arith.constant 6 : i32
      %dma_wait3A_949 = arith.constant 1 : i32
      %dma_wait3A_950 = arith.constant 1200 : i32
      %dma_wait3A_951 = arith.constant 0 : i32
      %dma_wait3A_952 = tpu.memref_slice %arg6[%dma_wait3A_949, %dma_wait3A_950, %dma_wait3A_951] : memref<2x1600x64xbf16, #tpu.memory_space<vmem>> -> memref<1x104x64xbf16, #tpu.memory_space<vmem>>
      %dma_wait3A_953 = tpu.memref_squeeze %dma_wait3A_952 : memref<1x104x64xbf16, #tpu.memory_space<vmem>> -> memref<104x64xbf16, #tpu.memory_space<vmem>>
      %dma_wait3A_954 = arith.constant 0 : i32
      %dma_wait3A_955 = tpu.memref_slice %arg5[%dma_wait3A_947, %dma_wait3A_948, %dma_wait3A_954] : memref<2x8x200xi32, #tpu.memory_space<vmem>> -> memref<1x1x104xi32, #tpu.memory_space<vmem>>
      %dma_wait3A_956 = tpu.memref_squeeze %dma_wait3A_955 : memref<1x1x104xi32, #tpu.memory_space<vmem>> -> memref<104xi32, #tpu.memory_space<vmem>>
      %dma_wait3A_957 = arith.constant 0 : i32
      %dma_wait3A_958 = arith.constant 0 : i32
      %dma_wait3A_959 = tpu.memref_slice %arg3[%dma_wait3A_957, %dma_wait3A_958] : memref<1000000x64xbf16, #tpu.memory_space<hbm>> -> memref<1000000x64xbf16, #tpu.memory_space<hbm>>
      tpu.wait_indirect_dma semaphore(%arg8 : memref<!tpu.dma_semaphore, #tpu.memory_space<semaphore_mem>>) src(%dma_wait3A_959 : memref<1000000x64xbf16, #tpu.memory_space<hbm>>) dst(%dma_wait3A_953 : memref<104x64xbf16, #tpu.memory_space<vmem>>)
      %dma_wait3A_960 = arith.constant 1 : i32
      %dma_wait3A_961 = arith.constant 6 : i32
      %dma_wait3A_962 = arith.constant 1 : i32
      %dma_wait3A_963 = arith.constant 1304 : i32
      %dma_wait3A_964 = arith.constant 0 : i32
      %dma_wait3A_965 = tpu.memref_slice %arg6[%dma_wait3A_962, %dma_wait3A_963, %dma_wait3A_964] : memref<2x1600x64xbf16, #tpu.memory_space<vmem>> -> memref<1x96x64xbf16, #tpu.memory_space<vmem>>
      %dma_wait3A_966 = tpu.memref_squeeze %dma_wait3A_965 : memref<1x96x64xbf16, #tpu.memory_space<vmem>> -> memref<96x64xbf16, #tpu.memory_space<vmem>>
      %dma_wait3A_967 = arith.constant 104 : i32
      %dma_wait3A_968 = tpu.memref_slice %arg5[%dma_wait3A_960, %dma_wait3A_961, %dma_wait3A_967] : memref<2x8x200xi32, #tpu.memory_space<vmem>> -> memref<1x1x96xi32, #tpu.memory_space<vmem>>
      %dma_wait3A_969 = tpu.memref_squeeze %dma_wait3A_968 : memref<1x1x96xi32, #tpu.memory_space<vmem>> -> memref<96xi32, #tpu.memory_space<vmem>>
      %dma_wait3A_970 = arith.constant 0 : i32
      %dma_wait3A_971 = arith.constant 0 : i32
      %dma_wait3A_972 = tpu.memref_slice %arg3[%dma_wait3A_970, %dma_wait3A_971] : memref<1000000x64xbf16, #tpu.memory_space<hbm>> -> memref<1000000x64xbf16, #tpu.memory_space<hbm>>
      tpu.wait_indirect_dma semaphore(%arg8 : memref<!tpu.dma_semaphore, #tpu.memory_space<semaphore_mem>>) src(%dma_wait3A_972 : memref<1000000x64xbf16, #tpu.memory_space<hbm>>) dst(%dma_wait3A_966 : memref<96x64xbf16, #tpu.memory_space<vmem>>)
      %dma_wait3A_973 = arith.constant 1 : i32
      %dma_wait3A_974 = arith.constant 7 : i32
      %dma_wait3A_975 = arith.constant 1 : i32
      %dma_wait3A_976 = arith.constant 1400 : i32
      %dma_wait3A_977 = arith.constant 0 : i32
      %dma_wait3A_978 = tpu.memref_slice %arg6[%dma_wait3A_975, %dma_wait3A_976, %dma_wait3A_977] : memref<2x1600x64xbf16, #tpu.memory_space<vmem>> -> memref<1x104x64xbf16, #tpu.memory_space<vmem>>
      %dma_wait3A_979 = tpu.memref_squeeze %dma_wait3A_978 : memref<1x104x64xbf16, #tpu.memory_space<vmem>> -> memref<104x64xbf16, #tpu.memory_space<vmem>>
      %dma_wait3A_980 = arith.constant 0 : i32
      %dma_wait3A_981 = tpu.memref_slice %arg5[%dma_wait3A_973, %dma_wait3A_974, %dma_wait3A_980] : memref<2x8x200xi32, #tpu.memory_space<vmem>> -> memref<1x1x104xi32, #tpu.memory_space<vmem>>
      %dma_wait3A_982 = tpu.memref_squeeze %dma_wait3A_981 : memref<1x1x104xi32, #tpu.memory_space<vmem>> -> memref<104xi32, #tpu.memory_space<vmem>>
      %dma_wait3A_983 = arith.constant 0 : i32
      %dma_wait3A_984 = arith.constant 0 : i32
      %dma_wait3A_985 = tpu.memref_slice %arg3[%dma_wait3A_983, %dma_wait3A_984] : memref<1000000x64xbf16, #tpu.memory_space<hbm>> -> memref<1000000x64xbf16, #tpu.memory_space<hbm>>
      tpu.wait_indirect_dma semaphore(%arg8 : memref<!tpu.dma_semaphore, #tpu.memory_space<semaphore_mem>>) src(%dma_wait3A_985 : memref<1000000x64xbf16, #tpu.memory_space<hbm>>) dst(%dma_wait3A_979 : memref<104x64xbf16, #tpu.memory_space<vmem>>)
      %dma_wait3A_986 = arith.constant 1 : i32
      %dma_wait3A_987 = arith.constant 7 : i32
      %dma_wait3A_988 = arith.constant 1 : i32
      %dma_wait3A_989 = arith.constant 1504 : i32
      %dma_wait3A_990 = arith.constant 0 : i32
      %dma_wait3A_991 = tpu.memref_slice %arg6[%dma_wait3A_988, %dma_wait3A_989, %dma_wait3A_990] : memref<2x1600x64xbf16, #tpu.memory_space<vmem>> -> memref<1x96x64xbf16, #tpu.memory_space<vmem>>
      %dma_wait3A_992 = tpu.memref_squeeze %dma_wait3A_991 : memref<1x96x64xbf16, #tpu.memory_space<vmem>> -> memref<96x64xbf16, #tpu.memory_space<vmem>>
      %dma_wait3A_993 = arith.constant 104 : i32
      %dma_wait3A_994 = tpu.memref_slice %arg5[%dma_wait3A_986, %dma_wait3A_987, %dma_wait3A_993] : memref<2x8x200xi32, #tpu.memory_space<vmem>> -> memref<1x1x96xi32, #tpu.memory_space<vmem>>
      %dma_wait3A_995 = tpu.memref_squeeze %dma_wait3A_994 : memref<1x1x96xi32, #tpu.memory_space<vmem>> -> memref<96xi32, #tpu.memory_space<vmem>>
      %dma_wait3A_996 = arith.constant 0 : i32
      %dma_wait3A_997 = arith.constant 0 : i32
      %dma_wait3A_998 = tpu.memref_slice %arg3[%dma_wait3A_996, %dma_wait3A_997] : memref<1000000x64xbf16, #tpu.memory_space<hbm>> -> memref<1000000x64xbf16, #tpu.memory_space<hbm>>
      tpu.wait_indirect_dma semaphore(%arg8 : memref<!tpu.dma_semaphore, #tpu.memory_space<semaphore_mem>>) src(%dma_wait3A_998 : memref<1000000x64xbf16, #tpu.memory_space<hbm>>) dst(%dma_wait3A_992 : memref<96x64xbf16, #tpu.memory_space<vmem>>)
      %add3A_999 = arith.constant 1 : i32
      %add3A_1000 = arith.addi %scan3A_85, %add3A_999 : i32
      %lt3A_1001 = arith.constant 8 : i32
      %lt3A_1002 = arith.cmpi slt, %add3A_1000, %lt3A_1001 : i32
      %convert_element_type3A_1003 = arith.extui %lt3A_1002 : i1 to i32
      %cond3A_1004 = arith.constant 0 : i32
      %cond3A_1005 = arith.cmpi ne, %convert_element_type3A_1003, %cond3A_1004 : i32
      scf.if %cond3A_1005 {
        %add3A_1026 = arith.constant 16 : i32
        %add3A_1027 = arith.addi %mul3A_559, %add3A_1026 : i32
        %add3A_1028 = arith.addi %mul3A_2, %add3A_1027 : i32
        %multiple_of3A_1029 = tpu.assume_multiple %add3A_1028, 8 : i32
        %dma_start3A_1030 = arith.constant 1 : i32
        %dma_start3A_1031 = arith.constant 1 : i32
        %dma_start3A_1032 = arith.constant 0 : i32
        %dma_start3A_1033 = arith.constant 0 : i32
        %dma_start3A_1034 = tpu.memref_slice %arg5[%dma_start3A_1030, %dma_start3A_1032, %dma_start3A_1033] : memref<2x8x200xi32, #tpu.memory_space<vmem>> -> memref<1x8x200xi32, #tpu.memory_space<vmem>>
        %dma_start3A_1035 = tpu.memref_squeeze %dma_start3A_1034 : memref<1x8x200xi32, #tpu.memory_space<vmem>> -> memref<8x200xi32, #tpu.memory_space<vmem>>
        %dma_start3A_1036 = arith.constant 0 : i32
        %dma_start3A_1037 = tpu.memref_slice %arg2[%multiple_of3A_1029, %dma_start3A_1036] : memref<4096x200xi32, #tpu.memory_space<hbm>> -> memref<8x200xi32, #tpu.memory_space<hbm>>
        %dma_start3A_1038 = tpu.memref_slice %arg7[%dma_start3A_1031] : memref<2x!tpu.dma_semaphore, #tpu.memory_space<semaphore_mem>> -> memref<1x!tpu.dma_semaphore, #tpu.memory_space<semaphore_mem>>
        %dma_start3A_1039 = tpu.memref_squeeze %dma_start3A_1038 : memref<1x!tpu.dma_semaphore, #tpu.memory_space<semaphore_mem>> -> memref<!tpu.dma_semaphore, #tpu.memory_space<semaphore_mem>>
        %dma_start3A_1040 = arith.constant 0 : i32
        %dma_start3A_1041 = arith.constant 0 : i32
        %dma_start3A_1042 = tpu.memref_slice %arg5[%dma_start3A_1030, %dma_start3A_1040, %dma_start3A_1041] : memref<2x8x200xi32, #tpu.memory_space<vmem>> -> memref<1x8x200xi32, #tpu.memory_space<vmem>>
        %dma_start3A_1043 = tpu.memref_squeeze %dma_start3A_1042 : memref<1x8x200xi32, #tpu.memory_space<vmem>> -> memref<8x200xi32, #tpu.memory_space<vmem>>
        %dma_start3A_1044 = arith.constant 0 : i32
        %dma_start3A_1045 = tpu.memref_slice %arg2[%multiple_of3A_1029, %dma_start3A_1044] : memref<4096x200xi32, #tpu.memory_space<hbm>> -> memref<8x200xi32, #tpu.memory_space<hbm>>
        tpu.enqueue_dma source(%dma_start3A_1045 : memref<8x200xi32, #tpu.memory_space<hbm>>) target(%dma_start3A_1043 : memref<8x200xi32, #tpu.memory_space<vmem>>) target_semaphore(%dma_start3A_1039 : memref<!tpu.dma_semaphore, #tpu.memory_space<semaphore_mem>>)
      } else {
      }
      %add3A_1006 = arith.addi %mul3A_2, %mul3A_559 : i32
      %mul3A_1007 = arith.constant 200 : i32
      %mul3A_1008 = arith.muli %add3A_1006, %mul3A_1007 : i32
      %multiple_of3A_1009 = tpu.assume_multiple %mul3A_1008, 1600 : i32
      %dma_start3A_1010 = arith.constant 1 : i32
      %dma_start3A_1011 = arith.constant 1 : i32
      %dma_start3A_1012 = arith.constant 0 : i32
      %dma_start3A_1013 = arith.constant 0 : i32
      %dma_start3A_1014 = tpu.memref_slice %arg6[%dma_start3A_1010, %dma_start3A_1012, %dma_start3A_1013] : memref<2x1600x64xbf16, #tpu.memory_space<vmem>> -> memref<1x1600x64xbf16, #tpu.memory_space<vmem>>
      %dma_start3A_1015 = tpu.memref_squeeze %dma_start3A_1014 : memref<1x1600x64xbf16, #tpu.memory_space<vmem>> -> memref<1600x64xbf16, #tpu.memory_space<vmem>>
      %dma_start3A_1016 = arith.constant 0 : i32
      %dma_start3A_1017 = tpu.memref_slice %arg4[%multiple_of3A_1009, %dma_start3A_1016] : memref<819200x64xbf16, #tpu.memory_space<hbm>> -> memref<1600x64xbf16, #tpu.memory_space<hbm>>
      %dma_start3A_1018 = tpu.memref_slice %arg9[%dma_start3A_1011] : memref<2x!tpu.dma_semaphore, #tpu.memory_space<semaphore_mem>> -> memref<1x!tpu.dma_semaphore, #tpu.memory_space<semaphore_mem>>
      %dma_start3A_1019 = tpu.memref_squeeze %dma_start3A_1018 : memref<1x!tpu.dma_semaphore, #tpu.memory_space<semaphore_mem>> -> memref<!tpu.dma_semaphore, #tpu.memory_space<semaphore_mem>>
      %dma_start3A_1020 = arith.constant 0 : i32
      %dma_start3A_1021 = tpu.memref_slice %arg4[%multiple_of3A_1009, %dma_start3A_1020] : memref<819200x64xbf16, #tpu.memory_space<hbm>> -> memref<1600x64xbf16, #tpu.memory_space<hbm>>
      %dma_start3A_1022 = arith.constant 0 : i32
      %dma_start3A_1023 = arith.constant 0 : i32
      %dma_start3A_1024 = tpu.memref_slice %arg6[%dma_start3A_1010, %dma_start3A_1022, %dma_start3A_1023] : memref<2x1600x64xbf16, #tpu.memory_space<vmem>> -> memref<1x1600x64xbf16, #tpu.memory_space<vmem>>
      %dma_start3A_1025 = tpu.memref_squeeze %dma_start3A_1024 : memref<1x1600x64xbf16, #tpu.memory_space<vmem>> -> memref<1600x64xbf16, #tpu.memory_space<vmem>>
      tpu.enqueue_dma source(%dma_start3A_1025 : memref<1600x64xbf16, #tpu.memory_space<vmem>>) target(%dma_start3A_1021 : memref<1600x64xbf16, #tpu.memory_space<hbm>>) target_semaphore(%dma_start3A_1019 : memref<!tpu.dma_semaphore, #tpu.memory_space<semaphore_mem>>)
    }
    %scan3A_43 = arith.constant 8 : i32
    %add3A_44 = arith.constant 112 : i32
    %add3A_45 = arith.addi %mul3A_2, %add3A_44 : i32
    %mul3A_46 = arith.constant 200 : i32
    %mul3A_47 = arith.muli %add3A_45, %mul3A_46 : i32
    %multiple_of3A_48 = tpu.assume_multiple %mul3A_47, 1600 : i32
    %dma_wait3A = arith.constant 0 : i32
    %dma_wait3A_49 = arith.constant 0 : i32
    %dma_wait3A_50 = arith.constant 0 : i32
    %dma_wait3A_51 = arith.constant 0 : i32
    %dma_wait3A_52 = tpu.memref_slice %arg6[%dma_wait3A, %dma_wait3A_50, %dma_wait3A_51] : memref<2x1600x64xbf16, #tpu.memory_space<vmem>> -> memref<1x1600x64xbf16, #tpu.memory_space<vmem>>
    %dma_wait3A_53 = tpu.memref_squeeze %dma_wait3A_52 : memref<1x1600x64xbf16, #tpu.memory_space<vmem>> -> memref<1600x64xbf16, #tpu.memory_space<vmem>>
    %dma_wait3A_54 = arith.constant 0 : i32
    %dma_wait3A_55 = tpu.memref_slice %arg4[%multiple_of3A_48, %dma_wait3A_54] : memref<819200x64xbf16, #tpu.memory_space<hbm>> -> memref<1600x64xbf16, #tpu.memory_space<hbm>>
    %dma_wait3A_56 = tpu.memref_slice %arg9[%dma_wait3A_49] : memref<2x!tpu.dma_semaphore, #tpu.memory_space<semaphore_mem>> -> memref<1x!tpu.dma_semaphore, #tpu.memory_space<semaphore_mem>>
    %dma_wait3A_57 = tpu.memref_squeeze %dma_wait3A_56 : memref<1x!tpu.dma_semaphore, #tpu.memory_space<semaphore_mem>> -> memref<!tpu.dma_semaphore, #tpu.memory_space<semaphore_mem>>
    %dma_wait3A_58 = arith.constant 0 : i32
    %dma_wait3A_59 = tpu.memref_slice %arg4[%multiple_of3A_48, %dma_wait3A_58] : memref<819200x64xbf16, #tpu.memory_space<hbm>> -> memref<1600x64xbf16, #tpu.memory_space<hbm>>
    %dma_wait3A_60 = arith.constant 0 : i32
    %dma_wait3A_61 = arith.constant 0 : i32
    %dma_wait3A_62 = tpu.memref_slice %arg6[%dma_wait3A, %dma_wait3A_60, %dma_wait3A_61] : memref<2x1600x64xbf16, #tpu.memory_space<vmem>> -> memref<1x1600x64xbf16, #tpu.memory_space<vmem>>
    %dma_wait3A_63 = tpu.memref_squeeze %dma_wait3A_62 : memref<1x1600x64xbf16, #tpu.memory_space<vmem>> -> memref<1600x64xbf16, #tpu.memory_space<vmem>>
    tpu.wait_dma2 semaphore(%dma_wait3A_57 : memref<!tpu.dma_semaphore, #tpu.memory_space<semaphore_mem>>) src(%dma_wait3A_63 : memref<1600x64xbf16, #tpu.memory_space<vmem>>) dst(%dma_wait3A_59 : memref<1600x64xbf16, #tpu.memory_space<hbm>>)
    %add3A_64 = arith.constant 120 : i32
    %add3A_65 = arith.addi %mul3A_2, %add3A_64 : i32
    %mul3A_66 = arith.constant 200 : i32
    %mul3A_67 = arith.muli %add3A_65, %mul3A_66 : i32
    %multiple_of3A_68 = tpu.assume_multiple %mul3A_67, 1600 : i32
    %dma_wait3A_69 = arith.constant 1 : i32
    %dma_wait3A_70 = arith.constant 1 : i32
    %dma_wait3A_71 = arith.constant 0 : i32
    %dma_wait3A_72 = arith.constant 0 : i32
    %dma_wait3A_73 = tpu.memref_slice %arg6[%dma_wait3A_69, %dma_wait3A_71, %dma_wait3A_72] : memref<2x1600x64xbf16, #tpu.memory_space<vmem>> -> memref<1x1600x64xbf16, #tpu.memory_space<vmem>>
    %dma_wait3A_74 = tpu.memref_squeeze %dma_wait3A_73 : memref<1x1600x64xbf16, #tpu.memory_space<vmem>> -> memref<1600x64xbf16, #tpu.memory_space<vmem>>
    %dma_wait3A_75 = arith.constant 0 : i32
    %dma_wait3A_76 = tpu.memref_slice %arg4[%multiple_of3A_68, %dma_wait3A_75] : memref<819200x64xbf16, #tpu.memory_space<hbm>> -> memref<1600x64xbf16, #tpu.memory_space<hbm>>
    %dma_wait3A_77 = tpu.memref_slice %arg9[%dma_wait3A_70] : memref<2x!tpu.dma_semaphore, #tpu.memory_space<semaphore_mem>> -> memref<1x!tpu.dma_semaphore, #tpu.memory_space<semaphore_mem>>
    %dma_wait3A_78 = tpu.memref_squeeze %dma_wait3A_77 : memref<1x!tpu.dma_semaphore, #tpu.memory_space<semaphore_mem>> -> memref<!tpu.dma_semaphore, #tpu.memory_space<semaphore_mem>>
    %dma_wait3A_79 = arith.constant 0 : i32
    %dma_wait3A_80 = tpu.memref_slice %arg4[%multiple_of3A_68, %dma_wait3A_79] : memref<819200x64xbf16, #tpu.memory_space<hbm>> -> memref<1600x64xbf16, #tpu.memory_space<hbm>>
    %dma_wait3A_81 = arith.constant 0 : i32
    %dma_wait3A_82 = arith.constant 0 : i32
    %dma_wait3A_83 = tpu.memref_slice %arg6[%dma_wait3A_69, %dma_wait3A_81, %dma_wait3A_82] : memref<2x1600x64xbf16, #tpu.memory_space<vmem>> -> memref<1x1600x64xbf16, #tpu.memory_space<vmem>>
    %dma_wait3A_84 = tpu.memref_squeeze %dma_wait3A_83 : memref<1x1600x64xbf16, #tpu.memory_space<vmem>> -> memref<1600x64xbf16, #tpu.memory_space<vmem>>
    tpu.wait_dma2 semaphore(%dma_wait3A_78 : memref<!tpu.dma_semaphore, #tpu.memory_space<semaphore_mem>>) src(%dma_wait3A_84 : memref<1600x64xbf16, #tpu.memory_space<vmem>>) dst(%dma_wait3A_80 : memref<1600x64xbf16, #tpu.memory_space<hbm>>)
    return
  }
}

module attributes {stable_mosaic.version = 14 : i64} {
  func.func @_proj_body(%arg0: i32, %arg1: memref<12800x256xbf16, #tpu.memory_space<vmem>>, %arg2: memref<256x256xbf16, #tpu.memory_space<vmem>>, %arg3: memref<1x256xbf16, #tpu.memory_space<vmem>>, %arg4: memref<12800x256xbf16, #tpu.memory_space<vmem>>) attributes {dimension_semantics = [#tpu.dimension_semantics<arbitrary>], iteration_bounds = array<i64: 16>, scalar_prefetch = 0 : i64, scratch_operands = 0 : i64, tpu.core_type = #tpu.core_type<tc>, window_params = [{transform_indices = @transform_0, window_bounds = array<i64: 12800, 256>}, {pipeline_mode = #tpu.pipeline_mode<synchronous>, transform_indices = @transform_1, window_bounds = array<i64: 256, 256>}, {pipeline_mode = #tpu.pipeline_mode<synchronous>, transform_indices = @transform_2, window_bounds = array<i64: 1, 256>}, {transform_indices = @transform_3, window_bounds = array<i64: 12800, 256>}]} {
    %get3A = arith.constant 0 : index
    %get3A_0 = arith.constant 0 : index
    %get3A_1 = vector.load %arg1[%get3A, %get3A_0] : memref<12800x256xbf16, #tpu.memory_space<vmem>>, vector<12800x256xbf16>
    %get3A_2 = arith.constant 0 : index
    %get3A_3 = arith.constant 0 : index
    %get3A_4 = vector.load %arg2[%get3A_2, %get3A_3] : memref<256x256xbf16, #tpu.memory_space<vmem>>, vector<256x256xbf16>
    %dot_general3A = arith.constant dense<0.000000e+00> : vector<12800x256xf32>
    %dot_general3A_5 = tpu.matmul %get3A_1, %get3A_4, %dot_general3A {dimension_numbers = #tpu.dot_dimension_numbers<[1], [0], [0], [1], [0, 0, 1, 1], [], []>, transpose_lhs_hint = false} : vector<12800x256xbf16>, vector<256x256xbf16>, vector<12800x256xf32> -> vector<12800x256xf32>
    %get3A_6 = arith.constant 0 : index
    %get3A_7 = arith.constant 0 : index
    %get3A_8 = vector.load %arg3[%get3A_6, %get3A_7] : memref<1x256xbf16, #tpu.memory_space<vmem>>, vector<1x256xbf16>
    %convert_element_type3A = arith.extf %get3A_8 : vector<1x256xbf16> to vector<1x256xf32>
    %add3A = vector.broadcast %convert_element_type3A : vector<1x256xf32> to vector<12800x256xf32>
    %add3A_9 = arith.addf %dot_general3A_5, %add3A : vector<12800x256xf32>
    %convert_element_type3A_10 = arith.truncf %add3A_9 : vector<12800x256xf32> to vector<12800x256xbf16>
    %swap3A = arith.constant 0 : index
    %swap3A_11 = arith.constant 0 : index
    %swap3A_12 = vector.load %arg4[%swap3A, %swap3A_11] : memref<12800x256xbf16, #tpu.memory_space<vmem>>, vector<12800x256xbf16>
    tpu.vector_store %arg4[%swap3A, %swap3A_11], %convert_element_type3A_10 {strides = array<i32>} : memref<12800x256xbf16, #tpu.memory_space<vmem>>, vector<12800x256xbf16>,
    return
  }
  func.func @transform_0(%arg0: i32) -> (i32, i32) {
    %c0_i32 = arith.constant 0 : i32
    %c0_i32_0 = arith.constant 0 : i32
    return %arg0, %c0_i32 : i32, i32
  }
  func.func @transform_1(%arg0: i32) -> (i32, i32) {
    %c0_i32 = arith.constant 0 : i32
    %c0_i32_0 = arith.constant 0 : i32
    %c0_i32_1 = arith.constant 0 : i32
    return %c0_i32, %c0_i32_0 : i32, i32
  }
  func.func @transform_2(%arg0: i32) -> (i32, i32) {
    %c0_i32 = arith.constant 0 : i32
    %c0_i32_0 = arith.constant 0 : i32
    %c0_i32_1 = arith.constant 0 : i32
    return %c0_i32, %c0_i32_0 : i32, i32
  }
  func.func @transform_3(%arg0: i32) -> (i32, i32) {
    %c0_i32 = arith.constant 0 : i32
    %c0_i32_0 = arith.constant 0 : i32
    return %arg0, %c0_i32 : i32, i32
  }
}

</mosaic_0001>

<sc_bundles>
// kernel: kernel.4.cloned.1.call-start
scs
__scs_entry_jumppad:
0x0: {  	(pc) =	sbr.rel $0x88, $3  }
0x1: {  	(tag) =	ssettag $0x0;
	lr =	simm.s32 $0x1  }
0x2: {  	[smem:$0x3F9D] =	sst lr;
	_ =	strace $0xD0000000  }
0x3: {  	_ = 	snop  }
0x4: {  	_ = 	snop  }
0x5: {  	_ = 	snop  }
0x6: {  	_ = 	snop  }
0x7: {  	_ = 	snop  }
__scs_overlays_trampoline_lowered:
0x8: {  	[smem:$0x3FAC] =	sst s0  }
0x9: {  	[smem:$0x3FAD] =	sst s1  }
0xa: {  	[smem:$0x3FAE] =	sst s2  }
0xb: {  	[smem:$0x3FAF] =	sst s3  }
0xc: {  	[smem:$0x3FB0] =	sst s4  }
0xd: {  	[smem:$0x3FB1] =	sst s5  }
0xe: {  	[smem:$0x3FB2] =	sst s6  }
0xf: {  	[smem:$0x3FB3] =	sst s7  }
0x10: {  	[smem:$0x3FB4] =	sst s8  }
0x11: {  	[smem:$0x3FB5] =	sst s9;
	s0 =	simm.s32 @!p0 $0x0  }
0x12: {  	s1 =	sld [smem:$0x3F9B];
	s0 =	simm.s32 @p0 $0x1  }
0x13: {  	[smem:$0x3FB6] =	sst s0;
	s0 =	simm.s32 @!p1 $0x0  }
0x14: {  	s2 =	sld [smem:$0x3F9A];
	s0 =	simm.s32 @p1 $0x1  }
0x15: {  	[smem:$0x3FB7] =	sst s0;
	s0 =	simm.s32 @!p2 $0x0  }
0x16: {  	s3 =	sld [smem:$0x3FDB];
	s0 =	simm.s32 @p2 $0x1  }
0x17: {  	s4 =	simm.s32 $0x1BF5;
	[smem:$0x3FB9] =	sst s0  }
0x18: {  	s0 =	sld [smem:$0x3F9C];
	_ =	swait.ge [sflag:s4], $0x0  }
0x19: {  	s7 =	sld [smem:$0x3F9D]  }
0x1a: {  	s8 =	sadd.s32 $0xFFFFE003, lr  }
0x1b: {  	s9 =	sadd.s32 $0xFFFFFEF7, lr;
	s5 =	simm.s32 $0xFFFFFFFF;
	p2 =	slt.u32 s8, $0xFFFFF086  }
0x1c: {  	p1 =	slt.u32 s9, $0xF7A;
	s5 =	simm.s32 @!p2 $0x0  }
0x1d: {  	s5 =	simm.s32 @p1 $0x1;
	p0 =	seq.s32 s7, s2  }
0x1e: {  	s7 =	smul.u32 @!p0 $0xF7A, s2;
	p2 =	seq.s32 @!p0 s5, $0x0  }
0x1f: {  	s9 =	smul.u32 $0xF7A, s1;
	s8 =	simm.s32 @!p0 $0x1BF5;
	p2 =	por !p2, p0  }
0x20: {  	[sflag:s8] =	ssyncset.s32 @!p0 $0xFFFFF086;
	s6 =	sadd.s32 @!p0 s3, s7;
	s7 =	simm.s32 @!p0 $0x108  }
0x21: {  	s3 =	sadd.s32 s3, s9;
	s6 =	sadd.s32 @!p0 $0x88, s6;
	s7 =	simm.s32 @p2 $0x1082  }
0x22: {  	[simem:s7], [sflag:s8] =	dma.local @!p0 [hbm:s6], $0xF7A  }
0x23: {  	s9 =	sor.u32 $0xD0000000, s2;
	s6 =	simm.s32 $0x108;
	_ =	swait.ge @!p0 [sflag:s8], $0x0  }
0x24: {  	s3 =	sadd.s32 $0x88, s3;
	s6 =	simm.s32 @!p1 $0x1082;
	[sflag:s4] =	ssyncset.s32 $0xFFFFF086  }
0x25: {  	[simem:s6], [sflag:s4] =	dma.local [hbm:s3], $0xF7A  }
0x26: {  	[smem:$0x3F9D] =	sst s1;
	(tag) =	ssettag s2;
	_ =	strace s9  }
0x27: {  	s1 =	sld [smem:$0x3FAD]  }
0x28: {  	s2 =	sld [smem:$0x3FAE]  }
0x29: {  	s4 =	sld [smem:$0x3FB0]  }
0x2a: {  	p0 =	seq.s32 s5, $0x0;
	s5 =	sld [smem:$0x3FB1]  }
0x2b: {  	s6 =	sld [smem:$0x3FB2]  }
0x2c: {  	s7 =	sld [smem:$0x3FB3]  }
0x2d: {  	s3 =	simm.s32 $0x108;
	s8 =	sld [smem:$0x3FB4]  }
0x2e: {  	s3 =	simm.s32 @!p0 $0x1082;
	s9 =	sld [smem:$0x3FB5]  }
0x2f: {  	lr =	sadd.s32 s0, s3;
	s0 =	sld [smem:$0x3FAC]  }
0x30: {  	s3 =	sld [smem:$0x3FAF]  }
0x31: {  	[smem:$0x3FB8] =	sst s10  }
0x32: {  	s10 =	sld [smem:$0x3FB6];
	_ =	sdelay $0x3  }
0x33: {  	p0 =	seq.s32 s10, $0x1;
	s10 =	sld [smem:$0x3FB8];
	_ =	sdelay $0x3  }
0x34: {  	[smem:$0x3FB8] =	sst s10  }
0x35: {  	s10 =	sld [smem:$0x3FB7];
	_ =	sdelay $0x3  }
0x36: {  	p1 =	seq.s32 s10, $0x1;
	s10 =	sld [smem:$0x3FB8];
	_ =	sdelay $0x3  }
0x37: {  	[smem:$0x3FB8] =	sst s10  }
0x38: {  	s10 =	sld [smem:$0x3FB9]  }
0x39: {  	_ = 	snop;
	(pc) =	sbr.ind lr, $3  }
0x3a: {  	_ = 	snop  }
0x3b: {  	_ = 	snop  }
0x3c: {  	p2 =	seq.s32 s10, $0x1;
	s10 =	sld [smem:$0x3FB8]  }
0x3d: {  	_ =	shalt  }
0x3e: {  	_ =	shalt  }
0x3f: {  	_ =	shalt  }
0x40: {  	_ =	shalt  }
0x41: {  	_ =	shalt  }
0x42: {  	_ =	shalt  }
0x43: {  	_ =	shalt  }
0x44: {  	_ =	shalt  }
0x45: {  	_ =	shalt  }
0x46: {  	_ =	shalt  }
0x47: {  	_ =	shalt  }
0x48: {  	_ =	shalt  }
0x49: {  	_ =	shalt  }
0x4a: {  	_ =	shalt  }
0x4b: {  	_ =	shalt  }
0x4c: {  	_ =	shalt  }
0x4d: {  	_ =	shalt  }
0x4e: {  	_ =	shalt  }
0x4f: {  	_ =	shalt  }
0x50: {  	_ =	shalt  }
0x51: {  	_ =	shalt  }
0x52: {  	_ =	shalt  }
0x53: {  	_ =	shalt  }
0x54: {  	_ =	shalt  }
0x55: {  	_ =	shalt  }
0x56: {  	_ =	shalt  }
0x57: {  	_ =	shalt  }
0x58: {  	_ =	shalt  }
0x59: {  	_ =	shalt  }
0x5a: {  	_ =	shalt  }
0x5b: {  	_ =	shalt  }
0x5c: {  	_ =	shalt  }
0x5d: {  	_ =	shalt  }
0x5e: {  	_ =	shalt  }
0x5f: {  	_ =	shalt  }
0x60: {  	_ =	shalt  }
0x61: {  	_ =	shalt  }
0x62: {  	_ =	shalt  }
0x63: {  	_ =	shalt  }
0x64: {  	_ =	shalt  }
0x65: {  	_ =	shalt  }
0x66: {  	_ =	shalt  }
0x67: {  	_ =	shalt  }
0x68: {  	_ =	shalt  }
0x69: {  	_ =	shalt  }
0x6a: {  	_ =	shalt  }
0x6b: {  	_ =	shalt  }
0x6c: {  	_ =	shalt  }
0x6d: {  	_ =	shalt  }
0x6e: {  	_ =	shalt  }
0x6f: {  	_ =	shalt  }
0x70: {  	_ =	shalt  }
0x71: {  	_ =	shalt  }
0x72: {  	_ =	shalt  }
0x73: {  	_ =	shalt  }
0x74: {  	_ =	shalt  }
0x75: {  	_ =	shalt  }
0x76: {  	_ =	shalt  }
0x77: {  	_ =	shalt  }
0x78: {  	_ =	shalt  }
0x79: {  	_ =	shalt  }
0x7a: {  	_ =	shalt  }
0x7b: {  	_ =	shalt  }
0x7c: {  	_ =	shalt  }
0x7d: {  	_ =	shalt  }
0x7e: {  	_ =	shalt  }
0x7f: {  	_ =	shalt  }
0x80: {  	_ =	shalt  }
0x81: {  	_ =	shalt  }
0x82: {  	_ =	shalt  }
0x83: {  	_ =	shalt  }
0x84: {  	_ =	shalt  }
0x85: {  	_ =	shalt  }
0x86: {  	_ =	shalt  }
0x87: {  	_ =	shalt  }
.Lfunc_end0:
.L_simem_size_0:
called_computation.2_lowered:
.L_overlay_start_0:
0x88: {  	s2 =	sld [smem:$0x3FD9]  }
0x89: {  	s3 =	sld [smem:$0x3FFE];
	_ =	sdelay $0x1  }
0x8a: {  	s1 =	srdreg.scid  }
0x8b: {  	s0 =	sand.u32 $0x1, s1  }
0x8c: {  	s17 =	sshll.u32 s0, $0xA;
	s2 =	sadd.s32 s3, s2  }
0x8d: {  	s2 =	sadd.s32 s2, s17  }
0x8e: {  	[smem:$0x3FC4] =	sst s2  }
0x8f: {  	_ = 	snop  }
0x90: {  	s2 =	sld [smem:$0x3FD0];
	(tm) =	ssettm $0x1  }
0x91: {  	s18 =	sld [smem:$0x3FFB];
	_ =	sdelay $0x3  }
0x92: {  	_ =	strace s18  }
0x93: {  	s3 =	sld [smem:$0x3FFC];
	_ =	sdelay $0x3  }
0x94: {  	_ =	strace s3  }
0x95: {  	s3 =	sld [smem:$0x3FFD];
	_ =	sdelay $0x3  }
0x96: {  	_ =	strace s3  }
0x97: {  	_ =	strace $0x8FFFFFFF  }
0x98: {  	s19 =	sld [smem:$0x3FDB];
	_ =	sdelay $0x1  }
0x99: {  	s4 =	simm.s32 $_scs_section_size  }
0x9a: {  	s5 =	simm.s32 $_size__tile_overlayer_lowered;
	s6 =	simm.s32 $_tile_overlayer_lowered  }
0x9b: {  	s22 =	simm.s32 $0x1BFF;
	s21 =	sshll.u32 s6, $0x1;
	s3 =	sadd.s32 s4, s19  }
0x9c: {  	s7 =	simm.s32 $0x0;
	s20 =	sshll.u32 s5, $0x1;
	s5 =	sadd.s32 s21, s3  }
0x9d: {  	[timem:s7], [sflag:s22] =	dma.local [hbm:s5], s20  }
0x9e: {  	_ =	swait.ge [sflag:s22], s20  }
0x9f: {  	s4 =	ssub.s32 $0x0, s20;
	[sflag:s22] =	ssyncset.done $0x0  }
0xa0: {  	[sflag:s22] =	ssyncadd.s32 s4;
	_ =	sdelay $0x1  }
0xa1: {  	s23 =	simm.s32 $0x1B8B  }
0xa2: {  	_ =	swait.ge [sflag:s23], $0x1  }
0xa3: {  	[sflag:s23] =	ssyncset.done $0x0  }
0xa4: {  	s25 =	simm.s32 $0x1B8E;
	s24 =	sld [smem:$0x3FFE];
	[sflag:s23] =	ssyncadd.s32 $0xFFFFFFFF  }
0xa5: {  	s26 =	simm.s32 $execute0_lowered;
	[smem:$0x3FD2] =	sst s25  }
0xa6: {  	s5 =	sshll.u32 s26, $0x1;
	_ =	strace $0x80000049;
	[dreg:$0x1] =	wrdreg $0xFFFFFFFF  }
0xa7: {  	s28 =	simm.s32 $_size_execute0_lowered;
	s3 =	sadd.s32 s3, s5;
	[dreg:$0x0] =	wrdreg $0x0  }
0xa8: {  	s5 =	sshll.u32 s28, $0x1;
	[dreg:$0x2] =	wrdreg s3  }
0xa9: {  	[dreg:$0x3] =	wrdreg s5  }
0xaa: {  	[dreg:$0x4] =	wrdreg $0xC0  }
0xab: {  	_ =	task [dreg:s7], $0x5FFFF  }
0xac: {  	[dreg:$0x1] =	wrdreg $0xFFFFFFFF  }
0xad: {  	[dreg:$0x0] =	wrdreg $0x60  }
0xae: {  	[dreg:$0x2] =	wrdreg s2  }
0xaf: {  	[dreg:$0x3] =	wrdreg s24  }
0xb0: {  	[dreg:$0x4] =	wrdreg $0x9  }
0xb1: {  	_ =	task.clear_ibuf [dreg:s7], $0x5FFFF;
	_ =	strace $0x90000049  }
0xb2: {  	s29 =	simm.s32 $0x9;
	_ =	strace $0x8000004B  }
0xb3: {  	_ =	swait.ge [sflag:s29], $0x1  }
0xb4: {  	[sflag:s29] =	ssyncadd.s32 $0xFFFFFFFF  }
0xb5: {  	_ =	strace $0x9000004B  }
0xb6: {  	_ =	sfence  }
0xb7: {  	s30 =	sld [smem:$0x0];
	_ =	sdelay $0x2  }
0xb8: {  	s31 =	sshll.u32 s1, $0xD;
	s1 =	sshrl.u32 s1, $0x2  }
0xb9: {  	s3 =	sand.u32 $0x4000, s31;
	s1 =	sadd.s32 s1, s30  }
0xba: {  	s0 =	sor.u32 s3, s0;
	s1 =	sshll.u32 s1, $0x11  }
0xbb: {  	s0 =	sor.u32 s1, s0  }
0xbc: {  	s0 =	sadd.s32 $0x8F2B, s0  }
0xbd: {  	[sflag:s0] =	ssyncadd.remote.s32 $0x1  }
0xbe: {  	_ =	sfence.sel $0xFFFF  }
0xbf: {  	[dreg:$0x0] =	wrdreg $0xFFFFFFFF;
	(pc) =	sbr.abs _section_cstart, $3  }
0xc0: {  	[dreg:$0x1] =	wrdreg $0xFFFFFFFF  }
0xc1: {  	_ =	task.clear_ibuf [dreg:s7], $0x2FFFF;
	_ =	strace $0x9FFFFFFF  }
0xc2: {  	(tm) =	ssettm $0x7FFFFFFF  }
0xc3: {  	_ =	shalt  }
tec
execute0_lowered:
.L_overlay_start_1:
0x0: {  	(tag) =	ssettag $0x1  }
0x1: {  	s1 =	rddreg [dreg:$0x0]  }
0x2: {  	s4 =	rddreg [dreg:$0x1];
	s2 =	simm.s32 $0x0  }
0x3: {  	s25 =	simm.s32 $0x1980;
	[smem:$0x7FF] =	sst s2  }
0x4: {  	s26 =	simm.s32 $0xC8;
	_ =	strace $0x8000004A;
	[dreg:$0x4] =	wrdreg s25  }
0x5: {  	s28 =	simm.s32 $0x2580;
	[dreg:$0x5] =	wrdreg s26  }
0x6: {  	s29 =	simm.s32 $0x130;
	[dreg:$0x6] =	wrdreg s28  }
0x7: {  	s30 =	simm.s32 $0x3280;
	[dreg:$0x7] =	wrdreg s29  }
0x8: {  	s31 =	simm.s32 $0x190;
	[dreg:$0x8] =	wrdreg s30  }
0x9: {  	s6 =	simm.s32 $0x1F8;
	[dreg:$0x9] =	wrdreg s31  }
0xa: {  	s7 =	simm.s32 $0x4B80;
	[dreg:$0xb] =	wrdreg s6  }
0xb: {  	s9 =	simm.s32 $0x258;
	[dreg:$0xc] =	wrdreg s7  }
0xc: {  	s10 =	simm.s32 $0x5780;
	[dreg:$0xd] =	wrdreg s9  }
0xd: {  	s11 =	simm.s32 $0x2C0;
	[dreg:$0xe] =	wrdreg s10  }
0xe: {  	s12 =	simm.s32 $0x6480;
	[dreg:$0xf] =	wrdreg s11  }
0xf: {  	s13 =	simm.s32 $0x320;
	[dreg:$0x10] =	wrdreg s12  }
0x10: {  	s14 =	simm.s32 $0x7080;
	[dreg:$0x11] =	wrdreg s13  }
0x11: {  	s15 =	simm.s32 $0x388;
	[dreg:$0x12] =	wrdreg s14  }
0x12: {  	s16 =	simm.s32 $0x7D80;
	[dreg:$0x13] =	wrdreg s15  }
0x13: {  	s17 =	simm.s32 $0x3E8;
	[dreg:$0x14] =	wrdreg s16  }
0x14: {  	s18 =	simm.s32 $0x8980;
	[dreg:$0x15] =	wrdreg s17  }
0x15: {  	s19 =	simm.s32 $0x450;
	[dreg:$0x16] =	wrdreg s18  }
0x16: {  	s20 =	simm.s32 $0x9680;
	[dreg:$0x17] =	wrdreg s19  }
0x17: {  	s21 =	simm.s32 $0x4B0;
	[dreg:$0x18] =	wrdreg s20  }
0x18: {  	s22 =	simm.s32 $0xA280;
	[dreg:$0x19] =	wrdreg s21  }
0x19: {  	s24 =	simm.s32 $0xAF80;
	[dreg:$0x1a] =	wrdreg s22  }
0x1a: {  	s6 =	simm.s32 $0x518;
	[dreg:$0x1c] =	wrdreg s24  }
0x1b: {  	s25 =	simm.s32 $0x578;
	[dreg:$0x1b] =	wrdreg s6  }
0x1c: {  	s8 =	stileid.u32;
	s28 =	simm.s32 $0xBB80;
	[dreg:$0x1d] =	wrdreg s25  }
0x1d: {  	s3 =	smul.u32 $0x1900, s8;
	s29 =	simm.s32 $0x5E0;
	[dreg:$0x1e] =	wrdreg s28  }
0x1e: {  	s23 =	smul.u32 $0x32000, s8;
	s30 =	simm.s32 $0xC880;
	[dreg:$0x1f] =	wrdreg s29  }
0x1f: {  	s31 =	sshll.u32 s8, $0x8;
	s8 =	simm.s32 $0x6A8;
	[smem:$0x7E5] =	sst s30  }
0x20: {  	s10 =	simm.s32 $0xE180;
	[smem:$0x7E6] =	sst s8  }
0x21: {  	s11 =	simm.s32 $0x708;
	[smem:$0x7E7] =	sst s10  }
0x22: {  	s12 =	simm.s32 $0xED80;
	[smem:$0x7E8] =	sst s11  }
0x23: {  	s13 =	simm.s32 $0x770;
	[smem:$0x7E9] =	sst s12  }
0x24: {  	s14 =	simm.s32 $0xFA80;
	[smem:$0x7EB] =	sst s13  }
0x25: {  	s15 =	simm.s32 $0x7D0;
	[smem:$0x7EC] =	sst s14  }
0x26: {  	s0 =	srdreg.scid;
	s16 =	simm.s32 $0x10680;
	[smem:$0x7ED] =	sst s15  }
0x27: {  	s0 =	sand.u32 $0x1, s0;
	s17 =	simm.s32 $0x838;
	[smem:$0x7EF] =	sst s16  }
0x28: {  	s5 =	smul.u32 $0xC80, s0;
	s18 =	simm.s32 $0x11380;
	[smem:$0x7F0] =	sst s17  }
0x29: {  	s26 =	ssub.s32 $0x2, s0;
	s20 =	simm.s32 $0x898;
	[smem:$0x7F2] =	sst s18  }
0x2a: {  	s9 =	sshll.u32 s0, $0x7;
	s21 =	simm.s32 $0x11F80;
	[smem:$0x7F3] =	sst s20  }
0x2b: {  	s0 =	smul.u32 $0x19000, s0;
	s22 =	simm.s32 $0x900;
	[smem:$0x7F5] =	sst s21  }
0x2c: {  	s24 =	simm.s32 $0x960;
	s3 =	sadd.s32 s3, s1;
	[smem:$0x7F6] =	sst s22  }
0x2d: {  	s7 =	sshrl.u32 s26, $0x1;
	s10 =	simm.s32 $0x68;
	[smem:$0x7F8] =	sst s24  }
0x2e: {  	s25 =	simm.s32 $0x13880;
	s11 =	simm.s32 $0xC80;
	s28 =	simm.s32 $0x9C8  }
0x2f: {  	s12 =	simm.s32 $0x60;
	s29 =	simm.s32 $0x14580;
	s13 =	simm.s32 $0x3  }
0x30: {  	s30 =	simm.s32 $0xA28;
	s14 =	simm.s32 $0x2;
	s15 =	simm.s32 $0xD480  }
0x31: {  	s16 =	simm.s32 $0xAF0;
	s17 =	simm.s32 $0x16A80;
	s18 =	simm.s32 $0xB58  }
0x32: {  	s20 =	simm.s32 $0xBB8;
	s21 =	simm.s32 $0x18380;
	[smem:$0x7F9] =	sst s25  }
0x33: {  	s24 =	simm.s32 $0xC20;
	s3 =	sadd.s32 s5, s3;
	[smem:$0x7FA] =	sst s28  }
0x34: {  	s5 =	simm.s32 $0x3E80;
	s6 =	ssub.s32 s26, s7;
	[smem:$0x7FB] =	sst s29  }
0x35: {  	s7 =	sor.u32 s9, s31;
	s26 =	simm.s32 $0x640;
	[smem:$0x7FC] =	sst s30  }
0x36: {  	s9 =	simm.s32 $0x1;
	s31 =	simm.s32 $0x15180;
	[dreg:$0x3] =	wrdreg s3  }
0x37: {  	s25 =	simm.s32 $0x19080;
	[dreg:$0xa] =	wrdreg s5;
	s8 =	smul.u32 $0x19, s7  }
0x38: {  	s3 =	sadd.s32 $0x3D1C00, s4;
	s4 =	sadd.s32 s23, s4;
	s7 =	smul.u32 $0xC8, s7  }
0x39: {  	s19 =	smax.u32 s6, $0x1;
	s23 =	simm.s32 $0x12C80;
	[smem:$0x7FD] =	sst s31  }
0x3a: {  	s6 =	simm.s32 $0xA90;
	[smem:$0x7F1] =	sst s19;
	s0 =	sadd.s32 s0, s4  }
0x3b: {  	[smem:$0x7F7] =	sst s23;
	s8 =	sadd.s32 s1, s8;
	s7 =	sshrl.u32 s7, $0x3  }
0x3c: {  	s0 =	sadd.s32 $0x2B00, s0;
	[smem:$0x7EA] =	sst s8;
	s1 =	sadd.s32 s1, s7  }
0x3d: {  	s19 =	simm.s32 $0x17780;
	[smem:$0x7F4] =	sst s0;
	s1 =	sadd.s32 $0xC8, s1  }
0x3e: {  	s4 =	simm.s32 $0x0;
	s8 =	simm.s32 $0x15E80;
	[smem:$0x7EE] =	sst s1  }
.LBB2_1:
0x3f: {  	s0 =	sld [smem:$0x7EA];
	_ =	sdelay $0x1  }
0x40: {  	s23 =	sld [smem:$0x7EE];
	p0 =	por $0x1, $0x1  }
0x41: {  	[tilespmem:s2], [sflag:$0x1] =	stream.linear.gather [hbm4b:s0+s2], $0x640, $0x38;
	[tilespmem:$0x19C80] =	vst v63  }
0x42: {  	[smem:$0x7E4] =	sst s4;
	s0 =	simm.s32 @!p0 $0x4  }
0x43: {  	[tilespmem:s26], [sflag:$0x2] =	stream.linear.gather [hbm4b:s23+s2], $0x640, $0x38;
	[tilespmem:$0x19C80] =	vst v63  }
0x44: {  	_ =	swait.ge @!p0 [sflag:s0], $0xC800  }
0x45: {  	[sflag:s0] =	ssyncset.done @!p0 $0x0  }
0x46: {  	[sflag:s0] =	ssyncadd.s32 @!p0 $0xFFFF3800  }
0x47: {  	_ =	swait.ge [sflag:s9], $0x640  }
0x48: {  	s0 =	rddreg [dreg:$0xd]  }
0x49: {  	s28 =	rddreg [dreg:$0xb]  }
0x4a: {  	s5 =	rddreg [dreg:$0x7]  }
0x4b: {  	s7 =	rddreg [dreg:$0x5]  }
0x4c: {  	s30 =	rddreg [dreg:$0x4]  }
0x4d: {  	s31 =	rddreg [dreg:$0x6]  }
0x4e: {  	s29 =	rddreg [dreg:$0x9]  }
0x4f: {  	[sflag:s9] =	ssyncset.done $0x0;
	s1 =	rddreg [dreg:$0xc]  }
0x50: {  	s22 =	rddreg [dreg:$0x10];
	[sflag:s9] =	ssyncadd.s32 $0xFFFFF9C0  }
0x51: {  	[tilespmem:s11], [sflag:$0x3] =	stream.indirect.gather [hbm4b:s3+s10], $0x20, s2, s10, $0xb8;
	[tilespmem:$0x19C80] =	vst v63  }
0x52: {  	s23 =	rddreg [dreg:$0xf]  }
0x53: {  	[tilespmem:s30], [sflag:$0x3] =	stream.indirect.gather [hbm4b:s3+s12], $0x20, s10, s12, $0xb8;
	[tilespmem:$0x19C80] =	vst v63  }
0x54: {  	s30 =	rddreg [dreg:$0x8]  }
0x55: {  	[tilespmem:s31], [sflag:$0x3] =	stream.indirect.gather [hbm4b:s3+s10], $0x20, s7, s10, $0xb8;
	[tilespmem:$0x19C80] =	vst v63  }
0x56: {  	s31 =	rddreg [dreg:$0xa]  }
0x57: {  	s7 =	rddreg [dreg:$0x16]  }
0x58: {  	[tilespmem:s30], [sflag:$0x3] =	stream.indirect.gather [hbm4b:s3+s12], $0x20, s5, s12, $0xb8;
	[tilespmem:$0x19C80] =	vst v63  }
0x59: {  	s30 =	rddreg [dreg:$0x1a]  }
0x5a: {  	[tilespmem:s31], [sflag:$0x3] =	stream.indirect.gather [hbm4b:s3+s10], $0x20, s29, s10, $0xb8;
	[tilespmem:$0x19C80] =	vst v63  }
0x5b: {  	s31 =	rddreg [dreg:$0xe]  }
0x5c: {  	s29 =	rddreg [dreg:$0x14]  }
0x5d: {  	[tilespmem:s1], [sflag:$0x3] =	stream.indirect.gather [hbm4b:s3+s12], $0x20, s28, s12, $0xb8;
	[tilespmem:$0x19C80] =	vst v63  }
0x5e: {  	s28 =	rddreg [dreg:$0x12]  }
0x5f: {  	s1 =	rddreg [dreg:$0x13]  }
0x60: {  	[tilespmem:s31], [sflag:$0x3] =	stream.indirect.gather [hbm4b:s3+s10], $0x20, s0, s10, $0xb8;
	[tilespmem:$0x19C80] =	vst v63  }
0x61: {  	s31 =	rddreg [dreg:$0x11]  }
0x62: {  	[tilespmem:s22], [sflag:$0x3] =	stream.indirect.gather [hbm4b:s3+s12], $0x20, s23, s12, $0xb8;
	[tilespmem:$0x19C80] =	vst v63  }
0x63: {  	s22 =	rddreg [dreg:$0x15]  }
0x64: {  	s23 =	rddreg [dreg:$0x17]  }
0x65: {  	[tilespmem:s28], [sflag:$0x3] =	stream.indirect.gather [hbm4b:s3+s10], $0x20, s31, s10, $0xb8;
	[tilespmem:$0x19C80] =	vst v63  }
0x66: {  	s31 =	rddreg [dreg:$0x18]  }
0x67: {  	s28 =	rddreg [dreg:$0x19]  }
0x68: {  	[tilespmem:s29], [sflag:$0x3] =	stream.indirect.gather [hbm4b:s3+s12], $0x20, s1, s12, $0xb8;
	[tilespmem:$0x19C80] =	vst v63  }
0x69: {  	s29 =	rddreg [dreg:$0x1c]  }
0x6a: {  	[tilespmem:s7], [sflag:$0x3] =	stream.indirect.gather [hbm4b:s3+s10], $0x20, s22, s10, $0xb8;
	[tilespmem:$0x19C80] =	vst v63  }
0x6b: {  	s1 =	rddreg [dreg:$0x1b]  }
0x6c: {  	[tilespmem:s31], [sflag:$0x3] =	stream.indirect.gather [hbm4b:s3+s12], $0x20, s23, s12, $0xb8;
	[tilespmem:$0x19C80] =	vst v63  }
0x6d: {  	s22 =	rddreg [dreg:$0x1d]  }
0x6e: {  	[tilespmem:s30], [sflag:$0x3] =	stream.indirect.gather [hbm4b:s3+s10], $0x20, s28, s10, $0xb8;
	[tilespmem:$0x19C80] =	vst v63  }
0x6f: {  	s31 =	rddreg [dreg:$0x1e]  }
0x70: {  	[tilespmem:s29], [sflag:$0x3] =	stream.indirect.gather [hbm4b:s3+s12], $0x20, s1, s12, $0xb8;
	[tilespmem:$0x19C80] =	vst v63  }
0x71: {  	s28 =	sld [smem:$0x7E5]  }
0x72: {  	[tilespmem:s31], [sflag:$0x3] =	stream.indirect.gather [hbm4b:s3+s10], $0x20, s22, s10, $0xb8;
	[tilespmem:$0x19C80] =	vst v63  }
0x73: {  	s23 =	rddreg [dreg:$0x1f]  }
0x74: {  	[tilespmem:s28], [sflag:$0x3] =	stream.indirect.gather [hbm4b:s3+s12], $0x20, s23, s12, $0xb8;
	[tilespmem:$0x19C80] =	vst v63  }
0x75: {  	_ =	swait.ge [sflag:s13], $0xD00  }
0x76: {  	[sflag:s13] =	ssyncset.done $0x0  }
0x77: {  	[sflag:s13] =	ssyncadd.s32 $0xFFFFF300  }
0x78: {  	_ =	swait.ge [sflag:s13], $0xC00  }
0x79: {  	[sflag:s13] =	ssyncset.done $0x0  }
0x7a: {  	[sflag:s13] =	ssyncadd.s32 $0xFFFFF400  }
0x7b: {  	_ =	swait.ge [sflag:s13], $0xD00  }
0x7c: {  	[sflag:s13] =	ssyncset.done $0x0  }
0x7d: {  	[sflag:s13] =	ssyncadd.s32 $0xFFFFF300  }
0x7e: {  	_ =	swait.ge [sflag:s13], $0xC00  }
0x7f: {  	[sflag:s13] =	ssyncset.done $0x0  }
0x80: {  	[sflag:s13] =	ssyncadd.s32 $0xFFFFF400  }
0x81: {  	_ =	swait.ge [sflag:s13], $0xD00  }
0x82: {  	[sflag:s13] =	ssyncset.done $0x0  }
0x83: {  	[sflag:s13] =	ssyncadd.s32 $0xFFFFF300  }
0x84: {  	_ =	swait.ge [sflag:s13], $0xC00  }
0x85: {  	[sflag:s13] =	ssyncset.done $0x0  }
0x86: {  	[sflag:s13] =	ssyncadd.s32 $0xFFFFF400  }
0x87: {  	_ =	swait.ge [sflag:s13], $0xD00  }
0x88: {  	[sflag:s13] =	ssyncset.done $0x0  }
0x89: {  	[sflag:s13] =	ssyncadd.s32 $0xFFFFF300  }
0x8a: {  	_ =	swait.ge [sflag:s13], $0xC00  }
0x8b: {  	[sflag:s13] =	ssyncset.done $0x0  }
0x8c: {  	[sflag:s13] =	ssyncadd.s32 $0xFFFFF400  }
0x8d: {  	_ =	swait.ge [sflag:s13], $0xD00  }
0x8e: {  	[sflag:s13] =	ssyncset.done $0x0  }
0x8f: {  	[sflag:s13] =	ssyncadd.s32 $0xFFFFF300  }
0x90: {  	_ =	swait.ge [sflag:s13], $0xC00  }
0x91: {  	[sflag:s13] =	ssyncset.done $0x0  }
0x92: {  	[sflag:s13] =	ssyncadd.s32 $0xFFFFF400  }
0x93: {  	_ =	swait.ge [sflag:s13], $0xD00  }
0x94: {  	[sflag:s13] =	ssyncset.done $0x0  }
0x95: {  	[sflag:s13] =	ssyncadd.s32 $0xFFFFF300  }
0x96: {  	_ =	swait.ge [sflag:s13], $0xC00  }
0x97: {  	[sflag:s13] =	ssyncset.done $0x0  }
0x98: {  	[sflag:s13] =	ssyncadd.s32 $0xFFFFF400  }
0x99: {  	_ =	swait.ge [sflag:s13], $0xD00  }
0x9a: {  	[sflag:s13] =	ssyncset.done $0x0  }
0x9b: {  	[sflag:s13] =	ssyncadd.s32 $0xFFFFF300  }
0x9c: {  	_ =	swait.ge [sflag:s13], $0xC00  }
0x9d: {  	[sflag:s13] =	ssyncset.done $0x0  }
0x9e: {  	[sflag:s13] =	ssyncadd.s32 $0xFFFFF400  }
0x9f: {  	_ =	swait.ge [sflag:s13], $0xD00  }
0xa0: {  	[sflag:s13] =	ssyncset.done $0x0  }
0xa1: {  	[sflag:s13] =	ssyncadd.s32 $0xFFFFF300  }
0xa2: {  	_ =	swait.ge [sflag:s13], $0xC00  }
0xa3: {  	p1 =	por $0x0, $0x0;
	s0 =	rddreg [dreg:$0x3]  }
0xa4: {  	[sflag:s13] =	ssyncset.done $0x0;
	s1 =	sld [smem:$0x7F4];
	s0 =	sadd.s32 @!p1 $0x0, s0  }
0xa5: {  	s4 =	simm.s32 @!p1 $0x0;
	[sflag:s13] =	ssyncadd.s32 $0xFFFFF400;
	s5 =	sadd.s32 @!p1 $0x190, s0  }
0xa6: {  	[tilespmem:s4], [sflag:$0x1] =	stream.linear.gather @!p1 [hbm4b:s5+s4], $0x640, $0x38;
	[tilespmem:$0x19C80] =	vst v63  }
0xa7: {  	s7 =	simm.s32 @!p0 $0x5;
	s29 =	sadd.s32 $0xFFFFE700, s1  }
0xa8: {  	[hbm4b:s29+s2] =	stream.linear.scatter [tilespmem:s11], [sflag:$0x4], $0xC800, $0x38;
	[tilespmem:$0x19C80] =	vst v63  }
0xa9: {  	_ =	swait.ge @!p0 [sflag:s7], $0xC800  }
0xaa: {  	[sflag:s7] =	ssyncset.done @!p0 $0x0  }
0xab: {  	[sflag:s7] =	ssyncadd.s32 @!p0 $0xFFFF3800  }
0xac: {  	_ =	swait.ge [sflag:s14], $0x640  }
0xad: {  	s22 =	sld [smem:$0x7E9]  }
0xae: {  	s23 =	sld [smem:$0x7E6]  }
0xaf: {  	s30 =	sld [smem:$0x7E7]  }
0xb0: {  	s31 =	sld [smem:$0x7E8]  }
0xb1: {  	[sflag:s14] =	ssyncset.done $0x0;
	s28 =	sld [smem:$0x7ED]  }
0xb2: {  	s29 =	sld [smem:$0x7F2];
	[sflag:s14] =	ssyncadd.s32 $0xFFFFF9C0  }
0xb3: {  	[tilespmem:s15], [sflag:$0x3] =	stream.indirect.gather [hbm4b:s3+s10], $0x20, s26, s10, $0xb8;
	[tilespmem:$0x19C80] =	vst v63  }
0xb4: {  	s26 =	sld [smem:$0x7EC]  }
0xb5: {  	[tilespmem:s30], [sflag:$0x3] =	stream.indirect.gather [hbm4b:s3+s12], $0x20, s23, s12, $0xb8;
	[tilespmem:$0x19C80] =	vst v63  }
0xb6: {  	s30 =	sld [smem:$0x7EB]  }
0xb7: {  	s23 =	sld [smem:$0x7F7]  }
0xb8: {  	[tilespmem:s22], [sflag:$0x3] =	stream.indirect.gather [hbm4b:s3+s10], $0x20, s31, s10, $0xb8;
	[tilespmem:$0x19C80] =	vst v63  }
0xb9: {  	s31 =	sld [smem:$0x7EF]  }
0xba: {  	s22 =	sld [smem:$0x7F5]  }
0xbb: {  	[tilespmem:s26], [sflag:$0x3] =	stream.indirect.gather [hbm4b:s3+s12], $0x20, s30, s12, $0xb8;
	[tilespmem:$0x19C80] =	vst v63  }
0xbc: {  	s30 =	sld [smem:$0x7F0]  }
0xbd: {  	s26 =	sld [smem:$0x7F9]  }
0xbe: {  	[tilespmem:s31], [sflag:$0x3] =	stream.indirect.gather [hbm4b:s3+s10], $0x20, s28, s10, $0xb8;
	[tilespmem:$0x19C80] =	vst v63  }
0xbf: {  	s31 =	sld [smem:$0x7F3]  }
0xc0: {  	s28 =	sld [smem:$0x7FB]  }
0xc1: {  	[tilespmem:s29], [sflag:$0x3] =	stream.indirect.gather [hbm4b:s3+s12], $0x20, s30, s12, $0xb8;
	[tilespmem:$0x19C80] =	vst v63  }
0xc2: {  	s30 =	sld [smem:$0x7F6]  }
0xc3: {  	s29 =	sld [smem:$0x7FD]  }
0xc4: {  	[tilespmem:s22], [sflag:$0x3] =	stream.indirect.gather [hbm4b:s3+s10], $0x20, s31, s10, $0xb8;
	[tilespmem:$0x19C80] =	vst v63  }
0xc5: {  	s31 =	sld [smem:$0x7F8]  }
0xc6: {  	[tilespmem:s23], [sflag:$0x3] =	stream.indirect.gather [hbm4b:s3+s12], $0x20, s30, s12, $0xb8;
	[tilespmem:$0x19C80] =	vst v63  }
0xc7: {  	s30 =	sld [smem:$0x7FA]  }
0xc8: {  	[tilespmem:s26], [sflag:$0x3] =	stream.indirect.gather [hbm4b:s3+s10], $0x20, s31, s10, $0xb8;
	[tilespmem:$0x19C80] =	vst v63  }
0xc9: {  	s31 =	sld [smem:$0x7FC]  }
0xca: {  	[tilespmem:s28], [sflag:$0x3] =	stream.indirect.gather [hbm4b:s3+s12], $0x20, s30, s12, $0xb8;
	[tilespmem:$0x19C80] =	vst v63  }
0xcb: {  	_ = 	snop  }
0xcc: {  	[tilespmem:s29], [sflag:$0x3] =	stream.indirect.gather [hbm4b:s3+s10], $0x20, s31, s10, $0xb8;
	[tilespmem:$0x19C80] =	vst v63  }
0xcd: {  	_ = 	snop  }
0xce: {  	[tilespmem:s8], [sflag:$0x3] =	stream.indirect.gather [hbm4b:s3+s12], $0x20, s6, s12, $0xb8;
	[tilespmem:$0x19C80] =	vst v63  }
0xcf: {  	_ = 	snop  }
0xd0: {  	[tilespmem:s17], [sflag:$0x3] =	stream.indirect.gather [hbm4b:s3+s10], $0x20, s16, s10, $0xb8;
	[tilespmem:$0x19C80] =	vst v63  }
0xd1: {  	_ = 	snop  }
0xd2: {  	[tilespmem:s19], [sflag:$0x3] =	stream.indirect.gather [hbm4b:s3+s12], $0x20, s18, s12, $0xb8;
	[tilespmem:$0x19C80] =	vst v63  }
0xd3: {  	_ = 	snop  }
0xd4: {  	[tilespmem:s21], [sflag:$0x3] =	stream.indirect.gather [hbm4b:s3+s10], $0x20, s20, s10, $0xb8;
	[tilespmem:$0x19C80] =	vst v63  }
0xd5: {  	_ = 	snop  }
0xd6: {  	[tilespmem:s25], [sflag:$0x3] =	stream.indirect.gather [hbm4b:s3+s12], $0x20, s24, s12, $0xb8;
	[tilespmem:$0x19C80] =	vst v63  }
0xd7: {  	_ =	swait.ge [sflag:s13], $0xD00  }
0xd8: {  	[sflag:s13] =	ssyncset.done $0x0  }
0xd9: {  	[sflag:s13] =	ssyncadd.s32 $0xFFFFF300  }
0xda: {  	_ =	swait.ge [sflag:s13], $0xC00  }
0xdb: {  	[sflag:s13] =	ssyncset.done $0x0  }
0xdc: {  	[sflag:s13] =	ssyncadd.s32 $0xFFFFF400  }
0xdd: {  	_ =	swait.ge [sflag:s13], $0xD00  }
0xde: {  	[sflag:s13] =	ssyncset.done $0x0  }
0xdf: {  	[sflag:s13] =	ssyncadd.s32 $0xFFFFF300  }
0xe0: {  	_ =	swait.ge [sflag:s13], $0xC00  }
0xe1: {  	[sflag:s13] =	ssyncset.done $0x0  }
0xe2: {  	[sflag:s13] =	ssyncadd.s32 $0xFFFFF400  }
0xe3: {  	_ =	swait.ge [sflag:s13], $0xD00  }
0xe4: {  	[sflag:s13] =	ssyncset.done $0x0  }
0xe5: {  	[sflag:s13] =	ssyncadd.s32 $0xFFFFF300  }
0xe6: {  	_ =	swait.ge [sflag:s13], $0xC00  }
0xe7: {  	[sflag:s13] =	ssyncset.done $0x0  }
0xe8: {  	[sflag:s13] =	ssyncadd.s32 $0xFFFFF400  }
0xe9: {  	_ =	swait.ge [sflag:s13], $0xD00  }
0xea: {  	[sflag:s13] =	ssyncset.done $0x0  }
0xeb: {  	[sflag:s13] =	ssyncadd.s32 $0xFFFFF300  }
0xec: {  	_ =	swait.ge [sflag:s13], $0xC00  }
0xed: {  	[sflag:s13] =	ssyncset.done $0x0  }
0xee: {  	[sflag:s13] =	ssyncadd.s32 $0xFFFFF400  }
0xef: {  	s7 =	smov.u32 s1;
	_ =	swait.ge [sflag:s13], $0xD00  }
0xf0: {  	s30 =	smov.u32 s1;
	s31 =	simm.s32 $0x190;
	[sflag:s13] =	ssyncset.done $0x0  }
.LBB2_2:
0xf1: {  	[sflag:s13] =	ssyncadd.s32 $0xFFFFF300  }
0xf2: {  	_ =	swait.ge [sflag:s13], $0xC00  }
0xf3: {  	[sflag:s13] =	ssyncset.done $0x0  }
0xf4: {  	[sflag:s13] =	ssyncadd.s32 $0xFFFFF400  }
0xf5: {  	_ =	swait.ge [sflag:s13], $0xD00  }
0xf6: {  	[sflag:s13] =	ssyncset.done $0x0  }
0xf7: {  	[sflag:s13] =	ssyncadd.s32 $0xFFFFF300  }
0xf8: {  	_ =	swait.ge [sflag:s13], $0xC00  }
0xf9: {  	[sflag:s13] =	ssyncset.done $0x0  }
0xfa: {  	[sflag:s13] =	ssyncadd.s32 $0xFFFFF400  }
0xfb: {  	_ =	swait.ge [sflag:s13], $0xD00  }
0xfc: {  	[sflag:s13] =	ssyncset.done $0x0  }
0xfd: {  	[sflag:s13] =	ssyncadd.s32 $0xFFFFF300  }
0xfe: {  	_ =	swait.ge [sflag:s13], $0xC00  }
0xff: {  	[sflag:s13] =	ssyncset.done $0x0  }
0x100: {  	[sflag:s13] =	ssyncadd.s32 $0xFFFFF400  }
0x101: {  	_ =	swait.ge [sflag:s13], $0xD00  }
0x102: {  	[sflag:s13] =	ssyncset.done $0x0  }
0x103: {  	[sflag:s13] =	ssyncadd.s32 $0xFFFFF300  }
0x104: {  	_ =	swait.ge [sflag:s13], $0xC00  }
0x105: {  	s5 =	smov.u32 s31;
	s0 =	sadd.s32 @!p1 $0x258, s0;
	[sflag:s13] =	ssyncset.done $0x0  }
0x106: {  	s6 =	simm.s32 @!p1 $0x640;
	p2 =	seq.s32 s5, $0x0;
	[sflag:s13] =	ssyncadd.s32 $0xFFFFF400  }
0x107: {  	[tilespmem:s6], [sflag:$0x2] =	stream.linear.gather @!p1 [hbm4b:s0+s4], $0x640, $0x38;
	[tilespmem:$0x19C80] =	vst v63  }
0x108: {  	s0 =	simm.s32 @!p2 $0x4  }
0x109: {  	[hbm4b:s30+s2] =	stream.linear.scatter [tilespmem:s15], [sflag:$0x5], $0xC800, $0x38;
	[tilespmem:$0x19C80] =	vst v63  }
0x10a: {  	_ =	swait.ge @!p2 [sflag:s0], $0xC800  }
0x10b: {  	[sflag:s0] =	ssyncset.done @!p2 $0x0  }
0x10c: {  	[sflag:s0] =	ssyncadd.s32 @!p2 $0xFFFF3800  }
0x10d: {  	_ =	swait.ge [sflag:s9], $0x640  }
0x10e: {  	s4 =	rddreg [dreg:$0xd]  }
0x10f: {  	s6 =	rddreg [dreg:$0xb]  }
0x110: {  	s26 =	rddreg [dreg:$0xc]  }
0x111: {  	s0 =	rddreg [dreg:$0x1a]  }
0x112: {  	s28 =	rddreg [dreg:$0x9]  }
0x113: {  	s1 =	rddreg [dreg:$0x16]  }
0x114: {  	s29 =	rddreg [dreg:$0x7]  }
0x115: {  	s8 =	rddreg [dreg:$0x12]  }
0x116: {  	s16 =	rddreg [dreg:$0xe]  }
0x117: {  	s17 =	rddreg [dreg:$0xa]  }
0x118: {  	s18 =	rddreg [dreg:$0x5]  }
0x119: {  	s19 =	rddreg [dreg:$0x4]  }
0x11a: {  	[sflag:s9] =	ssyncset.done $0x0;
	s20 =	rddreg [dreg:$0x8]  }
0x11b: {  	s21 =	rddreg [dreg:$0x6];
	[sflag:s9] =	ssyncadd.s32 $0xFFFFF9C0  }
0x11c: {  	[tilespmem:s11], [sflag:$0x3] =	stream.indirect.gather [hbm4b:s3+s10], $0x20, s2, s10, $0xb8;
	[tilespmem:$0x19C80] =	vst v63  }
0x11d: {  	s22 =	rddreg [dreg:$0x10]  }
0x11e: {  	[tilespmem:s19], [sflag:$0x3] =	stream.indirect.gather [hbm4b:s3+s12], $0x20, s10, s12, $0xb8;
	[tilespmem:$0x19C80] =	vst v63  }
0x11f: {  	s23 =	rddreg [dreg:$0xf]  }
0x120: {  	[tilespmem:s21], [sflag:$0x3] =	stream.indirect.gather [hbm4b:s3+s10], $0x20, s18, s10, $0xb8;
	[tilespmem:$0x19C80] =	vst v63  }
0x121: {  	s19 =	rddreg [dreg:$0x11]  }
0x122: {  	[tilespmem:s20], [sflag:$0x3] =	stream.indirect.gather [hbm4b:s3+s12], $0x20, s29, s12, $0xb8;
	[tilespmem:$0x19C80] =	vst v63  }
0x123: {  	s18 =	rddreg [dreg:$0x14]  }
0x124: {  	[tilespmem:s17], [sflag:$0x3] =	stream.indirect.gather [hbm4b:s3+s10], $0x20, s28, s10, $0xb8;
	[tilespmem:$0x19C80] =	vst v63  }
0x125: {  	s21 =	rddreg [dreg:$0x17]  }
0x126: {  	[tilespmem:s26], [sflag:$0x3] =	stream.indirect.gather [hbm4b:s3+s12], $0x20, s6, s12, $0xb8;
	[tilespmem:$0x19C80] =	vst v63  }
0x127: {  	s29 =	rddreg [dreg:$0x13]  }
0x128: {  	[tilespmem:s16], [sflag:$0x3] =	stream.indirect.gather [hbm4b:s3+s10], $0x20, s4, s10, $0xb8;
	[tilespmem:$0x19C80] =	vst v63  }
0x129: {  	s17 =	rddreg [dreg:$0x15]  }
0x12a: {  	[tilespmem:s22], [sflag:$0x3] =	stream.indirect.gather [hbm4b:s3+s12], $0x20, s23, s12, $0xb8;
	[tilespmem:$0x19C80] =	vst v63  }
0x12b: {  	s28 =	rddreg [dreg:$0x1c]  }
0x12c: {  	[tilespmem:s8], [sflag:$0x3] =	stream.indirect.gather [hbm4b:s3+s10], $0x20, s19, s10, $0xb8;
	[tilespmem:$0x19C80] =	vst v63  }
0x12d: {  	s6 =	rddreg [dreg:$0x18]  }
0x12e: {  	[tilespmem:s18], [sflag:$0x3] =	stream.indirect.gather [hbm4b:s3+s12], $0x20, s29, s12, $0xb8;
	[tilespmem:$0x19C80] =	vst v63  }
0x12f: {  	s23 =	rddreg [dreg:$0x19]  }
0x130: {  	[tilespmem:s1], [sflag:$0x3] =	stream.indirect.gather [hbm4b:s3+s10], $0x20, s17, s10, $0xb8;
	[tilespmem:$0x19C80] =	vst v63  }
0x131: {  	s19 =	rddreg [dreg:$0x1e]  }
0x132: {  	[tilespmem:s6], [sflag:$0x3] =	stream.indirect.gather [hbm4b:s3+s12], $0x20, s21, s12, $0xb8;
	[tilespmem:$0x19C80] =	vst v63  }
0x133: {  	s29 =	rddreg [dreg:$0x1b]  }
0x134: {  	[tilespmem:s0], [sflag:$0x3] =	stream.indirect.gather [hbm4b:s3+s10], $0x20, s23, s10, $0xb8;
	[tilespmem:$0x19C80] =	vst v63  }
0x135: {  	s17 =	rddreg [dreg:$0x1d]  }
0x136: {  	[tilespmem:s28], [sflag:$0x3] =	stream.indirect.gather [hbm4b:s3+s12], $0x20, s29, s12, $0xb8;
	[tilespmem:$0x19C80] =	vst v63  }
0x137: {  	s21 =	sld [smem:$0x7E5]  }
0x138: {  	[tilespmem:s19], [sflag:$0x3] =	stream.indirect.gather [hbm4b:s3+s10], $0x20, s17, s10, $0xb8;
	[tilespmem:$0x19C80] =	vst v63  }
0x139: {  	s20 =	rddreg [dreg:$0x1f]  }
0x13a: {  	[tilespmem:s21], [sflag:$0x3] =	stream.indirect.gather [hbm4b:s3+s12], $0x20, s20, s12, $0xb8;
	[tilespmem:$0x19C80] =	vst v63  }
0x13b: {  	_ =	swait.ge [sflag:s13], $0xD00  }
0x13c: {  	[sflag:s13] =	ssyncset.done $0x0  }
0x13d: {  	[sflag:s13] =	ssyncadd.s32 $0xFFFFF300  }
0x13e: {  	_ =	swait.ge [sflag:s13], $0xC00  }
0x13f: {  	[sflag:s13] =	ssyncset.done $0x0  }
0x140: {  	[sflag:s13] =	ssyncadd.s32 $0xFFFFF400  }
0x141: {  	_ =	swait.ge [sflag:s13], $0xD00  }
0x142: {  	[sflag:s13] =	ssyncset.done $0x0  }
0x143: {  	[sflag:s13] =	ssyncadd.s32 $0xFFFFF300  }
0x144: {  	_ =	swait.ge [sflag:s13], $0xC00  }
0x145: {  	[sflag:s13] =	ssyncset.done $0x0  }
0x146: {  	[sflag:s13] =	ssyncadd.s32 $0xFFFFF400  }
0x147: {  	_ =	swait.ge [sflag:s13], $0xD00  }
0x148: {  	[sflag:s13] =	ssyncset.done $0x0  }
0x149: {  	[sflag:s13] =	ssyncadd.s32 $0xFFFFF300  }
0x14a: {  	_ =	swait.ge [sflag:s13], $0xC00  }
0x14b: {  	[sflag:s13] =	ssyncset.done $0x0  }
0x14c: {  	[sflag:s13] =	ssyncadd.s32 $0xFFFFF400  }
0x14d: {  	_ =	swait.ge [sflag:s13], $0xD00  }
0x14e: {  	[sflag:s13] =	ssyncset.done $0x0  }
0x14f: {  	[sflag:s13] =	ssyncadd.s32 $0xFFFFF300  }
0x150: {  	_ =	swait.ge [sflag:s13], $0xC00  }
0x151: {  	[sflag:s13] =	ssyncset.done $0x0  }
0x152: {  	[sflag:s13] =	ssyncadd.s32 $0xFFFFF400  }
0x153: {  	_ =	swait.ge [sflag:s13], $0xD00  }
0x154: {  	[sflag:s13] =	ssyncset.done $0x0  }
0x155: {  	[sflag:s13] =	ssyncadd.s32 $0xFFFFF300  }
0x156: {  	_ =	swait.ge [sflag:s13], $0xC00  }
0x157: {  	[sflag:s13] =	ssyncset.done $0x0  }
0x158: {  	[sflag:s13] =	ssyncadd.s32 $0xFFFFF400  }
0x159: {  	_ =	swait.ge [sflag:s13], $0xD00  }
0x15a: {  	[sflag:s13] =	ssyncset.done $0x0  }
0x15b: {  	[sflag:s13] =	ssyncadd.s32 $0xFFFFF300  }
0x15c: {  	_ =	swait.ge [sflag:s13], $0xC00  }
0x15d: {  	[sflag:s13] =	ssyncset.done $0x0  }
0x15e: {  	[sflag:s13] =	ssyncadd.s32 $0xFFFFF400  }
0x15f: {  	_ =	swait.ge [sflag:s13], $0xD00  }
0x160: {  	[sflag:s13] =	ssyncset.done $0x0  }
0x161: {  	[sflag:s13] =	ssyncadd.s32 $0xFFFFF300  }
0x162: {  	_ =	swait.ge [sflag:s13], $0xC00  }
0x163: {  	[sflag:s13] =	ssyncset.done $0x0  }
0x164: {  	[sflag:s13] =	ssyncadd.s32 $0xFFFFF400  }
0x165: {  	_ =	swait.ge [sflag:s13], $0xD00  }
0x166: {  	[sflag:s13] =	ssyncset.done $0x0  }
0x167: {  	[sflag:s13] =	ssyncadd.s32 $0xFFFFF300  }
0x168: {  	_ =	swait.ge [sflag:s13], $0xC00  }
0x169: {  	p1 =	seq.s32 s5, $0xAF0;
	s0 =	rddreg [dreg:$0x3]  }
0x16a: {  	s7 =	sadd.s32 $0x3200, s7;
	[sflag:s13] =	ssyncset.done $0x0;
	s0 =	sadd.s32 @!p1 s5, s0  }
0x16b: {  	s4 =	simm.s32 @!p1 $0x0;
	[sflag:s13] =	ssyncadd.s32 $0xFFFFF400;
	s1 =	sadd.s32 @!p1 $0x190, s0  }
0x16c: {  	[tilespmem:s4], [sflag:$0x1] =	stream.linear.gather @!p1 [hbm4b:s1+s4], $0x640, $0x38;
	[tilespmem:$0x19C80] =	vst v63  }
0x16d: {  	s22 =	sadd.s32 $0xFFFFE700, s7;
	s5 =	simm.s32 @!p2 $0x5  }
0x16e: {  	[hbm4b:s22+s2] =	stream.linear.scatter [tilespmem:s11], [sflag:$0x4], $0xC800, $0x38;
	[tilespmem:$0x19C80] =	vst v63  }
0x16f: {  	_ =	swait.ge @!p2 [sflag:s5], $0xC800  }
0x170: {  	[sflag:s5] =	ssyncset.done @!p2 $0x0  }
0x171: {  	[sflag:s5] =	ssyncadd.s32 @!p2 $0xFFFF3800  }
0x172: {  	_ =	swait.ge [sflag:s14], $0x640  }
0x173: {  	s1 =	sld [smem:$0x7ED]  }
0x174: {  	s5 =	sld [smem:$0x7FD]  }
0x175: {  	s6 =	sld [smem:$0x7FB]  }
0x176: {  	s8 =	sld [smem:$0x7F5]  }
0x177: {  	s16 =	sld [smem:$0x7F9]  }
0x178: {  	s17 =	sld [smem:$0x7F7]  }
0x179: {  	s18 =	sld [smem:$0x7EF]  }
0x17a: {  	s19 =	sld [smem:$0x7E9]  }
0x17b: {  	s20 =	sld [smem:$0x7E8]  }
0x17c: {  	[sflag:s14] =	ssyncset.done $0x0;
	s23 =	sld [smem:$0x7E6]  }
0x17d: {  	s26 =	simm.s32 $0x640;
	s28 =	sld [smem:$0x7E7];
	[sflag:s14] =	ssyncadd.s32 $0xFFFFF9C0  }
0x17e: {  	[tilespmem:s15], [sflag:$0x3] =	stream.indirect.gather [hbm4b:s3+s10], $0x20, s26, s10, $0xb8;
	[tilespmem:$0x19C80] =	vst v63  }
0x17f: {  	s29 =	sld [smem:$0x7EC]  }
0x180: {  	[tilespmem:s28], [sflag:$0x3] =	stream.indirect.gather [hbm4b:s3+s12], $0x20, s23, s12, $0xb8;
	[tilespmem:$0x19C80] =	vst v63  }
0x181: {  	s22 =	sld [smem:$0x7EB]  }
0x182: {  	[tilespmem:s19], [sflag:$0x3] =	stream.indirect.gather [hbm4b:s3+s10], $0x20, s20, s10, $0xb8;
	[tilespmem:$0x19C80] =	vst v63  }
0x183: {  	s28 =	sld [smem:$0x7F2]  }
0x184: {  	[tilespmem:s29], [sflag:$0x3] =	stream.indirect.gather [hbm4b:s3+s12], $0x20, s22, s12, $0xb8;
	[tilespmem:$0x19C80] =	vst v63  }
0x185: {  	s29 =	sld [smem:$0x7F0]  }
0x186: {  	[tilespmem:s18], [sflag:$0x3] =	stream.indirect.gather [hbm4b:s3+s10], $0x20, s1, s10, $0xb8;
	[tilespmem:$0x19C80] =	vst v63  }
0x187: {  	s18 =	sld [smem:$0x7F3]  }
0x188: {  	[tilespmem:s28], [sflag:$0x3] =	stream.indirect.gather [hbm4b:s3+s12], $0x20, s29, s12, $0xb8;
	[tilespmem:$0x19C80] =	vst v63  }
0x189: {  	s22 =	sld [smem:$0x7F6]  }
0x18a: {  	[tilespmem:s8], [sflag:$0x3] =	stream.indirect.gather [hbm4b:s3+s10], $0x20, s18, s10, $0xb8;
	[tilespmem:$0x19C80] =	vst v63  }
0x18b: {  	s23 =	sld [smem:$0x7F8]  }
0x18c: {  	[tilespmem:s17], [sflag:$0x3] =	stream.indirect.gather [hbm4b:s3+s12], $0x20, s22, s12, $0xb8;
	[tilespmem:$0x19C80] =	vst v63  }
0x18d: {  	s28 =	sld [smem:$0x7FA]  }
0x18e: {  	[tilespmem:s16], [sflag:$0x3] =	stream.indirect.gather [hbm4b:s3+s10], $0x20, s23, s10, $0xb8;
	[tilespmem:$0x19C80] =	vst v63  }
0x18f: {  	s29 =	sld [smem:$0x7FC]  }
0x190: {  	[tilespmem:s6], [sflag:$0x3] =	stream.indirect.gather [hbm4b:s3+s12], $0x20, s28, s12, $0xb8;
	[tilespmem:$0x19C80] =	vst v63  }
0x191: {  	_ = 	snop  }
0x192: {  	[tilespmem:s5], [sflag:$0x3] =	stream.indirect.gather [hbm4b:s3+s10], $0x20, s29, s10, $0xb8;
	[tilespmem:$0x19C80] =	vst v63  }
0x193: {  	s8 =	simm.s32 $0x15E80;
	s6 =	simm.s32 $0xA90  }
0x194: {  	[tilespmem:s8], [sflag:$0x3] =	stream.indirect.gather [hbm4b:s3+s12], $0x20, s6, s12, $0xb8;
	[tilespmem:$0x19C80] =	vst v63  }
0x195: {  	s17 =	simm.s32 $0x16A80;
	s16 =	simm.s32 $0xAF0  }
0x196: {  	[tilespmem:s17], [sflag:$0x3] =	stream.indirect.gather [hbm4b:s3+s10], $0x20, s16, s10, $0xb8;
	[tilespmem:$0x19C80] =	vst v63  }
0x197: {  	s19 =	simm.s32 $0x17780;
	s18 =	simm.s32 $0xB58  }
0x198: {  	[tilespmem:s19], [sflag:$0x3] =	stream.indirect.gather [hbm4b:s3+s12], $0x20, s18, s12, $0xb8;
	[tilespmem:$0x19C80] =	vst v63  }
0x199: {  	s21 =	simm.s32 $0x18380;
	s20 =	simm.s32 $0xBB8  }
0x19a: {  	[tilespmem:s21], [sflag:$0x3] =	stream.indirect.gather [hbm4b:s3+s10], $0x20, s20, s10, $0xb8;
	[tilespmem:$0x19C80] =	vst v63  }
0x19b: {  	_ = 	snop  }
0x19c: {  	[tilespmem:s25], [sflag:$0x3] =	stream.indirect.gather [hbm4b:s3+s12], $0x20, s24, s12, $0xb8;
	[tilespmem:$0x19C80] =	vst v63  }
0x19d: {  	_ =	swait.ge [sflag:s13], $0xD00  }
0x19e: {  	[sflag:s13] =	ssyncset.done $0x0  }
0x19f: {  	[sflag:s13] =	ssyncadd.s32 $0xFFFFF300  }
0x1a0: {  	_ =	swait.ge [sflag:s13], $0xC00  }
0x1a1: {  	[sflag:s13] =	ssyncset.done $0x0  }
0x1a2: {  	[sflag:s13] =	ssyncadd.s32 $0xFFFFF400  }
0x1a3: {  	_ =	swait.ge [sflag:s13], $0xD00  }
0x1a4: {  	[sflag:s13] =	ssyncset.done $0x0  }
0x1a5: {  	[sflag:s13] =	ssyncadd.s32 $0xFFFFF300  }
0x1a6: {  	_ =	swait.ge [sflag:s13], $0xC00  }
0x1a7: {  	[sflag:s13] =	ssyncset.done $0x0  }
0x1a8: {  	[sflag:s13] =	ssyncadd.s32 $0xFFFFF400  }
0x1a9: {  	_ =	swait.ge [sflag:s13], $0xD00  }
0x1aa: {  	[sflag:s13] =	ssyncset.done $0x0  }
0x1ab: {  	[sflag:s13] =	ssyncadd.s32 $0xFFFFF300  }
0x1ac: {  	_ =	swait.ge [sflag:s13], $0xC00  }
0x1ad: {  	[sflag:s13] =	ssyncset.done $0x0  }
0x1ae: {  	[sflag:s13] =	ssyncadd.s32 $0xFFFFF400  }
0x1af: {  	_ =	swait.ge [sflag:s13], $0xD00  }
0x1b0: {  	s31 =	sadd.s32 $0x190, s31;
	[sflag:s13] =	ssyncset.done $0x0  }
0x1b1: {  	p0 =	sne.s32 s31, $0xC80;
	[sflag:s13] =	ssyncadd.s32 $0xFFFFF300  }
.Ltmp0:
0x1b2: {  	_ =	swait.ge [sflag:s13], $0xC00;
	(pc) =	sbr.rel @p0 .LBB2_2-.Ltmp0, $4  }
0x1b3: {  	[sflag:s13] =	ssyncset.done $0x0  }
0x1b4: {  	[sflag:s13] =	ssyncadd.s32 $0xFFFFF400  }
0x1b5: {  	_ =	swait.ge [sflag:s13], $0xD00  }
0x1b6: {  	s30 =	smov.u32 s7;
	[sflag:s13] =	ssyncset.done $0x0  }
0x1b7: {  	[sflag:s13] =	ssyncadd.s32 $0xFFFFF300  }
0x1b8: {  	_ =	swait.ge [sflag:s13], $0xC00  }
0x1b9: {  	[sflag:s13] =	ssyncset.done $0x0  }
0x1ba: {  	[sflag:s13] =	ssyncadd.s32 $0xFFFFF400  }
0x1bb: {  	_ =	swait.ge [sflag:s13], $0xD00  }
0x1bc: {  	[sflag:s13] =	ssyncset.done $0x0  }
0x1bd: {  	[sflag:s13] =	ssyncadd.s32 $0xFFFFF300  }
0x1be: {  	_ =	swait.ge [sflag:s13], $0xC00  }
0x1bf: {  	[sflag:s13] =	ssyncset.done $0x0  }
0x1c0: {  	[sflag:s13] =	ssyncadd.s32 $0xFFFFF400  }
0x1c1: {  	_ =	swait.ge [sflag:s13], $0xD00  }
0x1c2: {  	[sflag:s13] =	ssyncset.done $0x0  }
0x1c3: {  	[sflag:s13] =	ssyncadd.s32 $0xFFFFF300  }
0x1c4: {  	_ =	swait.ge [sflag:s13], $0xC00  }
0x1c5: {  	[sflag:s13] =	ssyncset.done $0x0  }
0x1c6: {  	[sflag:s13] =	ssyncadd.s32 $0xFFFFF400  }
0x1c7: {  	_ =	swait.ge [sflag:s13], $0xD00  }
0x1c8: {  	[sflag:s13] =	ssyncset.done $0x0  }
0x1c9: {  	[sflag:s13] =	ssyncadd.s32 $0xFFFFF300  }
0x1ca: {  	_ =	swait.ge [sflag:s13], $0xC00  }
0x1cb: {  	[sflag:s13] =	ssyncset.done $0x0  }
0x1cc: {  	s0 =	sadd.s32 @!p1 $0x258, s0;
	s1 =	simm.s32 @!p1 $0x640;
	[sflag:s13] =	ssyncadd.s32 $0xFFFFF400  }
0x1cd: {  	[tilespmem:s1], [sflag:$0x2] =	stream.linear.gather @!p1 [hbm4b:s0+s4], $0x640, $0x38;
	[tilespmem:$0x19C80] =	vst v63  }
0x1ce: {  	s28 =	simm.s32 $0x4  }
0x1cf: {  	[hbm4b:s30+s2] =	stream.linear.scatter [tilespmem:s15], [sflag:$0x5], $0xC800, $0x38;
	[tilespmem:$0x19C80] =	vst v63  }
0x1d0: {  	_ =	swait.ge [sflag:s28], $0xC800  }
0x1d1: {  	[sflag:s28] =	ssyncset.done $0x0  }
0x1d2: {  	s29 =	simm.s32 $0x5;
	[sflag:s28] =	ssyncadd.s32 $0xFFFF3800  }
0x1d3: {  	_ =	swait.ge [sflag:s29], $0xC800  }
0x1d4: {  	s30 =	sld [smem:$0x7E4]  }
0x1d5: {  	s31 =	sld [smem:$0x7F1];
	_ =	sdelay $0x1  }
0x1d6: {  	s4 =	sadd.s32 $0x1, s30  }
0x1d7: {  	p0 =	sne.s32 s4, s31  }
.Ltmp1:
0x1d8: {  	_ = 	snop;
	(pc) =	sbr.rel @p0 .LBB2_1-.Ltmp1, $3  }
0x1d9: {  	_ =	sdelay $0x1  }
0x1da: {  	[sflag:s29] =	ssyncset.done $0x0  }
0x1db: {  	[sflag:s29] =	ssyncadd.s32 $0xFFFF3800  }
0x1dc: {  	_ =	sfence.sel $0x180000  }
0x1dd: {  	[bflag:$0x0] =	sbarrier.arrive $0xFFFF  }
0x1de: {  	_ =	strace $0x9000004A  }
0x1df: {  	s0 =	stileid.u32;
	[bflag:$0x2] =	sbarrier.arrive $0xFFFF  }
0x1e0: {  	p0 =	sne.s32 s0, $0x0;
	s0 =	rddreg [dreg:$0x2]  }
0x1e1: {  	s0 =	sadd.s32 @!p0 $0x100000, s0  }
0x1e2: {  	[sflag:s0] =	ssyncadd.tile.s32 @!p0 $0x1;
	_ =	shalt  }
.Lfunc_end2:
_tile_overlayer_lowered:
.L_overlay_start_2:
0x1e3: {  	(tag) =	ssettag $0x2  }
0x1e4: {  	s0 =	rddreg [dreg:$0x0];
	s2 =	stileid.u32  }
0x1e5: {  	s1 =	rddreg [dreg:$0x1];
	p0 =	sne.s32 s2, $0x0  }
0x1e6: {  	s3 =	rddreg [dreg:$0x2];
	[bflag:$0x3] =	sbarrier.arrive $0xFFFF;
	s2 =	simm.s32 @!p0 $0x1C06  }
0x1e7: {  	[timem:s3], [sflag:s2] =	dma.local @!p0 [hbm:s0], s1  }
0x1e8: {  	s0 =	simm.s32 @!p0 $0x6  }
0x1e9: {  	_ =	swait.ge @!p0 [sflag:s0], s1  }
0x1ea: {  	s1 =	ssub.s32 @!p0 $0x0, s1;
	[sflag:s0] =	ssyncset.done @!p0 $0x0  }
0x1eb: {  	[sflag:s0] =	ssyncadd.s32 @!p0 s1  }
0x1ec: {  	[bflag:$0x3] =	sbarrier.arrive $0xFFFF  }
0x1ed: {  	_ =	shalt  }

// kernel: sparse-core-data-format-call.1.cloned.1.call-start
scs
called_computation.1_lowered:
.L_overlay_start_0:
0x0: {  	s1 =	sld [smem:$0x3FD9]  }
0x1: {  	s2 =	sld [smem:$0x3FFE];
	_ =	sdelay $0x1  }
0x2: {  	s3 =	srdreg.scid  }
0x3: {  	s0 =	sand.u32 $0x1, s3  }
0x4: {  	s17 =	sshll.u32 s0, $0xA;
	s1 =	sadd.s32 s2, s1  }
0x5: {  	s1 =	sadd.s32 s1, s17  }
0x6: {  	[smem:$0x3FC4] =	sst s1  }
0x7: {  	_ = 	snop  }
0x8: {  	(tm) =	ssettm $0x1  }
0x9: {  	s18 =	sld [smem:$0x3FFB];
	_ =	sdelay $0x3  }
0xa: {  	_ =	strace s18  }
0xb: {  	s1 =	sld [smem:$0x3FFC];
	_ =	sdelay $0x3  }
0xc: {  	_ =	strace s1  }
0xd: {  	s1 =	sld [smem:$0x3FFD];
	_ =	sdelay $0x3  }
0xe: {  	_ =	strace s1  }
0xf: {  	_ =	strace $0x8FFFFFFF  }
0x10: {  	s19 =	sld [smem:$0x3FDB];
	_ =	sdelay $0x1  }
0x11: {  	s20 =	simm.s32 $_scs_section_size  }
0x12: {  	s4 =	simm.s32 $_size__tile_overlayer_lowered;
	s5 =	simm.s32 $_tile_overlayer_lowered  }
0x13: {  	s23 =	simm.s32 $0x1BFF;
	s22 =	sshll.u32 s5, $0x1;
	s1 =	sadd.s32 s20, s19  }
0x14: {  	s6 =	simm.s32 $0x0;
	s21 =	sshll.u32 s4, $0x1;
	s4 =	sadd.s32 s22, s1  }
0x15: {  	[timem:s6], [sflag:s23] =	dma.local [hbm:s4], s21  }
0x16: {  	_ =	swait.ge [sflag:s23], s21  }
0x17: {  	s2 =	ssub.s32 $0x0, s21;
	[sflag:s23] =	ssyncset.done $0x0  }
0x18: {  	[sflag:s23] =	ssyncadd.s32 s2;
	_ =	sdelay $0x1  }
0x19: {  	s24 =	simm.s32 $0x1B8B  }
0x1a: {  	_ =	swait.ge [sflag:s24], $0x1  }
0x1b: {  	[sflag:s24] =	ssyncset.done $0x0  }
0x1c: {  	s26 =	simm.s32 $0x1B8E;
	s25 =	sld [smem:$0x3FFE];
	[sflag:s24] =	ssyncadd.s32 $0xFFFFFFFF  }
0x1d: {  	s27 =	simm.s32 $execute0_lowered;
	[smem:$0x3FD2] =	sst s26  }
0x1e: {  	s4 =	sshll.u32 s27, $0x1;
	_ =	strace $0x80000046;
	[dreg:$0x1] =	wrdreg $0xFFFFFFFF  }
0x1f: {  	s28 =	simm.s32 $_size_execute0_lowered;
	s1 =	sadd.s32 s1, s4;
	[dreg:$0x0] =	wrdreg $0x0  }
0x20: {  	s4 =	sshll.u32 s28, $0x1;
	[dreg:$0x2] =	wrdreg s1  }
0x21: {  	[dreg:$0x3] =	wrdreg s4  }
0x22: {  	[dreg:$0x4] =	wrdreg $0xC0  }
0x23: {  	_ =	task [dreg:s6], $0x5FFFF  }
0x24: {  	[dreg:$0x1] =	wrdreg $0xFFFFFFFF  }
0x25: {  	[dreg:$0x0] =	wrdreg $0x60  }
0x26: {  	[dreg:$0x2] =	wrdreg s25  }
0x27: {  	[dreg:$0x3] =	wrdreg $0x9  }
0x28: {  	_ =	task.clear_ibuf [dreg:s6], $0x4FFFF;
	_ =	strace $0x90000046  }
0x29: {  	s29 =	simm.s32 $0x9;
	_ =	strace $0x80000048  }
0x2a: {  	_ =	swait.ge [sflag:s29], $0x1  }
0x2b: {  	[sflag:s29] =	ssyncadd.s32 $0xFFFFFFFF  }
0x2c: {  	_ =	strace $0x90000048  }
0x2d: {  	_ =	sfence  }
0x2e: {  	s30 =	sld [smem:$0x0];
	_ =	sdelay $0x2  }
0x2f: {  	s31 =	sshll.u32 s3, $0xD;
	s3 =	sshrl.u32 s3, $0x2  }
0x30: {  	s2 =	sand.u32 $0x4000, s31;
	s1 =	sadd.s32 s3, s30  }
0x31: {  	s0 =	sor.u32 s2, s0;
	s1 =	sshll.u32 s1, $0x11  }
0x32: {  	s0 =	sor.u32 s1, s0  }
0x33: {  	s0 =	sadd.s32 $0x8F2B, s0  }
0x34: {  	[sflag:s0] =	ssyncadd.remote.s32 $0x1  }
0x35: {  	_ =	sfence.sel $0xFFFF  }
0x36: {  	[dreg:$0x0] =	wrdreg $0xFFFFFFFF;
	(pc) =	sbr.abs _section_cstart, $3  }
0x37: {  	[dreg:$0x1] =	wrdreg $0xFFFFFFFF  }
0x38: {  	_ =	task.clear_ibuf [dreg:s6], $0x2FFFF;
	_ =	strace $0x9FFFFFFF  }
0x39: {  	(tm) =	ssettm $0x7FFFFFFF  }
tec
execute0_lowered:
.L_overlay_start_1:
0x0: {  	(tag) =	ssettag $0x1  }
0x1: {  	s0 =	srdreg.scid  }
0x2: {  	s5 =	rddreg [dreg:$0x0];
	s1 =	stileid.u32;
	s4 =	simm.s32 $0x1  }
0x3: {  	s6 =	simm.s32 $0x2;
	s8 =	simm.s32 $0x0;
	s2 =	sshll.u32 s0, $0x4  }
0x4: {  	s9 =	simm.s32 $0x0;
	s13 =	simm.s32 $0x0;
	s2 =	sand.u32 $0x10, s2  }
.Ltmp0:
0x5: {  	s10 =	simm.s32 $0x0;
	s3 =	sor.u32 s1, s2;
	(pc) =	sbr.rel .LBB1_1-.Ltmp0, $4  }
0x6: {  	s0 =	rddreg [dreg:$0x1];
	_ =	strace $0x80000047;
	s3 =	sshll.u32 s3, $0x4  }
0x7: {  	s12 =	simm.s32 $0x0;
	[sflag:s4] =	ssyncpa.u1 $0x0;
	s7 =	ssub.s32 $0x7A10, s3  }
0x8: {  	s2 =	sadd.s32 $0x1200, s5;
	[sflag:s6] =	ssyncpa.u1 $0x0;
	s6 =	sshrl.u32 s7, $0x9  }
0x9: {  	s5 =	sadd.s32 $0x3D1C00, s5;
	s11 =	smov.u32 s3;
	s7 =	sor.u32 $0x2, s6  }
.LBB1_7:
0xa: {  	s15 =	sshll.u32 s12, $0xF  }
0xb: {  	s15 =	sand.u32 $0x8000, s15  }
0xc: {  	s16 =	sshll.u32 s10, $0x7;
	s15 =	sshrl.u32 s15, $0x1  }
0xd: {  	s16 =	sadd.s32 s5, s16;
	s15 =	sor.u32 $0x8000, s15  }
0xe: {  	[hbm4b:s16+s8] =	stream.linear.scatter [tilespmem:s15], [sflag:$0x2], s14, $0x38;
	[tilespmem:$0x10000] =	vst v63  }
.LBB1_8:
0xf: {  	p0 =	slt.u32 s12, $0x2  }
0x10: {  	p1 =	sgt.s32 @!p0 s13, $0x7A02  }
0x11: {  	s14 =	smov.u32 s13;
	s15 =	sshra.s32 @!p0 s13, $0x1F;
	p1 =	por !p1, p0  }
0x12: {  	s13 =	sand.u32 @!p0 s15, s13;
	s14 =	simm.s32 @p1 $0x7A02  }
0x13: {  	s13 =	ssub.s32 @!p0 s14, s13  }
0x14: {  	s13 =	sadd.s32 @!p0 $0xFFFF85FE, s13  }
0x15: {  	s14 =	sshll.u32 @!p0 s13, $0xC  }
0x16: {  	p1 =	sgt.s32 @!p0 s13, $0xF;
	s13 =	ssub.s32 @!p0 $0x10000, s14  }
0x17: {  	s15 =	sadd.s32 $0x200, s11;
	p1 =	por !p1, p0;
	s13 =	sshrl.u32 @!p0 s13, $0x2  }
0x18: {  	s13 =	simm.s32 @!p1 $0x0;
	p1 =	sgt.s32 s15, $0x7A11  }
0x19: {  	s15 =	smov.u32 @p1 s3;
	p1 =	sne.s32 s12, s7  }
.Ltmp1:
0x1a: {  	_ = 	snop;
	(pc) =	sbr.rel @!p1 .LBB1_9-.Ltmp1, $4  }
0x1b: {  	s14 =	simm.s32 @!p0 $0x2  }
0x1c: {  	s9 =	sadd.s32 $0x8000, s9;
	_ =	swait.ge @!p0 [sflag:s14], s13;
	s16 =	ssub.s32 @!p0 $0x0, s13  }
0x1d: {  	s13 =	smov.u32 s10;
	s12 =	sadd.s32 $0x1, s12;
	[sflag:s14] =	ssyncset.done @!p0 $0x0  }
0x1e: {  	s10 =	smov.u32 s11;
	s11 =	smov.u32 s15;
	[sflag:s14] =	ssyncadd.s32 @!p0 s16  }
.LBB1_1:
0x1f: {  	p0 =	sgt.u32 s12, s6  }
0x20: {  	p1 =	sgt.s32 @!p0 s11, $0x7A02  }
0x21: {  	s14 =	smov.u32 s11;
	s15 =	sshra.s32 @!p0 s11, $0x1F;
	p1 =	por !p1, p0  }
0x22: {  	s15 =	sand.u32 @!p0 s15, s11;
	s14 =	simm.s32 @p1 $0x7A02  }
0x23: {  	s14 =	ssub.s32 @!p0 s14, s15  }
0x24: {  	s14 =	sadd.s32 @!p0 $0xFFFF85FE, s14  }
0x25: {  	s16 =	sshll.u32 @!p0 s11, $0x7;
	s17 =	simm.s32 @!p0 $0x0;
	s15 =	sshll.u32 @!p0 s14, $0xC  }
0x26: {  	p1 =	sgt.s32 @!p0 s14, $0xF;
	s14 =	ssub.s32 @!p0 $0x10000, s15;
	s15 =	sxor.u32 @!p0 $0xFFFFFFFF, s12  }
0x27: {  	p1 =	por !p1, p0;
	s14 =	sshrl.u32 @!p0 s14, $0x2;
	s15 =	sshll.u32 @!p0 s15, $0xE  }
0x28: {  	s16 =	sadd.s32 @!p0 s2, s16;
	s14 =	simm.s32 @!p1 $0x0;
	s15 =	sand.u32 @!p0 $0x4000, s15  }
0x29: {  	[tilespmem:s15], [sflag:$0x1] =	stream.linear.gather @!p0 [hbm4b:s16+s17], s14, $0x38;
	[tilespmem:$0x10000] =	vst v63  }
0x2a: {  	p0 =	seq.s32 s12, $0x0  }
0x2b: {  	p1 =	sge.u32 @!p0 s12, s7  }
0x2c: {  	p0 =	por p0, p1  }
.Ltmp2:
0x2d: {  	_ = 	snop;
	(pc) =	sbr.rel @p0 .LBB1_8-.Ltmp2, $1  }
0x2e: {  	_ =	sdelay $0x3  }
0x2f: {  	p0 =	sgt.s32 s10, $0x7A02;
	s14 =	smov.u32 s10;
	s15 =	sshra.s32 s10, $0x1F  }
0x30: {  	s14 =	simm.s32 @!p0 $0x7A02;
	s15 =	sand.u32 s15, s10  }
0x31: {  	s14 =	ssub.s32 s14, s15  }
0x32: {  	s16 =	sadd.s32 $0x10, s10;
	s14 =	sadd.s32 $0xFFFF85FE, s14  }
0x33: {  	p1 =	slt.s32 s16, $0x7A12;
	s30 =	sshll.u32 s14, $0xC  }
0x34: {  	s16 =	simm.s32 @!p1 $0x7A12;
	s15 =	ssub.s32 $0x10000, s30  }
0x35: {  	p0 =	sgt.s32 s14, $0xF;
	s14 =	sshrl.u32 s15, $0x2;
	s15 =	ssub.s32 s16, s10  }
0x36: {  	s14 =	simm.s32 @p0 $0x0;
	p0 =	slt.s32 s15, $0x1  }
.Ltmp3:
0x37: {  	_ = 	snop;
	(pc) =	sbr.rel @p0 .LBB1_7-.Ltmp3, $4  }
0x38: {  	_ = 	snop  }
0x39: {  	_ =	swait.ge [sflag:s4], s14  }
0x3a: {  	s31 =	ssub.s32 $0x0, s14;
	[sflag:s4] =	ssyncset.done $0x0  }
0x3b: {  	[sflag:s4] =	ssyncadd.s32 s31  }
0x3c: {  	s16 =	sshrl.u32 s9, $0x1  }
0x3d: {  	s17 =	sand.u32 $0x4000, s16  }
0x3e: {  	s18 =	simm.s32 $0x0;
	s16 =	sor.u32 $0x200, s17;
	s17 =	sor.u32 $0x8080, s17  }
.LBB1_4:
0x3f: {  	v0 =	vld [tilespmem:s16+$0xFFFFFE70]  }
0x40: {  	v1 =	vld [tilespmem:s16+$0x70]  }
0x41: {  	v2 =	vld [tilespmem:s16+$0x0]  }
0x42: {  	v3 =	vld [tilespmem:s16+$0xFFFFFE10]  }
0x43: {  	v4 =	vld [tilespmem:s16+$0x10]  }
0x44: {  	v5 =	vld [tilespmem:s16+$0xFFFFFE20]  }
0x45: {  	v7 =	vld [tilespmem:s16+$0x20]  }
0x46: {  	v11 =	vld [tilespmem:s16+$0x30];
	v6 =	vunpack.i.l.s16.s32 v0;
	v8 =	vunpack.i.u.s16.s32 v0;
	v9 =	vunpack.i.u.s16.s32 v1  }
0x47: {  	v10 =	vunpack.i.l.s16.s32 v1;
	v0 =	vunpack.i.u.s16.s32 v2;
	v1 =	vunpack.i.l.s16.s32 v2;
	v2 =	vld [tilespmem:s16+$0xFFFFFE30]  }
0x48: {  	v8 =	vpack.i.b32.b16 v9, v8;
	v9 =	vunpack.i.u.s16.s32 v3;
	v3 =	vunpack.i.l.s16.s32 v3  }
0x49: {  	v12 =	vld [tilespmem:s16+$0xFFFFFE40];
	v6 =	vpack.i.b32.b16 v10, v6;
	[tilespmem:s17+$0x70] =	vst v8;
	v8 =	vunpack.i.u.s16.s32 v4;
	v4 =	vunpack.i.l.s16.s32 v4  }
0x4a: {  	v13 =	vld [tilespmem:s16+$0x40];
	v10 =	vunpack.i.u.s16.s32 v5;
	v5 =	vunpack.i.l.s16.s32 v5;
	[tilespmem:s17+$0xFFFFFFF0] =	vst v6;
	v3 =	vpack.i.b32.b16 v4, v3  }
0x4b: {  	v6 =	vunpack.i.l.s16.s32 v7;
	v4 =	vld [tilespmem:s16+$0xFFFFFE50];
	[tilespmem:s17+$0xFFFFFF90] =	vst v3;
	v3 =	vpack.i.b32.b16 v8, v9;
	v8 =	vunpack.i.u.s16.s32 v7  }
0x4c: {  	v7 =	vunpack.i.l.s16.s32 v11;
	[tilespmem:s17+$0x10] =	vst v3;
	v3 =	vpack.i.b32.b16 v6, v5;
	v9 =	vunpack.i.u.s16.s32 v2;
	v6 =	vld [tilespmem:s16+$0x50]  }
0x4d: {  	v5 =	vunpack.i.l.s16.s32 v2;
	v2 =	vld [tilespmem:s16+$0xFFFFFE60];
	[tilespmem:s17+$0xFFFFFFA0] =	vst v3;
	v3 =	vpack.i.b32.b16 v8, v10;
	v10 =	vunpack.i.u.s16.s32 v11  }
0x4e: {  	s21 =	simm.s32 $0x0;
	v11 =	vpack.i.b32.b16 v7, v5;
	v7 =	vunpack.i.u.s16.s32 v12;
	v8 =	vunpack.i.l.s16.s32 v12;
	[tilespmem:s17+$0x20] =	vst v3;
	v3 =	vld [tilespmem:s16+$0x60]  }
0x4f: {  	s22 =	sadd.s32 $0x80, s16;
	s20 =	smov.u32 s17;
	s19 =	smov.u32 s17;
	v5 =	vld [tilespmem:s16+$0xFFFFFE00];
	[tilespmem:s17+$0xFFFFFFB0] =	vst v11;
	v10 =	vpack.i.b32.b16 v10, v9;
	v9 =	vunpack.i.u.s16.s32 v13;
	v11 =	vunpack.i.l.s16.s32 v13  }
.LBB1_5:
0x50: {  	v12 =	vld [tilespmem:s22+$0xFFFFFE70];
	[tilespmem:s20+$0x30] =	vst v10;
	v8 =	vpack.i.b32.b16 v11, v8;
	v10 =	vunpack.i.u.s16.s32 v4;
	v4 =	vunpack.i.l.s16.s32 v4  }
0x51: {  	s21 =	sadd.s32 $0x2, s21;
	v7 =	vpack.i.b32.b16 v9, v7;
	v11 =	vld [tilespmem:s22+$0x70];
	[tilespmem:s20+$0xFFFFFFC0] =	vst v8;
	v8 =	vunpack.i.u.s16.s32 v6;
	v6 =	vunpack.i.l.s16.s32 v6  }
0x52: {  	p0 =	slt.u32 s21, $0x6;
	v9 =	vld [tilespmem:s22+$0x0];
	[tilespmem:s20+$0x40] =	vst v7;
	v4 =	vpack.i.b32.b16 v6, v4;
	v6 =	vunpack.i.u.s16.s32 v2;
	v2 =	vunpack.i.l.s16.s32 v2  }
0x53: {  	v7 =	vld [tilespmem:s22+$0xFFFFFE10];
	[tilespmem:s20+$0xFFFFFFD0] =	vst v4;
	v4 =	vpack.i.b32.b16 v8, v10;
	v8 =	vunpack.i.u.s16.s32 v3;
	v3 =	vunpack.i.l.s16.s32 v3  }
0x54: {  	v10 =	vld [tilespmem:s22+$0x10];
	v13 =	vunpack.i.u.s16.s32 v5;
	v5 =	vunpack.i.l.s16.s32 v5;
	[tilespmem:s20+$0x50] =	vst v4;
	v2 =	vpack.i.b32.b16 v3, v2  }
0x55: {  	v3 =	vld [tilespmem:s22+$0xFFFFFE20];
	v4 =	vunpack.i.l.s16.s32 v12;
	v1 =	vpack.i.b32.b16 v1, v5;
	v5 =	vpack.i.b32.b16 v0, v13;
	[tilespmem:s20+$0xFFFFFFE0] =	vst v2  }
0x56: {  	v12 =	vunpack.i.u.s16.s32 v12;
	v2 =	vld [tilespmem:s22+$0x20];
	v13 =	vunpack.i.u.s16.s32 v11;
	v11 =	vunpack.i.l.s16.s32 v11;
	[tilespmem:s20+$0xFFFFFF80] =	vst v1  }
0x57: {  	s20 =	sadd.s32 $0x100, s20;
	v0 =	vunpack.i.u.s16.s32 v9;
	v1 =	vunpack.i.l.s16.s32 v9;
	v9 =	vld [tilespmem:s22+$0xFFFFFE30];
	v12 =	vpack.i.b32.b16 v13, v12;
	[tilespmem:s19+$0x0] =	vst v5  }
0x58: {  	v6 =	vpack.i.b32.b16 v8, v6;
	v5 =	vunpack.i.u.s16.s32 v7;
	v7 =	vunpack.i.l.s16.s32 v7;
	v13 =	vld [tilespmem:s22+$0x30];
	[tilespmem:s20+$0x70] =	vst v12  }
0x59: {  	v4 =	vpack.i.b32.b16 v11, v4;
	v8 =	vunpack.i.u.s16.s32 v10;
	v10 =	vunpack.i.l.s16.s32 v10;
	v12 =	vld [tilespmem:s22+$0xFFFFFE40];
	[tilespmem:s19+$0x60] =	vst v6;
	s19 =	smov.u32 s20  }
0x5a: {  	v6 =	vpack.i.b32.b16 v10, v7;
	v7 =	vunpack.i.u.s16.s32 v3;
	v3 =	vunpack.i.l.s16.s32 v3;
	v11 =	vld [tilespmem:s22+$0x40];
	[tilespmem:s20+$0xFFFFFFF0] =	vst v4  }
.Ltmp4:
0x5b: {  	v5 =	vpack.i.b32.b16 v8, v5;
	[tilespmem:s20+$0xFFFFFF90] =	vst v6;
	v8 =	vunpack.i.u.s16.s32 v2;
	v2 =	vunpack.i.l.s16.s32 v2;
	v4 =	vld [tilespmem:s22+$0xFFFFFE50];
	(pc) =	sbr.rel @p0 .LBB1_5-.Ltmp4, $4  }
0x5c: {  	[tilespmem:s20+$0x10] =	vst v5;
	v2 =	vpack.i.b32.b16 v2, v3;
	v10 =	vunpack.i.u.s16.s32 v9;
	v3 =	vunpack.i.l.s16.s32 v9;
	v6 =	vld [tilespmem:s22+$0x50]  }
0x5d: {  	v5 =	vpack.i.b32.b16 v8, v7;
	[tilespmem:s20+$0xFFFFFFA0] =	vst v2;
	v9 =	vunpack.i.u.s16.s32 v13;
	v7 =	vunpack.i.l.s16.s32 v13;
	v2 =	vld [tilespmem:s22+$0xFFFFFE60]  }
0x5e: {  	[tilespmem:s20+$0x20] =	vst v5;
	v13 =	vpack.i.b32.b16 v7, v3;
	v7 =	vunpack.i.u.s16.s32 v12;
	v8 =	vunpack.i.l.s16.s32 v12;
	v3 =	vld [tilespmem:s22+$0x60]  }
0x5f: {  	v10 =	vpack.i.b32.b16 v9, v10;
	v5 =	vld [tilespmem:s22+$0xFFFFFE00];
	[tilespmem:s20+$0xFFFFFFB0] =	vst v13;
	v9 =	vunpack.i.u.s16.s32 v11;
	v11 =	vunpack.i.l.s16.s32 v11;
	s22 =	sadd.s32 $0x80, s22  }
0x60: {  	[tilespmem:s20+$0x30] =	vst v10;
	v8 =	vpack.i.b32.b16 v11, v8  }
0x61: {  	v51 =	vunpack.i.l.s16.s32 v4;
	v7 =	vpack.i.b32.b16 v9, v7;
	[tilespmem:s20+$0xFFFFFFC0] =	vst v8;
	v52 =	vunpack.i.l.s16.s32 v6  }
0x62: {  	v53 =	vunpack.i.u.s16.s32 v4;
	s18 =	sadd.s32 $0x1, s18;
	v54 =	vunpack.i.u.s16.s32 v6;
	[tilespmem:s20+$0x40] =	vst v7;
	v55 =	vpack.i.b32.b16 v52, v51  }
0x63: {  	p0 =	sne.s32 s18, s15;
	v56 =	vunpack.i.l.s16.s32 v2;
	v4 =	vpack.i.b32.b16 v54, v53;
	[tilespmem:s20+$0xFFFFFFD0] =	vst v55;
	v57 =	vunpack.i.l.s16.s32 v3  }
.Ltmp5:
0x64: {  	[tilespmem:s20+$0x50] =	vst v4;
	v58 =	vunpack.i.l.s16.s32 v5;
	v59 =	vpack.i.b32.b16 v57, v56;
	(pc) =	sbr.rel @p0 .LBB1_4-.Ltmp5, $4  }
.Ltmp6:
0x65: {  	v61 =	vunpack.i.u.s16.s32 v2;
	v62 =	vunpack.i.u.s16.s32 v3;
	v1 =	vpack.i.b32.b16 v1, v58;
	[tilespmem:s20+$0xFFFFFFE0] =	vst v59;
	(pc) =	sbr.rel @!p0 .LBB1_7-.Ltmp6, $4  }
0x66: {  	v60 =	vunpack.i.u.s16.s32 v5;
	v63 =	vpack.i.b32.b16 v62, v61;
	[tilespmem:s20+$0xFFFFFF80] =	vst v1  }
0x67: {  	v0 =	vpack.i.b32.b16 v0, v60;
	[tilespmem:s19+$0x60] =	vst v63  }
0x68: {  	s16 =	sadd.s32 $0x400, s16;
	s17 =	sadd.s32 $0x400, s17;
	[tilespmem:s19+$0x0] =	vst v0  }
0x69: {  	_ = 	snop  }
.LBB1_9:
0x6a: {  	_ =	sfence.sel $0x180000  }
0x6b: {  	s2 =	simm.s32 $0x1;
	[bflag:$0x0] =	sbarrier.arrive $0xFFFF  }
0x6c: {  	s31 =	simm.s32 $0x2;
	[sflag:s2] =	ssyncpa.u1 $0x1  }
0x6d: {  	[sflag:s31] =	ssyncpa.u1 $0x1  }
0x6e: {  	p0 =	sne.s32 s1, $0x0;
	_ =	strace $0x90000047  }
0x6f: {  	s0 =	sadd.s32 @!p0 $0x100000, s0;
	[bflag:$0x2] =	sbarrier.arrive $0xFFFF  }
0x70: {  	[sflag:s0] =	ssyncadd.tile.s32 @!p0 $0x1;
	_ =	shalt  }
.Lfunc_end1:
_tile_overlayer_lowered:
.L_overlay_start_2:
0x71: {  	(tag) =	ssettag $0x2  }
0x72: {  	s0 =	rddreg [dreg:$0x0];
	s2 =	stileid.u32  }
0x73: {  	s1 =	rddreg [dreg:$0x1];
	p0 =	sne.s32 s2, $0x0  }
0x74: {  	s3 =	rddreg [dreg:$0x2];
	[bflag:$0x3] =	sbarrier.arrive $0xFFFF;
	s2 =	simm.s32 @!p0 $0x1C01  }
0x75: {  	[timem:s3], [sflag:s2] =	dma.local @!p0 [hbm:s0], s1  }
0x76: {  	s0 =	simm.s32 @!p0 $0x1  }
0x77: {  	_ =	swait.ge @!p0 [sflag:s0], s1  }
0x78: {  	s1 =	ssub.s32 @!p0 $0x0, s1;
	[sflag:s0] =	ssyncset.done @!p0 $0x0  }
0x79: {  	[sflag:s0] =	ssyncadd.s32 @!p0 s1  }
0x7a: {  	[bflag:$0x3] =	sbarrier.arrive $0xFFFF  }
0x7b: {  	_ =	shalt  }

// kernel: sparse-core-data-format-call.cloned.1.call-start
scs
called_computation_lowered:
.L_overlay_start_0:
0x0: {  	s2 =	sld [smem:$0x3FD9]  }
0x1: {  	s3 =	sld [smem:$0x3FFE];
	_ =	sdelay $0x1  }
0x2: {  	s1 =	srdreg.scid  }
0x3: {  	s0 =	sand.u32 $0x1, s1  }
0x4: {  	s18 =	sshll.u32 s0, $0xA;
	s2 =	sadd.s32 s3, s2  }
0x5: {  	s2 =	sadd.s32 s2, s18  }
0x6: {  	[smem:$0x3FC4] =	sst s2  }
0x7: {  	_ = 	snop  }
0x8: {  	s2 =	sld [smem:$0x3FD0];
	(tm) =	ssettm $0x1  }
0x9: {  	s19 =	sld [smem:$0x3FFB];
	_ =	sdelay $0x3  }
0xa: {  	_ =	strace s19  }
0xb: {  	s3 =	sld [smem:$0x3FFC];
	_ =	sdelay $0x3  }
0xc: {  	_ =	strace s3  }
0xd: {  	s3 =	sld [smem:$0x3FFD];
	_ =	sdelay $0x3  }
0xe: {  	_ =	strace s3  }
0xf: {  	_ =	strace $0x8FFFFFFF  }
0x10: {  	s20 =	sld [smem:$0x3FDB];
	_ =	sdelay $0x1  }
0x11: {  	s4 =	simm.s32 $_scs_section_size  }
0x12: {  	s5 =	simm.s32 $_size__tile_overlayer_lowered;
	s6 =	simm.s32 $_tile_overlayer_lowered  }
0x13: {  	s23 =	simm.s32 $0x1BFF;
	s22 =	sshll.u32 s6, $0x1;
	s3 =	sadd.s32 s4, s20  }
0x14: {  	s7 =	simm.s32 $0x0;
	s21 =	sshll.u32 s5, $0x1;
	s5 =	sadd.s32 s22, s3  }
0x15: {  	[timem:s7], [sflag:s23] =	dma.local [hbm:s5], s21  }
0x16: {  	_ =	swait.ge [sflag:s23], s21  }
0x17: {  	s4 =	ssub.s32 $0x0, s21;
	[sflag:s23] =	ssyncset.done $0x0  }
0x18: {  	[sflag:s23] =	ssyncadd.s32 s4;
	_ =	sdelay $0x1  }
0x19: {  	s24 =	simm.s32 $0x1B8B  }
0x1a: {  	_ =	swait.ge [sflag:s24], $0x1  }
0x1b: {  	[sflag:s24] =	ssyncset.done $0x0  }
0x1c: {  	s26 =	simm.s32 $0x1B8E;
	s25 =	sld [smem:$0x3FFE];
	[sflag:s24] =	ssyncadd.s32 $0xFFFFFFFF  }
0x1d: {  	s27 =	simm.s32 $execute0_lowered;
	[smem:$0x3FD2] =	sst s26  }
0x1e: {  	s5 =	sshll.u32 s27, $0x1;
	_ =	strace $0x8000004C;
	[dreg:$0x1] =	wrdreg $0xFFFFFFFF  }
0x1f: {  	s28 =	simm.s32 $_size_execute0_lowered;
	s3 =	sadd.s32 s3, s5;
	[dreg:$0x0] =	wrdreg $0x0  }
0x20: {  	s5 =	sshll.u32 s28, $0x1;
	[dreg:$0x2] =	wrdreg s3  }
0x21: {  	[dreg:$0x3] =	wrdreg s5  }
0x22: {  	[dreg:$0x4] =	wrdreg $0xC0  }
0x23: {  	_ =	task [dreg:s7], $0x5FFFF  }
0x24: {  	[dreg:$0x1] =	wrdreg $0xFFFFFFFF  }
0x25: {  	[dreg:$0x0] =	wrdreg $0x60  }
0x26: {  	[dreg:$0x2] =	wrdreg s25  }
0x27: {  	[dreg:$0x3] =	wrdreg s2  }
0x28: {  	[dreg:$0x4] =	wrdreg $0x9  }
0x29: {  	_ =	task.clear_ibuf [dreg:s7], $0x5FFFF;
	_ =	strace $0x9000004C  }
0x2a: {  	s29 =	simm.s32 $0x9;
	_ =	strace $0x8000004E  }
0x2b: {  	_ =	swait.ge [sflag:s29], $0x1  }
0x2c: {  	[sflag:s29] =	ssyncadd.s32 $0xFFFFFFFF  }
0x2d: {  	_ =	strace $0x9000004E  }
0x2e: {  	_ =	sfence  }
0x2f: {  	s30 =	sld [smem:$0x0];
	_ =	sdelay $0x2  }
0x30: {  	s31 =	sshll.u32 s1, $0xD;
	s1 =	sshrl.u32 s1, $0x2  }
0x31: {  	s3 =	sand.u32 $0x4000, s31;
	s1 =	sadd.s32 s1, s30  }
0x32: {  	s0 =	sor.u32 s3, s0;
	s1 =	sshll.u32 s1, $0x11  }
0x33: {  	s0 =	sor.u32 s1, s0  }
0x34: {  	s0 =	sadd.s32 $0x8F2B, s0  }
0x35: {  	[sflag:s0] =	ssyncadd.remote.s32 $0x1  }
0x36: {  	_ =	sfence.sel $0xFFFF  }
0x37: {  	[dreg:$0x0] =	wrdreg $0xFFFFFFFF;
	(pc) =	sbr.abs _section_cstart, $3  }
0x38: {  	[dreg:$0x1] =	wrdreg $0xFFFFFFFF  }
0x39: {  	_ =	task.clear_ibuf [dreg:s7], $0x2FFFF;
	_ =	strace $0x9FFFFFFF  }
0x3a: {  	(tm) =	ssettm $0x7FFFFFFF  }
0x3b: {  	_ =	shalt  }
tec
execute0_lowered:
.L_overlay_start_1:
0x0: {  	(tag) =	ssettag $0x1  }
0x1: {  	s0 =	srdreg.scid  }
0x2: {  	s1 =	sshll.u32 s0, $0x4  }
0x3: {  	s0 =	stileid.u32;
	s1 =	sand.u32 $0x10, s1  }
0x4: {  	s1 =	sor.u32 s0, s1  }
0x5: {  	s6 =	rddreg [dreg:$0x0];
	s4 =	simm.s32 $0x1;
	s2 =	sshll.u32 s1, $0x7  }
0x6: {  	s7 =	simm.s32 $0x2;
	s13 =	simm.s32 $0x0;
	s1 =	ssub.s32 $0x1000, s2  }
0x7: {  	s8 =	simm.s32 $0x4000;
	s12 =	simm.s32 $0x0;
	s3 =	sand.u32 $0xF80, s1  }
0x8: {  	s9 =	simm.s32 $0x0;
	s5 =	sshrl.u32 s1, $0xC;
	p0 =	sne.s32 s3, $0x0  }
.Ltmp0:
0x9: {  	s1 =	rddreg [dreg:$0x2];
	s4 =	simm.s32 @!p0 $0x0;
	(pc) =	sbr.rel .LBB1_1-.Ltmp0, $4  }
0xa: {  	s11 =	simm.s32 $0x0;
	s3 =	rddreg [dreg:$0x1];
	s5 =	sadd.s32 s4, s5  }
0xb: {  	_ =	strace $0x8000004D;
	s4 =	simm.s32 $0x1;
	s5 =	smul.u32 $0x64, s5  }
0xc: {  	s6 =	sadd.s32 $0x1200, s6;
	s10 =	smov.u32 s2;
	[sflag:s4] =	ssyncpa.u1 $0x0  }
0xd: {  	p0 =	por $0x0, $0x0;
	[sflag:s7] =	ssyncpa.u1 $0x0;
	s7 =	sor.u32 $0x1, s5  }
.LBB1_4:
0xe: {  	v1 =	vperm.xlane.i2c.b16 v1;
	v0 =	vperm.xlane.i2c.b16 v0  }
0xf: {  	v2 =	vperm.xlane.i2c.b16 v2;
	v3 =	vperm.xlane.i2c.b16 v3  }
0x10: {  	[tilespmem:s16+$0x0 ss:$0x81] =	vst.msk $0xffff, v5;
	s17 =	sshra.s32 s17, $0x2;
	s18 =	sshll.u32 s12, $0x3;
	s19 =	sshll.u32 s12, $0x1;
	v62 =	vcombine.low v0, v1  }
0x11: {  	s13 =	sshll.u32 s13, $0xE;
	s30 =	sshrl.u32 s12, $0x1;
	[tilespmem:s16+$0x1020 ss:$0x81] =	vst.msk $0xffff, v4;
	s15 =	sadd.s32 s17, s15;
	v63 =	vcombine.low v3, v2  }
0x12: {  	s31 =	sand.u32 $0x7, s12;
	s28 =	sand.u32 $0xF0, s19;
	s29 =	sand.u32 $0xC00, s18;
	v0 =	vcombine.high v0, v1;
	[tilespmem:s15+$0x810 ss:$0x81] =	vst.msk $0xffff, v62  }
0x13: {  	s17 =	sand.u32 $0x3F00, s30;
	s13 =	sadd.s32 s3, s13;
	s16 =	sor.u32 s28, s29;
	v2 =	vcombine.high v3, v2;
	[tilespmem:s15+$0x0 ss:$0x81] =	vst.msk $0xffff, v63  }
0x14: {  	s12 =	sshll.u32 s31, $0x12;
	s13 =	sadd.s32 s17, s13;
	s16 =	sshrl.u32 s16, $0x4;
	[tilespmem:s15+$0x1830 ss:$0x81] =	vst.msk $0xffff, v0  }
0x15: {  	s12 =	sor.u32 $0x200, s12;
	s13 =	sadd.s32 s16, s13;
	[tilespmem:s15+$0x1020 ss:$0x81] =	vst.msk $0xffff, v2  }
0x16: {  	[hbm4b:s13+s12] =	stream.strided.scatter [tilespmem:s14], [sflag:$0x2], $0x2000, s8, s12, $0x20;
	[tilespmem:$0x8080] =	vst v63  }
.LBB1_5:
0x17: {  	s14 =	sadd.s32 $0x2, s9  }
0x18: {  	s12 =	sadd.s32 $0x1000, s10;
	s16 =	smov.u32 s10;
	p2 =	sgt.s32 s14, $0xC7  }
0x19: {  	s16 =	smov.u32 @p2 s12  }
0x1a: {  	s14 =	simm.s32 @p2 $0x0;
	p2 =	sgt.s32 s16, $0xFFF  }
0x1b: {  	s16 =	smov.u32 @p2 s2;
	p2 =	sne.s32 s11, s7  }
.Ltmp1:
0x1c: {  	p1 =	slt.u32 s11, $0x2;
	(pc) =	sbr.rel @!p2 .LBB1_6-.Ltmp1, $4  }
0x1d: {  	s15 =	simm.s32 @!p1 $0x2  }
0x1e: {  	s13 =	smov.u32 s9;
	p0 =	por !p0, !p0;
	_ =	swait.ge @!p1 [sflag:s15], $0x2000  }
0x1f: {  	s12 =	smov.u32 s10;
	[sflag:s15] =	ssyncset.done @!p1 $0x0;
	s9 =	smov.u32 s14  }
0x20: {  	s11 =	sadd.s32 $0x1, s11;
	[sflag:s15] =	ssyncadd.s32 @!p1 $0xFFFFE000;
	s10 =	smov.u32 s16  }
.LBB1_1:
0x21: {  	p1 =	sge.u32 s11, s5  }
0x22: {  	s14 =	sand.u32 @!p1 $0x1FFFFFE, s9  }
0x23: {  	s15 =	smulhi.u32 @!p1 $0x147AE15, s14;
	_ =	sdelay $0x1  }
0x24: {  	s15 =	smul.u32 @!p1 $0xC8, s15  }
0x25: {  	s31 =	sadd.s32 $0xFFFFFFFF, s11;
	s16 =	smul.u32 @!p1 $0x640, s10  }
0x26: {  	s17 =	simm.s32 @!p1 $0x3200;
	s14 =	ssub.s32 @!p1 s14, s15;
	s15 =	sxor.u32 @!p1 $0xFFFFFFFF, s11  }
0x27: {  	s16 =	sadd.s32 @!p1 s6, s16;
	s14 =	sshll.u32 @!p1 s14, $0x3;
	s15 =	sshll.u32 @!p1 s15, $0xD  }
0x28: {  	s14 =	sadd.s32 @!p1 s14, s16;
	s15 =	sand.u32 @!p1 $0x2000, s15;
	s16 =	simm.s32 @!p1 $0x40  }
0x29: {  	[tilespmem:s15], [sflag:$0x1] =	stream.strided.gather @!p1 [hbm4b:s14+s16], $0x2000, s17, s16, $0x38;
	[tilespmem:$0x8080] =	vst v63  }
0x2a: {  	p1 =	sge.u32 s31, s5  }
.Ltmp2:
0x2b: {  	_ = 	snop;
	(pc) =	sbr.rel @p1 .LBB1_5-.Ltmp2, $1  }
0x2c: {  	_ =	sdelay $0x3  }
0x2d: {  	s14 =	simm.s32 $0x1  }
0x2e: {  	_ =	swait.ge [sflag:s4], $0x2000;
	s14 =	simm.s32 @!p0 $0x0  }
0x2f: {  	[sflag:s4] =	ssyncset.done $0x0;
	s15 =	sshll.u32 s14, $0xD  }
0x30: {  	[sflag:s4] =	ssyncadd.s32 $0xFFFFE000;
	s15 =	sor.u32 $0x20, s15  }
0x31: {  	v0 =	vld [tilespmem:s15+$0x0]  }
0x32: {  	v1 =	vld [tilespmem:s15+$0x10]  }
0x33: {  	v2 =	vld [tilespmem:s15+$0xFFFFFFF0]  }
0x34: {  	v3 =	vld [tilespmem:s15+$0xFFFFFFE0];
	_ =	sdelay $0x1  }
0x35: {  	s14 =	smul.u32 $0x8100, s14;
	s19 =	sadd.s32 $0x40, s15  }
0x36: {  	s16 =	sand.u32 $0x1, s11;
	v4 =	vperm.xlane.i2c.b16 v1;
	v5 =	vperm.xlane.i2c.b16 v0;
	v0 =	vld [tilespmem:s19+$0x0]  }
0x37: {  	s16 =	smul.u32 $0x8100, s16;
	s14 =	sshrl.u32 s14, $0x2;
	v6 =	vperm.xlane.i2c.b16 v2;
	v1 =	vld [tilespmem:s19+$0x10]  }
0x38: {  	s15 =	sor.u32 $0x4000, s14;
	v8 =	vperm.xlane.i2c.b16 v3;
	v2 =	vld [tilespmem:s19+$0xFFFFFFF0];
	v7 =	vcombine.low v5, v4  }
0x39: {  	s31 =	sshrl.u32 s16, $0x2;
	s16 =	sadd.s32 $0x0, s15;
	v3 =	vld [tilespmem:s19+$0xFFFFFFE0];
	v9 =	vcombine.high v5, v4  }
0x3a: {  	s17 =	simm.s32 $0x4;
	v5 =	vcombine.low v8, v6;
	[tilespmem:s16+$0x810 ss:$0x81] =	vst.msk $0xffff, v7  }
0x3b: {  	s18 =	simm.s32 $0x8;
	s14 =	sor.u32 $0x4000, s31;
	s19 =	sadd.s32 $0x40, s19;
	v4 =	vcombine.high v8, v6;
	[tilespmem:s16+$0x1830 ss:$0x81] =	vst.msk $0xffff, v9  }
.LBB1_3:
0x3c: {  	v6 =	vperm.xlane.i2c.b16 v1;
	v7 =	vperm.xlane.i2c.b16 v0;
	v0 =	vld [tilespmem:s19+$0x0];
	[tilespmem:s16+$0x0 ss:$0x81] =	vst.msk $0xffff, v5;
	s20 =	smov.u32 s18;
	p1 =	sne.s32 s18, $0x1FC  }
.Ltmp3:
0x3d: {  	v8 =	vperm.xlane.i2c.b16 v2;
	v1 =	vld [tilespmem:s19+$0x10];
	[tilespmem:s16+$0x1020 ss:$0x81] =	vst.msk $0xffff, v4;
	(pc) =	sbr.rel @p1 .LBB1_3-.Ltmp3, $4  }
0x3e: {  	s18 =	sadd.s32 $0x4, s18;
	v4 =	vperm.xlane.i2c.b16 v3;
	s16 =	sshra.s32 s17, $0x2;
	v2 =	vld [tilespmem:s19+$0xFFFFFFF0];
	v9 =	vcombine.low v7, v6  }
0x3f: {  	s17 =	smov.u32 s20;
	s16 =	sadd.s32 s16, s15;
	v6 =	vcombine.high v7, v6;
	v3 =	vld [tilespmem:s19+$0xFFFFFFE0]  }
0x40: {  	v5 =	vcombine.low v4, v8;
	v4 =	vcombine.high v4, v8;
	[tilespmem:s16+$0x810 ss:$0x81] =	vst.msk $0xffff, v9  }
0x41: {  	s19 =	sadd.s32 $0x40, s19;
	[tilespmem:s16+$0x1830 ss:$0x81] =	vst.msk $0xffff, v6  }
.Ltmp4:
0x42: {  	_ = 	snop;
	(pc) =	sbr.rel .LBB1_4-.Ltmp4, $1  }
0x43: {  	_ =	sdelay $0x3  }
.LBB1_6:
0x44: {  	_ =	sfence.sel $0x180000  }
0x45: {  	s2 =	simm.s32 $0x1;
	[bflag:$0x0] =	sbarrier.arrive $0xFFFF  }
0x46: {  	s31 =	simm.s32 $0x2;
	[sflag:s2] =	ssyncpa.u1 $0x1  }
0x47: {  	[sflag:s31] =	ssyncpa.u1 $0x1  }
0x48: {  	p0 =	sne.s32 s0, $0x0;
	_ =	strace $0x9000004D  }
0x49: {  	s0 =	sadd.s32 @!p0 $0x100000, s1;
	[bflag:$0x2] =	sbarrier.arrive $0xFFFF  }
0x4a: {  	[sflag:s0] =	ssyncadd.tile.s32 @!p0 $0x1;
	_ =	shalt  }
.Lfunc_end1:
_tile_overlayer_lowered:
.L_overlay_start_2:
0x4b: {  	(tag) =	ssettag $0x2  }
0x4c: {  	s0 =	rddreg [dreg:$0x0];
	s2 =	stileid.u32  }
0x4d: {  	s1 =	rddreg [dreg:$0x1];
	p0 =	sne.s32 s2, $0x0  }
0x4e: {  	s3 =	rddreg [dreg:$0x2];
	[bflag:$0x3] =	sbarrier.arrive $0xFFFF;
	s2 =	simm.s32 @!p0 $0x1C01  }
0x4f: {  	[timem:s3], [sflag:s2] =	dma.local @!p0 [hbm:s0], s1  }
0x50: {  	s0 =	simm.s32 @!p0 $0x1  }
0x51: {  	_ =	swait.ge @!p0 [sflag:s0], s1  }
0x52: {  	s1 =	ssub.s32 @!p0 $0x0, s1;
	[sflag:s0] =	ssyncset.done @!p0 $0x0  }
0x53: {  	[sflag:s0] =	ssyncadd.s32 @!p0 s1  }
0x54: {  	[bflag:$0x3] =	sbarrier.arrive $0xFFFF  }
0x55: {  	_ =	shalt  }

</sc_bundles>
